<compile_context>
chip_gen: v7x
topology: tpu7x:2x2x1
jax: 0.10.2.dev20260603
libtpu: 0.0.44.dev20260713+nightly
codegen_flags: <defaults>
</compile_context>

<pallas_src>
import jax
import jax.numpy as jnp
import numpy as np
from jax import lax
from jax.experimental import pallas as pl
from jax.experimental.pallas import tpu as pltpu
from jax.experimental.pallas import tpu_sc as plsc

N = 10000
D = 128
NP = 10112
NC = 2
NS = 16
NW = NC * NS
BATCH = 128
NBATCH = 80
EP = NW * NBATCH * BATCH
STRIPE = NP // NS


HB = NBATCH // 2


def _agg_body(src_hbm, dst_hbm, h_hbm, zrow_hbm, out_hbm,
              acc_sh, srcv, dstv, rows0, rows1, semA, semB):
    c = lax.axis_index("c")
    s = lax.axis_index("s")
    wid = c * NS + s

    pltpu.sync_copy(zrow_hbm, acc_sh.at[pl.ds(s * STRIPE, STRIPE)])
    plsc.subcore_barrier()

    for half in range(2):
        pltpu.sync_copy(src_hbm.at[wid, pl.ds(half * HB, HB)], srcv)
        pltpu.sync_copy(dst_hbm.at[wid, pl.ds(half * HB, HB)], dstv)
        pltpu.async_copy(h_hbm.at[srcv.at[0]], rows0, semA)

        def step(jj, carry):
            j0 = 2 * jj
            j1 = j0 + 1
            pltpu.async_copy(h_hbm.at[srcv.at[j1]], rows1, semB)
            pltpu.make_async_copy(h_hbm.at[srcv.at[j0]], rows0, semA).wait()
            pltpu.sync_copy(rows0, acc_sh.at[dstv.at[j0]], add=True)

            @pl.when(j0 + 2 < HB)
            def _():
                pltpu.async_copy(h_hbm.at[srcv.at[j0 + 2]], rows0, semA)

            pltpu.make_async_copy(h_hbm.at[srcv.at[j1]], rows1, semB).wait()
            pltpu.sync_copy(rows1, acc_sh.at[dstv.at[j1]], add=True)
            return carry

        lax.fori_loop(0, HB // 2, step, 0)
    plsc.subcore_barrier()

    pltpu.sync_copy(acc_sh.at[pl.ds(s * STRIPE, STRIPE)],
                    out_hbm.at[pl.ds(c * NP + s * STRIPE, STRIPE)])


_agg = pl.kernel(
    _agg_body,
    out_type=jax.ShapeDtypeStruct((NC * NP, D), jnp.float32),
    mesh=plsc.VectorSubcoreMesh(core_axis_name="c", subcore_axis_name="s"),
    scratch_types=[
        pltpu.VMEM_SHARED((NP, D), jnp.float32),
        pltpu.VMEM((HB, BATCH), jnp.int32),
        pltpu.VMEM((HB, BATCH), jnp.int32),
        pltpu.VMEM((BATCH, D), jnp.float32),
        pltpu.VMEM((BATCH, D), jnp.float32),
        pltpu.SemaphoreType.DMA,
        pltpu.SemaphoreType.DMA,
    ],
)


def _agg_cnt_body(src_hbm, dst_hbm, h_hbm, zrow_hbm, zc_hbm, out_hbm,
                  cnt_hbm, acc_sh, cnt_sh, srcv, dstv, rows0, rows1, onesv,
                  semA, semB, semC):
    c = lax.axis_index("c")
    s = lax.axis_index("s")
    wid = c * NS + s

    pltpu.sync_copy(zrow_hbm, acc_sh.at[pl.ds(s * STRIPE, STRIPE)])

    @pl.when(s == 0)
    def _():
        pltpu.sync_copy(zc_hbm, cnt_sh)

    def fill(i, carry):
        onesv[pl.ds(i * 16, 16)] = jnp.ones((16,), jnp.float32)
        return carry

    lax.fori_loop(0, BATCH // 16, fill, 0)
    plsc.subcore_barrier()

    for half in range(2):
        pltpu.sync_copy(src_hbm.at[wid, pl.ds(half * HB, HB)], srcv)
        pltpu.sync_copy(dst_hbm.at[wid, pl.ds(half * HB, HB)], dstv)
        pltpu.async_copy(h_hbm.at[srcv.at[0]], rows0, semA)

        def step(jj, carry):
            j0 = 2 * jj
            j1 = j0 + 1
            dc0 = pltpu.async_copy(onesv, cnt_sh.at[dstv.at[j0]], semC,
                                   add=True)
            dc1 = pltpu.async_copy(onesv, cnt_sh.at[dstv.at[j1]], semC,
                                   add=True)
            pltpu.async_copy(h_hbm.at[srcv.at[j1]], rows1, semB)
            pltpu.make_async_copy(h_hbm.at[srcv.at[j0]], rows0, semA).wait()
            pltpu.sync_copy(rows0, acc_sh.at[dstv.at[j0]], add=True)

            @pl.when(j0 + 2 < HB)
            def _():
                pltpu.async_copy(h_hbm.at[srcv.at[j0 + 2]], rows0, semA)

            pltpu.make_async_copy(h_hbm.at[srcv.at[j1]], rows1, semB).wait()
            pltpu.sync_copy(rows1, acc_sh.at[dstv.at[j1]], add=True)
            dc0.wait()
            dc1.wait()
            return carry

        lax.fori_loop(0, HB // 2, step, 0)
    plsc.subcore_barrier()

    pltpu.sync_copy(acc_sh.at[pl.ds(s * STRIPE, STRIPE)],
                    out_hbm.at[pl.ds(c * NP + s * STRIPE, STRIPE)])

    @pl.when(s == 1)
    def _():
        pltpu.sync_copy(cnt_sh, cnt_hbm.at[pl.ds(c * NP, NP)])


_agg_cnt = pl.kernel(
    _agg_cnt_body,
    out_type=(jax.ShapeDtypeStruct((NC * NP, D), jnp.float32),
              jax.ShapeDtypeStruct((NC * NP,), jnp.float32)),
    mesh=plsc.VectorSubcoreMesh(core_axis_name="c", subcore_axis_name="s"),
    scratch_types=[
        pltpu.VMEM_SHARED((NP, D), jnp.float32),
        pltpu.VMEM_SHARED((NP,), jnp.float32),
        pltpu.VMEM((HB, BATCH), jnp.int32),
        pltpu.VMEM((HB, BATCH), jnp.int32),
        pltpu.VMEM((BATCH, D), jnp.float32),
        pltpu.VMEM((BATCH, D), jnp.float32),
        pltpu.VMEM((BATCH,), jnp.float32),
        pltpu.SemaphoreType.DMA,
        pltpu.SemaphoreType.DMA,
        pltpu.SemaphoreType.DMA,
    ],
)


def _dense_body(acc_ref, cnt_ref, h_ref, wl_ref, wr_ref, b_ref, g_ref,
                be_ref, out_ref):
    msum = acc_ref[:N, :] + acc_ref[NP:NP + N, :]
    mean = msum * (1.0 / jnp.maximum(cnt_ref[:, 0:1], 1.0))
    t = (jnp.dot(mean, wl_ref[:], preferred_element_type=jnp.float32)
         + jnp.dot(h_ref[:], wr_ref[:], preferred_element_type=jnp.float32)
         + b_ref[:])
    mu = jnp.mean(t, axis=0, keepdims=True)
    var = jnp.mean((t - mu) * (t - mu), axis=0, keepdims=True)
    y = (t - mu) * lax.rsqrt(var + 1e-5) * g_ref[:] + be_ref[:]
    out_ref[:] = jnp.maximum(y, 0.0)


_dense = pl.pallas_call(
    _dense_body,
    out_shape=jax.ShapeDtypeStruct((N, D), jnp.float32),
)


def _dense_mlp_body(acc_ref, cnt_ref, h_ref, wl_ref, wr_ref, b_ref, g_ref,
                    be_ref, h1_ref, w1a_ref, w1b_ref, w1c_ref, bc1_ref,
                    w2_ref, bc2_ref, out_ref):
    msum = acc_ref[:N, :] + acc_ref[NP:NP + N, :]
    mean = msum * (1.0 / jnp.maximum(cnt_ref[:, 0:1], 1.0))
    t = (jnp.dot(mean, wl_ref[:], preferred_element_type=jnp.float32)
         + jnp.dot(h_ref[:], wr_ref[:], preferred_element_type=jnp.float32)
         + b_ref[:])
    mu = jnp.mean(t, axis=0, keepdims=True)
    var = jnp.mean((t - mu) * (t - mu), axis=0, keepdims=True)
    y = (t - mu) * lax.rsqrt(var + 1e-5) * g_ref[:] + be_ref[:]
    h3 = jnp.maximum(y, 0.0)
    z = (jnp.dot(h1_ref[:], w1a_ref[:], preferred_element_type=jnp.float32)
         + jnp.dot(h_ref[:], w1b_ref[:], preferred_element_type=jnp.float32)
         + jnp.dot(h3, w1c_ref[:], preferred_element_type=jnp.float32)
         + bc1_ref[:])
    z = jnp.maximum(z, 0.0)
    out_ref[:] = (jnp.dot(z, w2_ref[:], preferred_element_type=jnp.float32)
                  + bc2_ref[:])


_dense_mlp = pl.pallas_call(
    _dense_mlp_body,
    out_shape=jax.ShapeDtypeStruct((N, 2), jnp.float32),
)

_AR = np.arange(EP - 320000, dtype=np.int32)
_PSRC = (_AR % N).reshape(-1, BATCH)
_PDST = (N + (_AR % 16)).reshape(-1, BATCH).astype(np.int32)


def kernel(x, edge_index, Wl0, Wr0, b0, g0, be0, Wl1, Wr1, b1, g1, be1,
           Wl2, Wr2, b2, g2, be2, Wc1, bc1, Wc2, bc2):
    src = edge_index[0]
    dst = edge_index[1]
    E = src.shape[0]
    src_p = jnp.concatenate([src.reshape(E // BATCH, BATCH), _PSRC],
                            axis=0).reshape(NW, NBATCH, BATCH)
    dst_p = jnp.concatenate([dst.reshape(E // BATCH, BATCH), _PDST],
                            axis=0).reshape(NW, NBATCH, BATCH)

    zrow = jnp.zeros((STRIPE, D), jnp.float32)
    zc = jnp.zeros((NP,), jnp.float32)

    acc0, cnt1d = _agg_cnt(src_p, dst_p, x, zrow, zc)
    cnt = jnp.broadcast_to((cnt1d[:N] + cnt1d[NP:NP + N])[:, None], (N, 16))

    b0r, g0r, be0r = b0[None, :], g0[None, :], be0[None, :]
    b1r, g1r, be1r = b1[None, :], g1[None, :], be1[None, :]
    b2r, g2r, be2r = b2[None, :], g2[None, :], be2[None, :]

    h1 = _dense(acc0, cnt, x, Wl0, Wr0, b0r, g0r, be0r)
    acc1 = _agg(src_p, dst_p, h1, zrow)
    h2 = _dense(acc1, cnt, h1, Wl1, Wr1, b1r, g1r, be1r)
    acc2 = _agg(src_p, dst_p, h2, zrow)

    w1a, w1b, w1c = Wc1[:128], Wc1[128:256], Wc1[256:]
    return _dense_mlp(acc2, cnt, h2, Wl2, Wr2, b2r, g2r, be2r,
                      h1, w1a, w1b, w1c, bc1[None, :], Wc2, bc2[None, :])

# --- scband reference (transcript-rebuilt; emitter-appended) ---
"""Pipeline reference for scband-graph-sage-17575006175717 (READ-ONLY COPY).

The authoritative reference and input builder live on the scoring server;
editing this copy changes nothing except your own understanding.
"""

import jax, jax.numpy as jnp
import numpy as np

N = 10000
E = 320000
D = 128
H = 128

def sage_layer(x, src, dst, Wl, Wr, b):
    msum = jax.ops.segment_sum(jnp.take(x, src, axis=0), dst, num_segments=N)
    cnt = jax.ops.segment_sum(jnp.ones((src.shape[0],), dtype=x.dtype), dst, num_segments=N)
    mean = msum / jnp.clip(cnt, 1.0)[:, None]
    return mean @ Wl + x @ Wr + b

def bn(x, g, b, eps=1e-5):
    mu = jnp.mean(x, axis=0)
    var = jnp.var(x, axis=0)
    return (x - mu) / jnp.sqrt(var + eps) * g + b

def setup_inputs(seed: int = 0):
    key = jax.random.key(seed)
    ks = jax.random.split(key, 24)
    inp = {}
    inp['x'] = jax.random.normal(ks[0], (N, D), dtype=jnp.float32)
    inp['edge_index'] = jax.random.randint(ks[1], (2, E), 0, N, dtype=jnp.int32)
    i = 2
    for l in range(3):
        din = D if l == 0 else H
        s = 1.0 / np.sqrt(din)
        inp[f'Wl{l}'] = jax.random.normal(ks[i], (din, H), dtype=jnp.float32) * s; i += 1
        inp[f'Wr{l}'] = jax.random.normal(ks[i], (din, H), dtype=jnp.float32) * s; i += 1
        inp[f'b{l}'] = jnp.zeros((H,), dtype=jnp.float32)
        inp[f'g{l}'] = jnp.ones((H,), dtype=jnp.float32)
        inp[f'be{l}'] = jnp.zeros((H,), dtype=jnp.float32)
    inp['Wc1'] = jax.random.normal(ks[i], (3 * H, H // 2), dtype=jnp.float32) * (1.0 / np.sqrt(3 * H)); i += 1
    inp['bc1'] = jnp.zeros((H // 2,), dtype=jnp.float32)
    inp['Wc2'] = jax.random.normal(ks[i], (H // 2, 2), dtype=jnp.float32) * (1.0 / np.sqrt(H // 2)); i += 1
    inp['bc2'] = jnp.zeros((2,), dtype=jnp.float32)
    return inp

def reference(x, edge_index, Wl0, Wr0, b0, g0, be0, Wl1, Wr1, b1, g1, be1, Wl2, Wr2, b2, g2, be2, Wc1, bc1, Wc2, bc2):
    src = edge_index[0]
    dst = edge_index[1]
    outs = []
    h = x
    for (Wl, Wr, bb, gg, bbe) in [(Wl0, Wr0, b0, g0, be0), (Wl1, Wr1, b1, g1, be1), (Wl2, Wr2, b2, g2, be2)]:
        h = sage_layer(h, src, dst, Wl, Wr, bb)
        h = bn(h, gg, bbe)
        h = jax.nn.relu(h)
        outs.append(h)
    z = jnp.concatenate(outs, axis=1)
    z = jax.nn.relu(z @ Wc1 + bc1)
    return z @ Wc2 + bc2

if __name__ == "__main__":
    import jax
    _d = setup_inputs()
    print(jax.jit(kernel)(*tuple(_d.values())))

</pallas_src>

<mosaic_0001>
#map = affine_map<(d0, d1) -> (0, 0, 0)>
#map1 = affine_map<(d0, d1) -> (0, 0)>
#map2 = affine_map<(d0, d1) -> (0)>
module attributes {stable_mosaic.version = 14 : i64} {
  func.func @_agg_cnt_body(%arg0: i32, %arg1: i32, %arg2: memref<32x80x128xi32, #tpu.memory_space<hbm>>, %arg3: memref<32x80x128xi32, #tpu.memory_space<hbm>>, %arg4: memref<10000x128xf32, #tpu.memory_space<hbm>>, %arg5: memref<632x128xf32, #tpu.memory_space<hbm>>, %arg6: memref<10112xf32, #tpu.memory_space<hbm>>, %arg7: memref<20224x128xf32, #tpu.memory_space<hbm>>, %arg8: memref<20224xf32, #tpu.memory_space<hbm>>, %arg9: memref<10112x128xf32, #tpu.memory_space<vmem_shared>>, %arg10: memref<10112xf32, #tpu.memory_space<vmem_shared>>, %arg11: memref<40x128xi32, #tpu.memory_space<vmem>>, %arg12: memref<40x128xi32, #tpu.memory_space<vmem>>, %arg13: memref<128x128xf32, #tpu.memory_space<vmem>>, %arg14: memref<128x128xf32, #tpu.memory_space<vmem>>, %arg15: memref<128xf32, #tpu.memory_space<vmem>>, %arg16: memref<!tpu.dma_semaphore, #tpu.memory_space<semaphore_mem>>, %arg17: memref<!tpu.dma_semaphore, #tpu.memory_space<semaphore_mem>>, %arg18: memref<!tpu.dma_semaphore, #tpu.memory_space<semaphore_mem>>) attributes {dimension_semantics = [#tpu.dimension_semantics<core_parallel>, #tpu.dimension_semantics<subcore_parallel>], iteration_bounds = array<i64: 2, 16>, scalar_prefetch = 0 : i64, scratch_operands = 10 : i64, tpu.core_type = #tpu.core_type<sc_vector_subcore>, window_params = [{transform_indices = #map}, {transform_indices = #map}, {transform_indices = #map1}, {transform_indices = #map1}, {transform_indices = #map2}, {transform_indices = #map1}, {transform_indices = #map2}]} {
    %mul3A = arith.constant 16 : i32
    %mul3A_0 = arith.muli %arg0, %mul3A : i32
    %add3A = arith.addi %mul3A_0, %arg1 : i32
    %mul3A_1 = arith.constant 632 : i32
    %mul3A_2 = arith.muli %arg1, %mul3A_1 : i32
    "tpu.region"() ({
      %run_scoped3A = tpu.sem_alloc : memref<!tpu.dma_semaphore, #tpu.memory_space<semaphore_mem>>
      %dma_start3A_48 = arith.constant 0 : i32
      %dma_start3A_49 = tpu.memref_slice %arg9[%mul3A_2, %dma_start3A_48] : memref<10112x128xf32, #tpu.memory_space<vmem_shared>> -> memref<632x128xf32, #tpu.memory_space<vmem_shared>>
      tpu.enqueue_dma source(%arg5 : memref<632x128xf32, #tpu.memory_space<hbm>>) target(%dma_start3A_49 : memref<632x128xf32, #tpu.memory_space<vmem_shared>>) target_semaphore(%run_scoped3A : memref<!tpu.dma_semaphore, #tpu.memory_space<semaphore_mem>>)
      %dma_wait3A = arith.constant 0 : i32
      %dma_wait3A_50 = tpu.memref_slice %arg9[%mul3A_2, %dma_wait3A] : memref<10112x128xf32, #tpu.memory_space<vmem_shared>> -> memref<632x128xf32, #tpu.memory_space<vmem_shared>>
      tpu.wait_dma2 semaphore(%run_scoped3A : memref<!tpu.dma_semaphore, #tpu.memory_space<semaphore_mem>>) src(%arg5 : memref<632x128xf32, #tpu.memory_space<hbm>>) dst(%dma_wait3A_50 : memref<632x128xf32, #tpu.memory_space<vmem_shared>>)
      tpu.yield
    }) : () -> ()
    %eq3A = arith.constant 0 : i32
    %eq3A_3 = arith.cmpi eq, %arg1, %eq3A : i32
    %convert_element_type3A = arith.extui %eq3A_3 : i1 to i32
    %cond3A = arith.constant 0 : i32
    %cond3A_4 = arith.cmpi ne, %convert_element_type3A, %cond3A : i32
    scf.if %cond3A_4 {
      "tpu.region"() ({
        %run_scoped3A = tpu.sem_alloc : memref<!tpu.dma_semaphore, #tpu.memory_space<semaphore_mem>>
        tpu.enqueue_dma source(%arg6 : memref<10112xf32, #tpu.memory_space<hbm>>) target(%arg10 : memref<10112xf32, #tpu.memory_space<vmem_shared>>) target_semaphore(%run_scoped3A : memref<!tpu.dma_semaphore, #tpu.memory_space<semaphore_mem>>)
        tpu.wait_dma2 semaphore(%run_scoped3A : memref<!tpu.dma_semaphore, #tpu.memory_space<semaphore_mem>>) src(%arg6 : memref<10112xf32, #tpu.memory_space<hbm>>) dst(%arg10 : memref<10112xf32, #tpu.memory_space<vmem_shared>>)
        tpu.yield
      }) : () -> ()
    } else {
    }
    %scan3A = arith.constant 0 : i32
    %scan3A_5 = arith.constant 0 : i32
    %scan3A_6 = arith.constant 8 : i32
    %scan3A_7 = arith.addi %scan3A_5, %scan3A_6 : i32
    %scan3A_8 = arith.constant 1 : i32
    scf.for %scan3A_48 = %scan3A_5 to %scan3A_7 step %scan3A_8  : i32 {
      %broadcast_in_dim3A = arith.constant 1.000000e+00 : f32
      %broadcast_in_dim3A_49 = vector.broadcast %broadcast_in_dim3A : f32 to vector<16xf32>
      %mul3A_50 = arith.constant 16 : i32
      %mul3A_51 = arith.muli %scan3A_48, %mul3A_50 : i32
      %swap3A = arith.index_cast %mul3A_51 : i32 to index
      %swap3A_52 = tpu.vector_load %arg15[%swap3A] {strides = array<i32>} : memref<128xf32, #tpu.memory_space<vmem>>, vector<16xf32>,
      %swap3A_53 = vector.shape_cast %swap3A_52 : vector<16xf32> to vector<16xf32>
      %swap3A_54 = vector.shape_cast %broadcast_in_dim3A_49 : vector<16xf32> to vector<16xf32>
      tpu.vector_store %arg15[%swap3A], %swap3A_54 {strides = array<i32>} : memref<128xf32, #tpu.memory_space<vmem>>, vector<16xf32>,
    }
    %scan3A_9 = arith.constant 8 : i32
    %barrier3A = arith.constant 0 : index
    tpu.barrier barrier_id(%barrier3A)
    "tpu.region"() ({
      %run_scoped3A = tpu.sem_alloc : memref<!tpu.dma_semaphore, #tpu.memory_space<semaphore_mem>>
      %dma_start3A_48 = arith.constant 0 : i32
      %dma_start3A_49 = arith.constant 0 : i32
      %dma_start3A_50 = tpu.memref_slice %arg2[%add3A, %dma_start3A_48, %dma_start3A_49] : memref<32x80x128xi32, #tpu.memory_space<hbm>> -> memref<1x40x128xi32, #tpu.memory_space<hbm>>
      %dma_start3A_51 = tpu.memref_squeeze %dma_start3A_50 : memref<1x40x128xi32, #tpu.memory_space<hbm>> -> memref<40x128xi32, #tpu.memory_space<hbm>>
      %dma_start3A_52 = arith.constant 0 : i32
      %dma_start3A_53 = arith.constant 0 : i32
      %dma_start3A_54 = tpu.memref_slice %arg2[%add3A, %dma_start3A_52, %dma_start3A_53] : memref<32x80x128xi32, #tpu.memory_space<hbm>> -> memref<1x40x128xi32, #tpu.memory_space<hbm>>
      %dma_start3A_55 = tpu.memref_squeeze %dma_start3A_54 : memref<1x40x128xi32, #tpu.memory_space<hbm>> -> memref<40x128xi32, #tpu.memory_space<hbm>>
      tpu.enqueue_dma source(%dma_start3A_55 : memref<40x128xi32, #tpu.memory_space<hbm>>) target(%arg11 : memref<40x128xi32, #tpu.memory_space<vmem>>) target_semaphore(%run_scoped3A : memref<!tpu.dma_semaphore, #tpu.memory_space<semaphore_mem>>)
      %dma_wait3A = arith.constant 0 : i32
      %dma_wait3A_56 = arith.constant 0 : i32
      %dma_wait3A_57 = tpu.memref_slice %arg2[%add3A, %dma_wait3A, %dma_wait3A_56] : memref<32x80x128xi32, #tpu.memory_space<hbm>> -> memref<1x40x128xi32, #tpu.memory_space<hbm>>
      %dma_wait3A_58 = tpu.memref_squeeze %dma_wait3A_57 : memref<1x40x128xi32, #tpu.memory_space<hbm>> -> memref<40x128xi32, #tpu.memory_space<hbm>>
      %dma_wait3A_59 = arith.constant 0 : i32
      %dma_wait3A_60 = arith.constant 0 : i32
      %dma_wait3A_61 = tpu.memref_slice %arg2[%add3A, %dma_wait3A_59, %dma_wait3A_60] : memref<32x80x128xi32, #tpu.memory_space<hbm>> -> memref<1x40x128xi32, #tpu.memory_space<hbm>>
      %dma_wait3A_62 = tpu.memref_squeeze %dma_wait3A_61 : memref<1x40x128xi32, #tpu.memory_space<hbm>> -> memref<40x128xi32, #tpu.memory_space<hbm>>
      tpu.wait_dma2 semaphore(%run_scoped3A : memref<!tpu.dma_semaphore, #tpu.memory_space<semaphore_mem>>) src(%dma_wait3A_62 : memref<40x128xi32, #tpu.memory_space<hbm>>) dst(%arg11 : memref<40x128xi32, #tpu.memory_space<vmem>>)
      tpu.yield
    }) : () -> ()
    "tpu.region"() ({
      %run_scoped3A = tpu.sem_alloc : memref<!tpu.dma_semaphore, #tpu.memory_space<semaphore_mem>>
      %dma_start3A_48 = arith.constant 0 : i32
      %dma_start3A_49 = arith.constant 0 : i32
      %dma_start3A_50 = tpu.memref_slice %arg3[%add3A, %dma_start3A_48, %dma_start3A_49] : memref<32x80x128xi32, #tpu.memory_space<hbm>> -> memref<1x40x128xi32, #tpu.memory_space<hbm>>
      %dma_start3A_51 = tpu.memref_squeeze %dma_start3A_50 : memref<1x40x128xi32, #tpu.memory_space<hbm>> -> memref<40x128xi32, #tpu.memory_space<hbm>>
      %dma_start3A_52 = arith.constant 0 : i32
      %dma_start3A_53 = arith.constant 0 : i32
      %dma_start3A_54 = tpu.memref_slice %arg3[%add3A, %dma_start3A_52, %dma_start3A_53] : memref<32x80x128xi32, #tpu.memory_space<hbm>> -> memref<1x40x128xi32, #tpu.memory_space<hbm>>
      %dma_start3A_55 = tpu.memref_squeeze %dma_start3A_54 : memref<1x40x128xi32, #tpu.memory_space<hbm>> -> memref<40x128xi32, #tpu.memory_space<hbm>>
      tpu.enqueue_dma source(%dma_start3A_55 : memref<40x128xi32, #tpu.memory_space<hbm>>) target(%arg12 : memref<40x128xi32, #tpu.memory_space<vmem>>) target_semaphore(%run_scoped3A : memref<!tpu.dma_semaphore, #tpu.memory_space<semaphore_mem>>)
      %dma_wait3A = arith.constant 0 : i32
      %dma_wait3A_56 = arith.constant 0 : i32
      %dma_wait3A_57 = tpu.memref_slice %arg3[%add3A, %dma_wait3A, %dma_wait3A_56] : memref<32x80x128xi32, #tpu.memory_space<hbm>> -> memref<1x40x128xi32, #tpu.memory_space<hbm>>
      %dma_wait3A_58 = tpu.memref_squeeze %dma_wait3A_57 : memref<1x40x128xi32, #tpu.memory_space<hbm>> -> memref<40x128xi32, #tpu.memory_space<hbm>>
      %dma_wait3A_59 = arith.constant 0 : i32
      %dma_wait3A_60 = arith.constant 0 : i32
      %dma_wait3A_61 = tpu.memref_slice %arg3[%add3A, %dma_wait3A_59, %dma_wait3A_60] : memref<32x80x128xi32, #tpu.memory_space<hbm>> -> memref<1x40x128xi32, #tpu.memory_space<hbm>>
      %dma_wait3A_62 = tpu.memref_squeeze %dma_wait3A_61 : memref<1x40x128xi32, #tpu.memory_space<hbm>> -> memref<40x128xi32, #tpu.memory_space<hbm>>
      tpu.wait_dma2 semaphore(%run_scoped3A : memref<!tpu.dma_semaphore, #tpu.memory_space<semaphore_mem>>) src(%dma_wait3A_62 : memref<40x128xi32, #tpu.memory_space<hbm>>) dst(%arg12 : memref<40x128xi32, #tpu.memory_space<vmem>>)
      tpu.yield
    }) : () -> ()
    %dma_start3A = arith.constant 0 : i32
    %dma_start3A_10 = arith.constant 0 : i32
    %dma_start3A_11 = tpu.memref_slice %arg11[%dma_start3A, %dma_start3A_10] : memref<40x128xi32, #tpu.memory_space<vmem>> -> memref<1x128xi32, #tpu.memory_space<vmem>>
    %dma_start3A_12 = tpu.memref_squeeze %dma_start3A_11 : memref<1x128xi32, #tpu.memory_space<vmem>> -> memref<128xi32, #tpu.memory_space<vmem>>
    %dma_start3A_13 = arith.constant 0 : i32
    %dma_start3A_14 = arith.constant 0 : i32
    %dma_start3A_15 = tpu.memref_slice %arg4[%dma_start3A_13, %dma_start3A_14] : memref<10000x128xf32, #tpu.memory_space<hbm>> -> memref<10000x128xf32, #tpu.memory_space<hbm>>
    tpu.enqueue_indirect_dma source(%dma_start3A_15 : memref<10000x128xf32, #tpu.memory_space<hbm>>) target(%arg13 : memref<128x128xf32, #tpu.memory_space<vmem>>) offsets(%dma_start3A_12 : memref<128xi32, #tpu.memory_space<vmem>>) semaphore(%arg16 : memref<!tpu.dma_semaphore, #tpu.memory_space<semaphore_mem>>)
    %scan3A_16 = arith.constant 0 : i32
    %scan3A_17 = arith.constant 0 : i32
    %scan3A_18 = arith.constant 20 : i32
    %scan3A_19 = arith.addi %scan3A_17, %scan3A_18 : i32
    %scan3A_20 = arith.constant 1 : i32
    scf.for %scan3A_48 = %scan3A_17 to %scan3A_19 step %scan3A_20  : i32 {
      %mul3A_49 = arith.constant 2 : i32
      %mul3A_50 = arith.muli %mul3A_49, %scan3A_48 : i32
      %add3A_51 = arith.constant 1 : i32
      %add3A_52 = arith.addi %mul3A_50, %add3A_51 : i32
      %dma_start3A_53 = arith.constant 0 : i32
      %dma_start3A_54 = tpu.memref_slice %arg12[%mul3A_50, %dma_start3A_53] : memref<40x128xi32, #tpu.memory_space<vmem>> -> memref<1x128xi32, #tpu.memory_space<vmem>>
      %dma_start3A_55 = tpu.memref_squeeze %dma_start3A_54 : memref<1x128xi32, #tpu.memory_space<vmem>> -> memref<128xi32, #tpu.memory_space<vmem>>
      %dma_start3A_56 = arith.constant 0 : i32
      %dma_start3A_57 = tpu.memref_slice %arg10[%dma_start3A_56] : memref<10112xf32, #tpu.memory_space<vmem_shared>> -> memref<10112xf32, #tpu.memory_space<vmem_shared>>
      tpu.enqueue_indirect_dma source(%arg15 : memref<128xf32, #tpu.memory_space<vmem>>) target(%dma_start3A_57 : memref<10112xf32, #tpu.memory_space<vmem_shared>>) offsets(%dma_start3A_55 : memref<128xi32, #tpu.memory_space<vmem>>) semaphore(%arg18 : memref<!tpu.dma_semaphore, #tpu.memory_space<semaphore_mem>>) {add = true}
      %dma_start3A_58 = arith.constant 0 : i32
      %dma_start3A_59 = tpu.memref_slice %arg12[%add3A_52, %dma_start3A_58] : memref<40x128xi32, #tpu.memory_space<vmem>> -> memref<1x128xi32, #tpu.memory_space<vmem>>
      %dma_start3A_60 = tpu.memref_squeeze %dma_start3A_59 : memref<1x128xi32, #tpu.memory_space<vmem>> -> memref<128xi32, #tpu.memory_space<vmem>>
      %dma_start3A_61 = arith.constant 0 : i32
      %dma_start3A_62 = tpu.memref_slice %arg10[%dma_start3A_61] : memref<10112xf32, #tpu.memory_space<vmem_shared>> -> memref<10112xf32, #tpu.memory_space<vmem_shared>>
      tpu.enqueue_indirect_dma source(%arg15 : memref<128xf32, #tpu.memory_space<vmem>>) target(%dma_start3A_62 : memref<10112xf32, #tpu.memory_space<vmem_shared>>) offsets(%dma_start3A_60 : memref<128xi32, #tpu.memory_space<vmem>>) semaphore(%arg18 : memref<!tpu.dma_semaphore, #tpu.memory_space<semaphore_mem>>) {add = true}
      %dma_start3A_63 = arith.constant 0 : i32
      %dma_start3A_64 = tpu.memref_slice %arg11[%add3A_52, %dma_start3A_63] : memref<40x128xi32, #tpu.memory_space<vmem>> -> memref<1x128xi32, #tpu.memory_space<vmem>>
      %dma_start3A_65 = tpu.memref_squeeze %dma_start3A_64 : memref<1x128xi32, #tpu.memory_space<vmem>> -> memref<128xi32, #tpu.memory_space<vmem>>
      %dma_start3A_66 = arith.constant 0 : i32
      %dma_start3A_67 = arith.constant 0 : i32
      %dma_start3A_68 = tpu.memref_slice %arg4[%dma_start3A_66, %dma_start3A_67] : memref<10000x128xf32, #tpu.memory_space<hbm>> -> memref<10000x128xf32, #tpu.memory_space<hbm>>
      tpu.enqueue_indirect_dma source(%dma_start3A_68 : memref<10000x128xf32, #tpu.memory_space<hbm>>) target(%arg14 : memref<128x128xf32, #tpu.memory_space<vmem>>) offsets(%dma_start3A_65 : memref<128xi32, #tpu.memory_space<vmem>>) semaphore(%arg17 : memref<!tpu.dma_semaphore, #tpu.memory_space<semaphore_mem>>)
      %dma_wait3A = arith.constant 0 : i32
      %dma_wait3A_69 = tpu.memref_slice %arg11[%mul3A_50, %dma_wait3A] : memref<40x128xi32, #tpu.memory_space<vmem>> -> memref<1x128xi32, #tpu.memory_space<vmem>>
      %dma_wait3A_70 = tpu.memref_squeeze %dma_wait3A_69 : memref<1x128xi32, #tpu.memory_space<vmem>> -> memref<128xi32, #tpu.memory_space<vmem>>
      %dma_wait3A_71 = arith.constant 0 : i32
      %dma_wait3A_72 = arith.constant 0 : i32
      %dma_wait3A_73 = tpu.memref_slice %arg4[%dma_wait3A_71, %dma_wait3A_72] : memref<10000x128xf32, #tpu.memory_space<hbm>> -> memref<10000x128xf32, #tpu.memory_space<hbm>>
      tpu.wait_indirect_dma semaphore(%arg16 : memref<!tpu.dma_semaphore, #tpu.memory_space<semaphore_mem>>) src(%dma_wait3A_73 : memref<10000x128xf32, #tpu.memory_space<hbm>>) dst(%arg13 : memref<128x128xf32, #tpu.memory_space<vmem>>)
      "tpu.region"() ({
        %run_scoped3A = tpu.sem_alloc : memref<!tpu.dma_semaphore, #tpu.memory_space<semaphore_mem>>
        %dma_start3A_96 = arith.constant 0 : i32
        %dma_start3A_97 = tpu.memref_slice %arg12[%mul3A_50, %dma_start3A_96] : memref<40x128xi32, #tpu.memory_space<vmem>> -> memref<1x128xi32, #tpu.memory_space<vmem>>
        %dma_start3A_98 = tpu.memref_squeeze %dma_start3A_97 : memref<1x128xi32, #tpu.memory_space<vmem>> -> memref<128xi32, #tpu.memory_space<vmem>>
        %dma_start3A_99 = arith.constant 0 : i32
        %dma_start3A_100 = arith.constant 0 : i32
        %dma_start3A_101 = tpu.memref_slice %arg9[%dma_start3A_99, %dma_start3A_100] : memref<10112x128xf32, #tpu.memory_space<vmem_shared>> -> memref<10112x128xf32, #tpu.memory_space<vmem_shared>>
        tpu.enqueue_indirect_dma source(%arg13 : memref<128x128xf32, #tpu.memory_space<vmem>>) target(%dma_start3A_101 : memref<10112x128xf32, #tpu.memory_space<vmem_shared>>) offsets(%dma_start3A_98 : memref<128xi32, #tpu.memory_space<vmem>>) semaphore(%run_scoped3A : memref<!tpu.dma_semaphore, #tpu.memory_space<semaphore_mem>>) {add = true}
        %dma_wait3A_102 = arith.constant 0 : i32
        %dma_wait3A_103 = tpu.memref_slice %arg12[%mul3A_50, %dma_wait3A_102] : memref<40x128xi32, #tpu.memory_space<vmem>> -> memref<1x128xi32, #tpu.memory_space<vmem>>
        %dma_wait3A_104 = tpu.memref_squeeze %dma_wait3A_103 : memref<1x128xi32, #tpu.memory_space<vmem>> -> memref<128xi32, #tpu.memory_space<vmem>>
        %dma_wait3A_105 = arith.constant 0 : i32
        %dma_wait3A_106 = arith.constant 0 : i32
        %dma_wait3A_107 = tpu.memref_slice %arg9[%dma_wait3A_105, %dma_wait3A_106] : memref<10112x128xf32, #tpu.memory_space<vmem_shared>> -> memref<10112x128xf32, #tpu.memory_space<vmem_shared>>
        tpu.wait_indirect_dma semaphore(%run_scoped3A : memref<!tpu.dma_semaphore, #tpu.memory_space<semaphore_mem>>) src(%arg13 : memref<128x128xf32, #tpu.memory_space<vmem>>) dst(%dma_wait3A_107 : memref<10112x128xf32, #tpu.memory_space<vmem_shared>>)
        tpu.yield
      }) : () -> ()
      %add3A_74 = arith.constant 2 : i32
      %add3A_75 = arith.addi %mul3A_50, %add3A_74 : i32
      %lt3A = arith.constant 40 : i32
      %lt3A_76 = arith.cmpi slt, %add3A_75, %lt3A : i32
      %convert_element_type3A_77 = arith.extui %lt3A_76 : i1 to i32
      %cond3A_78 = arith.constant 0 : i32
      %cond3A_79 = arith.cmpi ne, %convert_element_type3A_77, %cond3A_78 : i32
      scf.if %cond3A_79 {
        %add3A_96 = arith.constant 2 : i32
        %add3A_97 = arith.addi %mul3A_50, %add3A_96 : i32
        %dma_start3A_98 = arith.constant 0 : i32
        %dma_start3A_99 = tpu.memref_slice %arg11[%add3A_97, %dma_start3A_98] : memref<40x128xi32, #tpu.memory_space<vmem>> -> memref<1x128xi32, #tpu.memory_space<vmem>>
        %dma_start3A_100 = tpu.memref_squeeze %dma_start3A_99 : memref<1x128xi32, #tpu.memory_space<vmem>> -> memref<128xi32, #tpu.memory_space<vmem>>
        %dma_start3A_101 = arith.constant 0 : i32
        %dma_start3A_102 = arith.constant 0 : i32
        %dma_start3A_103 = tpu.memref_slice %arg4[%dma_start3A_101, %dma_start3A_102] : memref<10000x128xf32, #tpu.memory_space<hbm>> -> memref<10000x128xf32, #tpu.memory_space<hbm>>
        tpu.enqueue_indirect_dma source(%dma_start3A_103 : memref<10000x128xf32, #tpu.memory_space<hbm>>) target(%arg13 : memref<128x128xf32, #tpu.memory_space<vmem>>) offsets(%dma_start3A_100 : memref<128xi32, #tpu.memory_space<vmem>>) semaphore(%arg16 : memref<!tpu.dma_semaphore, #tpu.memory_space<semaphore_mem>>)
      } else {
      }
      %dma_wait3A_80 = arith.constant 0 : i32
      %dma_wait3A_81 = tpu.memref_slice %arg11[%add3A_52, %dma_wait3A_80] : memref<40x128xi32, #tpu.memory_space<vmem>> -> memref<1x128xi32, #tpu.memory_space<vmem>>
      %dma_wait3A_82 = tpu.memref_squeeze %dma_wait3A_81 : memref<1x128xi32, #tpu.memory_space<vmem>> -> memref<128xi32, #tpu.memory_space<vmem>>
      %dma_wait3A_83 = arith.constant 0 : i32
      %dma_wait3A_84 = arith.constant 0 : i32
      %dma_wait3A_85 = tpu.memref_slice %arg4[%dma_wait3A_83, %dma_wait3A_84] : memref<10000x128xf32, #tpu.memory_space<hbm>> -> memref<10000x128xf32, #tpu.memory_space<hbm>>
      tpu.wait_indirect_dma semaphore(%arg17 : memref<!tpu.dma_semaphore, #tpu.memory_space<semaphore_mem>>) src(%dma_wait3A_85 : memref<10000x128xf32, #tpu.memory_space<hbm>>) dst(%arg14 : memref<128x128xf32, #tpu.memory_space<vmem>>)
      "tpu.region"() ({
        %run_scoped3A = tpu.sem_alloc : memref<!tpu.dma_semaphore, #tpu.memory_space<semaphore_mem>>
        %dma_start3A_96 = arith.constant 0 : i32
        %dma_start3A_97 = tpu.memref_slice %arg12[%add3A_52, %dma_start3A_96] : memref<40x128xi32, #tpu.memory_space<vmem>> -> memref<1x128xi32, #tpu.memory_space<vmem>>
        %dma_start3A_98 = tpu.memref_squeeze %dma_start3A_97 : memref<1x128xi32, #tpu.memory_space<vmem>> -> memref<128xi32, #tpu.memory_space<vmem>>
        %dma_start3A_99 = arith.constant 0 : i32
        %dma_start3A_100 = arith.constant 0 : i32
        %dma_start3A_101 = tpu.memref_slice %arg9[%dma_start3A_99, %dma_start3A_100] : memref<10112x128xf32, #tpu.memory_space<vmem_shared>> -> memref<10112x128xf32, #tpu.memory_space<vmem_shared>>
        tpu.enqueue_indirect_dma source(%arg14 : memref<128x128xf32, #tpu.memory_space<vmem>>) target(%dma_start3A_101 : memref<10112x128xf32, #tpu.memory_space<vmem_shared>>) offsets(%dma_start3A_98 : memref<128xi32, #tpu.memory_space<vmem>>) semaphore(%run_scoped3A : memref<!tpu.dma_semaphore, #tpu.memory_space<semaphore_mem>>) {add = true}
        %dma_wait3A_102 = arith.constant 0 : i32
        %dma_wait3A_103 = tpu.memref_slice %arg12[%add3A_52, %dma_wait3A_102] : memref<40x128xi32, #tpu.memory_space<vmem>> -> memref<1x128xi32, #tpu.memory_space<vmem>>
        %dma_wait3A_104 = tpu.memref_squeeze %dma_wait3A_103 : memref<1x128xi32, #tpu.memory_space<vmem>> -> memref<128xi32, #tpu.memory_space<vmem>>
        %dma_wait3A_105 = arith.constant 0 : i32
        %dma_wait3A_106 = arith.constant 0 : i32
        %dma_wait3A_107 = tpu.memref_slice %arg9[%dma_wait3A_105, %dma_wait3A_106] : memref<10112x128xf32, #tpu.memory_space<vmem_shared>> -> memref<10112x128xf32, #tpu.memory_space<vmem_shared>>
        tpu.wait_indirect_dma semaphore(%run_scoped3A : memref<!tpu.dma_semaphore, #tpu.memory_space<semaphore_mem>>) src(%arg14 : memref<128x128xf32, #tpu.memory_space<vmem>>) dst(%dma_wait3A_107 : memref<10112x128xf32, #tpu.memory_space<vmem_shared>>)
        tpu.yield
      }) : () -> ()
      %dma_wait3A_86 = arith.constant 0 : i32
      %dma_wait3A_87 = tpu.memref_slice %arg12[%mul3A_50, %dma_wait3A_86] : memref<40x128xi32, #tpu.memory_space<vmem>> -> memref<1x128xi32, #tpu.memory_space<vmem>>
      %dma_wait3A_88 = tpu.memref_squeeze %dma_wait3A_87 : memref<1x128xi32, #tpu.memory_space<vmem>> -> memref<128xi32, #tpu.memory_space<vmem>>
      %dma_wait3A_89 = arith.constant 0 : i32
      %dma_wait3A_90 = tpu.memref_slice %arg10[%dma_wait3A_89] : memref<10112xf32, #tpu.memory_space<vmem_shared>> -> memref<10112xf32, #tpu.memory_space<vmem_shared>>
      tpu.wait_indirect_dma semaphore(%arg18 : memref<!tpu.dma_semaphore, #tpu.memory_space<semaphore_mem>>) src(%arg15 : memref<128xf32, #tpu.memory_space<vmem>>) dst(%dma_wait3A_90 : memref<10112xf32, #tpu.memory_space<vmem_shared>>)
      %dma_wait3A_91 = arith.constant 0 : i32
      %dma_wait3A_92 = tpu.memref_slice %arg12[%add3A_52, %dma_wait3A_91] : memref<40x128xi32, #tpu.memory_space<vmem>> -> memref<1x128xi32, #tpu.memory_space<vmem>>
      %dma_wait3A_93 = tpu.memref_squeeze %dma_wait3A_92 : memref<1x128xi32, #tpu.memory_space<vmem>> -> memref<128xi32, #tpu.memory_space<vmem>>
      %dma_wait3A_94 = arith.constant 0 : i32
      %dma_wait3A_95 = tpu.memref_slice %arg10[%dma_wait3A_94] : memref<10112xf32, #tpu.memory_space<vmem_shared>> -> memref<10112xf32, #tpu.memory_space<vmem_shared>>
      tpu.wait_indirect_dma semaphore(%arg18 : memref<!tpu.dma_semaphore, #tpu.memory_space<semaphore_mem>>) src(%arg15 : memref<128xf32, #tpu.memory_space<vmem>>) dst(%dma_wait3A_95 : memref<10112xf32, #tpu.memory_space<vmem_shared>>)
    }
    %scan3A_21 = arith.constant 20 : i32
    "tpu.region"() ({
      %run_scoped3A = tpu.sem_alloc : memref<!tpu.dma_semaphore, #tpu.memory_space<semaphore_mem>>
      %dma_start3A_48 = arith.constant 40 : i32
      %dma_start3A_49 = arith.constant 0 : i32
      %dma_start3A_50 = tpu.memref_slice %arg2[%add3A, %dma_start3A_48, %dma_start3A_49] : memref<32x80x128xi32, #tpu.memory_space<hbm>> -> memref<1x40x128xi32, #tpu.memory_space<hbm>>
      %dma_start3A_51 = tpu.memref_squeeze %dma_start3A_50 : memref<1x40x128xi32, #tpu.memory_space<hbm>> -> memref<40x128xi32, #tpu.memory_space<hbm>>
      %dma_start3A_52 = arith.constant 40 : i32
      %dma_start3A_53 = arith.constant 0 : i32
      %dma_start3A_54 = tpu.memref_slice %arg2[%add3A, %dma_start3A_52, %dma_start3A_53] : memref<32x80x128xi32, #tpu.memory_space<hbm>> -> memref<1x40x128xi32, #tpu.memory_space<hbm>>
      %dma_start3A_55 = tpu.memref_squeeze %dma_start3A_54 : memref<1x40x128xi32, #tpu.memory_space<hbm>> -> memref<40x128xi32, #tpu.memory_space<hbm>>
      tpu.enqueue_dma source(%dma_start3A_55 : memref<40x128xi32, #tpu.memory_space<hbm>>) target(%arg11 : memref<40x128xi32, #tpu.memory_space<vmem>>) target_semaphore(%run_scoped3A : memref<!tpu.dma_semaphore, #tpu.memory_space<semaphore_mem>>)
      %dma_wait3A = arith.constant 40 : i32
      %dma_wait3A_56 = arith.constant 0 : i32
      %dma_wait3A_57 = tpu.memref_slice %arg2[%add3A, %dma_wait3A, %dma_wait3A_56] : memref<32x80x128xi32, #tpu.memory_space<hbm>> -> memref<1x40x128xi32, #tpu.memory_space<hbm>>
      %dma_wait3A_58 = tpu.memref_squeeze %dma_wait3A_57 : memref<1x40x128xi32, #tpu.memory_space<hbm>> -> memref<40x128xi32, #tpu.memory_space<hbm>>
      %dma_wait3A_59 = arith.constant 40 : i32
      %dma_wait3A_60 = arith.constant 0 : i32
      %dma_wait3A_61 = tpu.memref_slice %arg2[%add3A, %dma_wait3A_59, %dma_wait3A_60] : memref<32x80x128xi32, #tpu.memory_space<hbm>> -> memref<1x40x128xi32, #tpu.memory_space<hbm>>
      %dma_wait3A_62 = tpu.memref_squeeze %dma_wait3A_61 : memref<1x40x128xi32, #tpu.memory_space<hbm>> -> memref<40x128xi32, #tpu.memory_space<hbm>>
      tpu.wait_dma2 semaphore(%run_scoped3A : memref<!tpu.dma_semaphore, #tpu.memory_space<semaphore_mem>>) src(%dma_wait3A_62 : memref<40x128xi32, #tpu.memory_space<hbm>>) dst(%arg11 : memref<40x128xi32, #tpu.memory_space<vmem>>)
      tpu.yield
    }) : () -> ()
    "tpu.region"() ({
      %run_scoped3A = tpu.sem_alloc : memref<!tpu.dma_semaphore, #tpu.memory_space<semaphore_mem>>
      %dma_start3A_48 = arith.constant 40 : i32
      %dma_start3A_49 = arith.constant 0 : i32
      %dma_start3A_50 = tpu.memref_slice %arg3[%add3A, %dma_start3A_48, %dma_start3A_49] : memref<32x80x128xi32, #tpu.memory_space<hbm>> -> memref<1x40x128xi32, #tpu.memory_space<hbm>>
      %dma_start3A_51 = tpu.memref_squeeze %dma_start3A_50 : memref<1x40x128xi32, #tpu.memory_space<hbm>> -> memref<40x128xi32, #tpu.memory_space<hbm>>
      %dma_start3A_52 = arith.constant 40 : i32
      %dma_start3A_53 = arith.constant 0 : i32
      %dma_start3A_54 = tpu.memref_slice %arg3[%add3A, %dma_start3A_52, %dma_start3A_53] : memref<32x80x128xi32, #tpu.memory_space<hbm>> -> memref<1x40x128xi32, #tpu.memory_space<hbm>>
      %dma_start3A_55 = tpu.memref_squeeze %dma_start3A_54 : memref<1x40x128xi32, #tpu.memory_space<hbm>> -> memref<40x128xi32, #tpu.memory_space<hbm>>
      tpu.enqueue_dma source(%dma_start3A_55 : memref<40x128xi32, #tpu.memory_space<hbm>>) target(%arg12 : memref<40x128xi32, #tpu.memory_space<vmem>>) target_semaphore(%run_scoped3A : memref<!tpu.dma_semaphore, #tpu.memory_space<semaphore_mem>>)
      %dma_wait3A = arith.constant 40 : i32
      %dma_wait3A_56 = arith.constant 0 : i32
      %dma_wait3A_57 = tpu.memref_slice %arg3[%add3A, %dma_wait3A, %dma_wait3A_56] : memref<32x80x128xi32, #tpu.memory_space<hbm>> -> memref<1x40x128xi32, #tpu.memory_space<hbm>>
      %dma_wait3A_58 = tpu.memref_squeeze %dma_wait3A_57 : memref<1x40x128xi32, #tpu.memory_space<hbm>> -> memref<40x128xi32, #tpu.memory_space<hbm>>
      %dma_wait3A_59 = arith.constant 40 : i32
      %dma_wait3A_60 = arith.constant 0 : i32
      %dma_wait3A_61 = tpu.memref_slice %arg3[%add3A, %dma_wait3A_59, %dma_wait3A_60] : memref<32x80x128xi32, #tpu.memory_space<hbm>> -> memref<1x40x128xi32, #tpu.memory_space<hbm>>
      %dma_wait3A_62 = tpu.memref_squeeze %dma_wait3A_61 : memref<1x40x128xi32, #tpu.memory_space<hbm>> -> memref<40x128xi32, #tpu.memory_space<hbm>>
      tpu.wait_dma2 semaphore(%run_scoped3A : memref<!tpu.dma_semaphore, #tpu.memory_space<semaphore_mem>>) src(%dma_wait3A_62 : memref<40x128xi32, #tpu.memory_space<hbm>>) dst(%arg12 : memref<40x128xi32, #tpu.memory_space<vmem>>)
      tpu.yield
    }) : () -> ()
    %dma_start3A_22 = arith.constant 0 : i32
    %dma_start3A_23 = arith.constant 0 : i32
    %dma_start3A_24 = tpu.memref_slice %arg11[%dma_start3A_22, %dma_start3A_23] : memref<40x128xi32, #tpu.memory_space<vmem>> -> memref<1x128xi32, #tpu.memory_space<vmem>>
    %dma_start3A_25 = tpu.memref_squeeze %dma_start3A_24 : memref<1x128xi32, #tpu.memory_space<vmem>> -> memref<128xi32, #tpu.memory_space<vmem>>
    %dma_start3A_26 = arith.constant 0 : i32
    %dma_start3A_27 = arith.constant 0 : i32
    %dma_start3A_28 = tpu.memref_slice %arg4[%dma_start3A_26, %dma_start3A_27] : memref<10000x128xf32, #tpu.memory_space<hbm>> -> memref<10000x128xf32, #tpu.memory_space<hbm>>
    tpu.enqueue_indirect_dma source(%dma_start3A_28 : memref<10000x128xf32, #tpu.memory_space<hbm>>) target(%arg13 : memref<128x128xf32, #tpu.memory_space<vmem>>) offsets(%dma_start3A_25 : memref<128xi32, #tpu.memory_space<vmem>>) semaphore(%arg16 : memref<!tpu.dma_semaphore, #tpu.memory_space<semaphore_mem>>)
    %scan3A_29 = arith.constant 0 : i32
    %scan3A_30 = arith.constant 0 : i32
    %scan3A_31 = arith.constant 20 : i32
    %scan3A_32 = arith.addi %scan3A_30, %scan3A_31 : i32
    %scan3A_33 = arith.constant 1 : i32
    scf.for %scan3A_48 = %scan3A_30 to %scan3A_32 step %scan3A_33  : i32 {
      %mul3A_49 = arith.constant 2 : i32
      %mul3A_50 = arith.muli %mul3A_49, %scan3A_48 : i32
      %add3A_51 = arith.constant 1 : i32
      %add3A_52 = arith.addi %mul3A_50, %add3A_51 : i32
      %dma_start3A_53 = arith.constant 0 : i32
      %dma_start3A_54 = tpu.memref_slice %arg12[%mul3A_50, %dma_start3A_53] : memref<40x128xi32, #tpu.memory_space<vmem>> -> memref<1x128xi32, #tpu.memory_space<vmem>>
      %dma_start3A_55 = tpu.memref_squeeze %dma_start3A_54 : memref<1x128xi32, #tpu.memory_space<vmem>> -> memref<128xi32, #tpu.memory_space<vmem>>
      %dma_start3A_56 = arith.constant 0 : i32
      %dma_start3A_57 = tpu.memref_slice %arg10[%dma_start3A_56] : memref<10112xf32, #tpu.memory_space<vmem_shared>> -> memref<10112xf32, #tpu.memory_space<vmem_shared>>
      tpu.enqueue_indirect_dma source(%arg15 : memref<128xf32, #tpu.memory_space<vmem>>) target(%dma_start3A_57 : memref<10112xf32, #tpu.memory_space<vmem_shared>>) offsets(%dma_start3A_55 : memref<128xi32, #tpu.memory_space<vmem>>) semaphore(%arg18 : memref<!tpu.dma_semaphore, #tpu.memory_space<semaphore_mem>>) {add = true}
      %dma_start3A_58 = arith.constant 0 : i32
      %dma_start3A_59 = tpu.memref_slice %arg12[%add3A_52, %dma_start3A_58] : memref<40x128xi32, #tpu.memory_space<vmem>> -> memref<1x128xi32, #tpu.memory_space<vmem>>
      %dma_start3A_60 = tpu.memref_squeeze %dma_start3A_59 : memref<1x128xi32, #tpu.memory_space<vmem>> -> memref<128xi32, #tpu.memory_space<vmem>>
      %dma_start3A_61 = arith.constant 0 : i32
      %dma_start3A_62 = tpu.memref_slice %arg10[%dma_start3A_61] : memref<10112xf32, #tpu.memory_space<vmem_shared>> -> memref<10112xf32, #tpu.memory_space<vmem_shared>>
      tpu.enqueue_indirect_dma source(%arg15 : memref<128xf32, #tpu.memory_space<vmem>>) target(%dma_start3A_62 : memref<10112xf32, #tpu.memory_space<vmem_shared>>) offsets(%dma_start3A_60 : memref<128xi32, #tpu.memory_space<vmem>>) semaphore(%arg18 : memref<!tpu.dma_semaphore, #tpu.memory_space<semaphore_mem>>) {add = true}
      %dma_start3A_63 = arith.constant 0 : i32
      %dma_start3A_64 = tpu.memref_slice %arg11[%add3A_52, %dma_start3A_63] : memref<40x128xi32, #tpu.memory_space<vmem>> -> memref<1x128xi32, #tpu.memory_space<vmem>>
      %dma_start3A_65 = tpu.memref_squeeze %dma_start3A_64 : memref<1x128xi32, #tpu.memory_space<vmem>> -> memref<128xi32, #tpu.memory_space<vmem>>
      %dma_start3A_66 = arith.constant 0 : i32
      %dma_start3A_67 = arith.constant 0 : i32
      %dma_start3A_68 = tpu.memref_slice %arg4[%dma_start3A_66, %dma_start3A_67] : memref<10000x128xf32, #tpu.memory_space<hbm>> -> memref<10000x128xf32, #tpu.memory_space<hbm>>
      tpu.enqueue_indirect_dma source(%dma_start3A_68 : memref<10000x128xf32, #tpu.memory_space<hbm>>) target(%arg14 : memref<128x128xf32, #tpu.memory_space<vmem>>) offsets(%dma_start3A_65 : memref<128xi32, #tpu.memory_space<vmem>>) semaphore(%arg17 : memref<!tpu.dma_semaphore, #tpu.memory_space<semaphore_mem>>)
      %dma_wait3A = arith.constant 0 : i32
      %dma_wait3A_69 = tpu.memref_slice %arg11[%mul3A_50, %dma_wait3A] : memref<40x128xi32, #tpu.memory_space<vmem>> -> memref<1x128xi32, #tpu.memory_space<vmem>>
      %dma_wait3A_70 = tpu.memref_squeeze %dma_wait3A_69 : memref<1x128xi32, #tpu.memory_space<vmem>> -> memref<128xi32, #tpu.memory_space<vmem>>
      %dma_wait3A_71 = arith.constant 0 : i32
      %dma_wait3A_72 = arith.constant 0 : i32
      %dma_wait3A_73 = tpu.memref_slice %arg4[%dma_wait3A_71, %dma_wait3A_72] : memref<10000x128xf32, #tpu.memory_space<hbm>> -> memref<10000x128xf32, #tpu.memory_space<hbm>>
      tpu.wait_indirect_dma semaphore(%arg16 : memref<!tpu.dma_semaphore, #tpu.memory_space<semaphore_mem>>) src(%dma_wait3A_73 : memref<10000x128xf32, #tpu.memory_space<hbm>>) dst(%arg13 : memref<128x128xf32, #tpu.memory_space<vmem>>)
      "tpu.region"() ({
        %run_scoped3A = tpu.sem_alloc : memref<!tpu.dma_semaphore, #tpu.memory_space<semaphore_mem>>
        %dma_start3A_96 = arith.constant 0 : i32
        %dma_start3A_97 = tpu.memref_slice %arg12[%mul3A_50, %dma_start3A_96] : memref<40x128xi32, #tpu.memory_space<vmem>> -> memref<1x128xi32, #tpu.memory_space<vmem>>
        %dma_start3A_98 = tpu.memref_squeeze %dma_start3A_97 : memref<1x128xi32, #tpu.memory_space<vmem>> -> memref<128xi32, #tpu.memory_space<vmem>>
        %dma_start3A_99 = arith.constant 0 : i32
        %dma_start3A_100 = arith.constant 0 : i32
        %dma_start3A_101 = tpu.memref_slice %arg9[%dma_start3A_99, %dma_start3A_100] : memref<10112x128xf32, #tpu.memory_space<vmem_shared>> -> memref<10112x128xf32, #tpu.memory_space<vmem_shared>>
        tpu.enqueue_indirect_dma source(%arg13 : memref<128x128xf32, #tpu.memory_space<vmem>>) target(%dma_start3A_101 : memref<10112x128xf32, #tpu.memory_space<vmem_shared>>) offsets(%dma_start3A_98 : memref<128xi32, #tpu.memory_space<vmem>>) semaphore(%run_scoped3A : memref<!tpu.dma_semaphore, #tpu.memory_space<semaphore_mem>>) {add = true}
        %dma_wait3A_102 = arith.constant 0 : i32
        %dma_wait3A_103 = tpu.memref_slice %arg12[%mul3A_50, %dma_wait3A_102] : memref<40x128xi32, #tpu.memory_space<vmem>> -> memref<1x128xi32, #tpu.memory_space<vmem>>
        %dma_wait3A_104 = tpu.memref_squeeze %dma_wait3A_103 : memref<1x128xi32, #tpu.memory_space<vmem>> -> memref<128xi32, #tpu.memory_space<vmem>>
        %dma_wait3A_105 = arith.constant 0 : i32
        %dma_wait3A_106 = arith.constant 0 : i32
        %dma_wait3A_107 = tpu.memref_slice %arg9[%dma_wait3A_105, %dma_wait3A_106] : memref<10112x128xf32, #tpu.memory_space<vmem_shared>> -> memref<10112x128xf32, #tpu.memory_space<vmem_shared>>
        tpu.wait_indirect_dma semaphore(%run_scoped3A : memref<!tpu.dma_semaphore, #tpu.memory_space<semaphore_mem>>) src(%arg13 : memref<128x128xf32, #tpu.memory_space<vmem>>) dst(%dma_wait3A_107 : memref<10112x128xf32, #tpu.memory_space<vmem_shared>>)
        tpu.yield
      }) : () -> ()
      %add3A_74 = arith.constant 2 : i32
      %add3A_75 = arith.addi %mul3A_50, %add3A_74 : i32
      %lt3A = arith.constant 40 : i32
      %lt3A_76 = arith.cmpi slt, %add3A_75, %lt3A : i32
      %convert_element_type3A_77 = arith.extui %lt3A_76 : i1 to i32
      %cond3A_78 = arith.constant 0 : i32
      %cond3A_79 = arith.cmpi ne, %convert_element_type3A_77, %cond3A_78 : i32
      scf.if %cond3A_79 {
        %add3A_96 = arith.constant 2 : i32
        %add3A_97 = arith.addi %mul3A_50, %add3A_96 : i32
        %dma_start3A_98 = arith.constant 0 : i32
        %dma_start3A_99 = tpu.memref_slice %arg11[%add3A_97, %dma_start3A_98] : memref<40x128xi32, #tpu.memory_space<vmem>> -> memref<1x128xi32, #tpu.memory_space<vmem>>
        %dma_start3A_100 = tpu.memref_squeeze %dma_start3A_99 : memref<1x128xi32, #tpu.memory_space<vmem>> -> memref<128xi32, #tpu.memory_space<vmem>>
        %dma_start3A_101 = arith.constant 0 : i32
        %dma_start3A_102 = arith.constant 0 : i32
        %dma_start3A_103 = tpu.memref_slice %arg4[%dma_start3A_101, %dma_start3A_102] : memref<10000x128xf32, #tpu.memory_space<hbm>> -> memref<10000x128xf32, #tpu.memory_space<hbm>>
        tpu.enqueue_indirect_dma source(%dma_start3A_103 : memref<10000x128xf32, #tpu.memory_space<hbm>>) target(%arg13 : memref<128x128xf32, #tpu.memory_space<vmem>>) offsets(%dma_start3A_100 : memref<128xi32, #tpu.memory_space<vmem>>) semaphore(%arg16 : memref<!tpu.dma_semaphore, #tpu.memory_space<semaphore_mem>>)
      } else {
      }
      %dma_wait3A_80 = arith.constant 0 : i32
      %dma_wait3A_81 = tpu.memref_slice %arg11[%add3A_52, %dma_wait3A_80] : memref<40x128xi32, #tpu.memory_space<vmem>> -> memref<1x128xi32, #tpu.memory_space<vmem>>
      %dma_wait3A_82 = tpu.memref_squeeze %dma_wait3A_81 : memref<1x128xi32, #tpu.memory_space<vmem>> -> memref<128xi32, #tpu.memory_space<vmem>>
      %dma_wait3A_83 = arith.constant 0 : i32
      %dma_wait3A_84 = arith.constant 0 : i32
      %dma_wait3A_85 = tpu.memref_slice %arg4[%dma_wait3A_83, %dma_wait3A_84] : memref<10000x128xf32, #tpu.memory_space<hbm>> -> memref<10000x128xf32, #tpu.memory_space<hbm>>
      tpu.wait_indirect_dma semaphore(%arg17 : memref<!tpu.dma_semaphore, #tpu.memory_space<semaphore_mem>>) src(%dma_wait3A_85 : memref<10000x128xf32, #tpu.memory_space<hbm>>) dst(%arg14 : memref<128x128xf32, #tpu.memory_space<vmem>>)
      "tpu.region"() ({
        %run_scoped3A = tpu.sem_alloc : memref<!tpu.dma_semaphore, #tpu.memory_space<semaphore_mem>>
        %dma_start3A_96 = arith.constant 0 : i32
        %dma_start3A_97 = tpu.memref_slice %arg12[%add3A_52, %dma_start3A_96] : memref<40x128xi32, #tpu.memory_space<vmem>> -> memref<1x128xi32, #tpu.memory_space<vmem>>
        %dma_start3A_98 = tpu.memref_squeeze %dma_start3A_97 : memref<1x128xi32, #tpu.memory_space<vmem>> -> memref<128xi32, #tpu.memory_space<vmem>>
        %dma_start3A_99 = arith.constant 0 : i32
        %dma_start3A_100 = arith.constant 0 : i32
        %dma_start3A_101 = tpu.memref_slice %arg9[%dma_start3A_99, %dma_start3A_100] : memref<10112x128xf32, #tpu.memory_space<vmem_shared>> -> memref<10112x128xf32, #tpu.memory_space<vmem_shared>>
        tpu.enqueue_indirect_dma source(%arg14 : memref<128x128xf32, #tpu.memory_space<vmem>>) target(%dma_start3A_101 : memref<10112x128xf32, #tpu.memory_space<vmem_shared>>) offsets(%dma_start3A_98 : memref<128xi32, #tpu.memory_space<vmem>>) semaphore(%run_scoped3A : memref<!tpu.dma_semaphore, #tpu.memory_space<semaphore_mem>>) {add = true}
        %dma_wait3A_102 = arith.constant 0 : i32
        %dma_wait3A_103 = tpu.memref_slice %arg12[%add3A_52, %dma_wait3A_102] : memref<40x128xi32, #tpu.memory_space<vmem>> -> memref<1x128xi32, #tpu.memory_space<vmem>>
        %dma_wait3A_104 = tpu.memref_squeeze %dma_wait3A_103 : memref<1x128xi32, #tpu.memory_space<vmem>> -> memref<128xi32, #tpu.memory_space<vmem>>
        %dma_wait3A_105 = arith.constant 0 : i32
        %dma_wait3A_106 = arith.constant 0 : i32
        %dma_wait3A_107 = tpu.memref_slice %arg9[%dma_wait3A_105, %dma_wait3A_106] : memref<10112x128xf32, #tpu.memory_space<vmem_shared>> -> memref<10112x128xf32, #tpu.memory_space<vmem_shared>>
        tpu.wait_indirect_dma semaphore(%run_scoped3A : memref<!tpu.dma_semaphore, #tpu.memory_space<semaphore_mem>>) src(%arg14 : memref<128x128xf32, #tpu.memory_space<vmem>>) dst(%dma_wait3A_107 : memref<10112x128xf32, #tpu.memory_space<vmem_shared>>)
        tpu.yield
      }) : () -> ()
      %dma_wait3A_86 = arith.constant 0 : i32
      %dma_wait3A_87 = tpu.memref_slice %arg12[%mul3A_50, %dma_wait3A_86] : memref<40x128xi32, #tpu.memory_space<vmem>> -> memref<1x128xi32, #tpu.memory_space<vmem>>
      %dma_wait3A_88 = tpu.memref_squeeze %dma_wait3A_87 : memref<1x128xi32, #tpu.memory_space<vmem>> -> memref<128xi32, #tpu.memory_space<vmem>>
      %dma_wait3A_89 = arith.constant 0 : i32
      %dma_wait3A_90 = tpu.memref_slice %arg10[%dma_wait3A_89] : memref<10112xf32, #tpu.memory_space<vmem_shared>> -> memref<10112xf32, #tpu.memory_space<vmem_shared>>
      tpu.wait_indirect_dma semaphore(%arg18 : memref<!tpu.dma_semaphore, #tpu.memory_space<semaphore_mem>>) src(%arg15 : memref<128xf32, #tpu.memory_space<vmem>>) dst(%dma_wait3A_90 : memref<10112xf32, #tpu.memory_space<vmem_shared>>)
      %dma_wait3A_91 = arith.constant 0 : i32
      %dma_wait3A_92 = tpu.memref_slice %arg12[%add3A_52, %dma_wait3A_91] : memref<40x128xi32, #tpu.memory_space<vmem>> -> memref<1x128xi32, #tpu.memory_space<vmem>>
      %dma_wait3A_93 = tpu.memref_squeeze %dma_wait3A_92 : memref<1x128xi32, #tpu.memory_space<vmem>> -> memref<128xi32, #tpu.memory_space<vmem>>
      %dma_wait3A_94 = arith.constant 0 : i32
      %dma_wait3A_95 = tpu.memref_slice %arg10[%dma_wait3A_94] : memref<10112xf32, #tpu.memory_space<vmem_shared>> -> memref<10112xf32, #tpu.memory_space<vmem_shared>>
      tpu.wait_indirect_dma semaphore(%arg18 : memref<!tpu.dma_semaphore, #tpu.memory_space<semaphore_mem>>) src(%arg15 : memref<128xf32, #tpu.memory_space<vmem>>) dst(%dma_wait3A_95 : memref<10112xf32, #tpu.memory_space<vmem_shared>>)
    }
    %scan3A_34 = arith.constant 20 : i32
    %barrier3A_35 = arith.constant 0 : index
    tpu.barrier barrier_id(%barrier3A_35)
    %mul3A_36 = arith.constant 632 : i32
    %mul3A_37 = arith.muli %arg1, %mul3A_36 : i32
    %mul3A_38 = arith.constant 10112 : i32
    %mul3A_39 = arith.muli %arg0, %mul3A_38 : i32
    %mul3A_40 = arith.constant 632 : i32
    %mul3A_41 = arith.muli %arg1, %mul3A_40 : i32
    %add3A_42 = arith.addi %mul3A_39, %mul3A_41 : i32
    "tpu.region"() ({
      %run_scoped3A = tpu.sem_alloc : memref<!tpu.dma_semaphore, #tpu.memory_space<semaphore_mem>>
      %dma_start3A_48 = arith.constant 0 : i32
      %dma_start3A_49 = tpu.memref_slice %arg7[%add3A_42, %dma_start3A_48] : memref<20224x128xf32, #tpu.memory_space<hbm>> -> memref<632x128xf32, #tpu.memory_space<hbm>>
      %dma_start3A_50 = arith.constant 0 : i32
      %dma_start3A_51 = tpu.memref_slice %arg9[%mul3A_37, %dma_start3A_50] : memref<10112x128xf32, #tpu.memory_space<vmem_shared>> -> memref<632x128xf32, #tpu.memory_space<vmem_shared>>
      tpu.enqueue_dma source(%dma_start3A_51 : memref<632x128xf32, #tpu.memory_space<vmem_shared>>) target(%dma_start3A_49 : memref<632x128xf32, #tpu.memory_space<hbm>>) target_semaphore(%run_scoped3A : memref<!tpu.dma_semaphore, #tpu.memory_space<semaphore_mem>>)
      %dma_wait3A = arith.constant 0 : i32
      %dma_wait3A_52 = tpu.memref_slice %arg7[%add3A_42, %dma_wait3A] : memref<20224x128xf32, #tpu.memory_space<hbm>> -> memref<632x128xf32, #tpu.memory_space<hbm>>
      %dma_wait3A_53 = arith.constant 0 : i32
      %dma_wait3A_54 = tpu.memref_slice %arg9[%mul3A_37, %dma_wait3A_53] : memref<10112x128xf32, #tpu.memory_space<vmem_shared>> -> memref<632x128xf32, #tpu.memory_space<vmem_shared>>
      tpu.wait_dma2 semaphore(%run_scoped3A : memref<!tpu.dma_semaphore, #tpu.memory_space<semaphore_mem>>) src(%dma_wait3A_54 : memref<632x128xf32, #tpu.memory_space<vmem_shared>>) dst(%dma_wait3A_52 : memref<632x128xf32, #tpu.memory_space<hbm>>)
      tpu.yield
    }) : () -> ()
    %eq3A_43 = arith.constant 1 : i32
    %eq3A_44 = arith.cmpi eq, %arg1, %eq3A_43 : i32
    %convert_element_type3A_45 = arith.extui %eq3A_44 : i1 to i32
    %cond3A_46 = arith.constant 0 : i32
    %cond3A_47 = arith.cmpi ne, %convert_element_type3A_45, %cond3A_46 : i32
    scf.if %cond3A_47 {
      %mul3A_48 = arith.constant 10112 : i32
      %mul3A_49 = arith.muli %arg0, %mul3A_48 : i32
      "tpu.region"() ({
        %run_scoped3A = tpu.sem_alloc : memref<!tpu.dma_semaphore, #tpu.memory_space<semaphore_mem>>
        %dma_start3A_50 = tpu.memref_slice %arg8[%mul3A_49] : memref<20224xf32, #tpu.memory_space<hbm>> -> memref<10112xf32, #tpu.memory_space<hbm>>
        tpu.enqueue_dma source(%arg10 : memref<10112xf32, #tpu.memory_space<vmem_shared>>) target(%dma_start3A_50 : memref<10112xf32, #tpu.memory_space<hbm>>) target_semaphore(%run_scoped3A : memref<!tpu.dma_semaphore, #tpu.memory_space<semaphore_mem>>)
        %dma_wait3A = tpu.memref_slice %arg8[%mul3A_49] : memref<20224xf32, #tpu.memory_space<hbm>> -> memref<10112xf32, #tpu.memory_space<hbm>>
        tpu.wait_dma2 semaphore(%run_scoped3A : memref<!tpu.dma_semaphore, #tpu.memory_space<semaphore_mem>>) src(%arg10 : memref<10112xf32, #tpu.memory_space<vmem_shared>>) dst(%dma_wait3A : memref<10112xf32, #tpu.memory_space<hbm>>)
        tpu.yield
      }) : () -> ()
    } else {
    }
    return
  }
}

#map = affine_map<(d0, d1) -> (0, 0, 0)>
#map1 = affine_map<(d0, d1) -> (0, 0)>
module attributes {stable_mosaic.version = 14 : i64} {
  func.func @_agg_body(%arg0: i32, %arg1: i32, %arg2: memref<32x80x128xi32, #tpu.memory_space<hbm>>, %arg3: memref<32x80x128xi32, #tpu.memory_space<hbm>>, %arg4: memref<10000x128xf32, #tpu.memory_space<hbm>>, %arg5: memref<632x128xf32, #tpu.memory_space<hbm>>, %arg6: memref<20224x128xf32, #tpu.memory_space<hbm>>, %arg7: memref<10112x128xf32, #tpu.memory_space<vmem_shared>>, %arg8: memref<40x128xi32, #tpu.memory_space<vmem>>, %arg9: memref<40x128xi32, #tpu.memory_space<vmem>>, %arg10: memref<128x128xf32, #tpu.memory_space<vmem>>, %arg11: memref<128x128xf32, #tpu.memory_space<vmem>>, %arg12: memref<!tpu.dma_semaphore, #tpu.memory_space<semaphore_mem>>, %arg13: memref<!tpu.dma_semaphore, #tpu.memory_space<semaphore_mem>>) attributes {dimension_semantics = [#tpu.dimension_semantics<core_parallel>, #tpu.dimension_semantics<subcore_parallel>], iteration_bounds = array<i64: 2, 16>, scalar_prefetch = 0 : i64, scratch_operands = 7 : i64, tpu.core_type = #tpu.core_type<sc_vector_subcore>, window_params = [{transform_indices = #map}, {transform_indices = #map}, {transform_indices = #map1}, {transform_indices = #map1}, {transform_indices = #map1}]} {
    %mul3A = arith.constant 16 : i32
    %mul3A_0 = arith.muli %arg0, %mul3A : i32
    %add3A = arith.addi %mul3A_0, %arg1 : i32
    %mul3A_1 = arith.constant 632 : i32
    %mul3A_2 = arith.muli %arg1, %mul3A_1 : i32
    "tpu.region"() ({
      %run_scoped3A = tpu.sem_alloc : memref<!tpu.dma_semaphore, #tpu.memory_space<semaphore_mem>>
      %dma_start3A_35 = arith.constant 0 : i32
      %dma_start3A_36 = tpu.memref_slice %arg7[%mul3A_2, %dma_start3A_35] : memref<10112x128xf32, #tpu.memory_space<vmem_shared>> -> memref<632x128xf32, #tpu.memory_space<vmem_shared>>
      tpu.enqueue_dma source(%arg5 : memref<632x128xf32, #tpu.memory_space<hbm>>) target(%dma_start3A_36 : memref<632x128xf32, #tpu.memory_space<vmem_shared>>) target_semaphore(%run_scoped3A : memref<!tpu.dma_semaphore, #tpu.memory_space<semaphore_mem>>)
      %dma_wait3A = arith.constant 0 : i32
      %dma_wait3A_37 = tpu.memref_slice %arg7[%mul3A_2, %dma_wait3A] : memref<10112x128xf32, #tpu.memory_space<vmem_shared>> -> memref<632x128xf32, #tpu.memory_space<vmem_shared>>
      tpu.wait_dma2 semaphore(%run_scoped3A : memref<!tpu.dma_semaphore, #tpu.memory_space<semaphore_mem>>) src(%arg5 : memref<632x128xf32, #tpu.memory_space<hbm>>) dst(%dma_wait3A_37 : memref<632x128xf32, #tpu.memory_space<vmem_shared>>)
      tpu.yield
    }) : () -> ()
    %barrier3A = arith.constant 0 : index
    tpu.barrier barrier_id(%barrier3A)
    "tpu.region"() ({
      %run_scoped3A = tpu.sem_alloc : memref<!tpu.dma_semaphore, #tpu.memory_space<semaphore_mem>>
      %dma_start3A_35 = arith.constant 0 : i32
      %dma_start3A_36 = arith.constant 0 : i32
      %dma_start3A_37 = tpu.memref_slice %arg2[%add3A, %dma_start3A_35, %dma_start3A_36] : memref<32x80x128xi32, #tpu.memory_space<hbm>> -> memref<1x40x128xi32, #tpu.memory_space<hbm>>
      %dma_start3A_38 = tpu.memref_squeeze %dma_start3A_37 : memref<1x40x128xi32, #tpu.memory_space<hbm>> -> memref<40x128xi32, #tpu.memory_space<hbm>>
      %dma_start3A_39 = arith.constant 0 : i32
      %dma_start3A_40 = arith.constant 0 : i32
      %dma_start3A_41 = tpu.memref_slice %arg2[%add3A, %dma_start3A_39, %dma_start3A_40] : memref<32x80x128xi32, #tpu.memory_space<hbm>> -> memref<1x40x128xi32, #tpu.memory_space<hbm>>
      %dma_start3A_42 = tpu.memref_squeeze %dma_start3A_41 : memref<1x40x128xi32, #tpu.memory_space<hbm>> -> memref<40x128xi32, #tpu.memory_space<hbm>>
      tpu.enqueue_dma source(%dma_start3A_42 : memref<40x128xi32, #tpu.memory_space<hbm>>) target(%arg8 : memref<40x128xi32, #tpu.memory_space<vmem>>) target_semaphore(%run_scoped3A : memref<!tpu.dma_semaphore, #tpu.memory_space<semaphore_mem>>)
      %dma_wait3A = arith.constant 0 : i32
      %dma_wait3A_43 = arith.constant 0 : i32
      %dma_wait3A_44 = tpu.memref_slice %arg2[%add3A, %dma_wait3A, %dma_wait3A_43] : memref<32x80x128xi32, #tpu.memory_space<hbm>> -> memref<1x40x128xi32, #tpu.memory_space<hbm>>
      %dma_wait3A_45 = tpu.memref_squeeze %dma_wait3A_44 : memref<1x40x128xi32, #tpu.memory_space<hbm>> -> memref<40x128xi32, #tpu.memory_space<hbm>>
      %dma_wait3A_46 = arith.constant 0 : i32
      %dma_wait3A_47 = arith.constant 0 : i32
      %dma_wait3A_48 = tpu.memref_slice %arg2[%add3A, %dma_wait3A_46, %dma_wait3A_47] : memref<32x80x128xi32, #tpu.memory_space<hbm>> -> memref<1x40x128xi32, #tpu.memory_space<hbm>>
      %dma_wait3A_49 = tpu.memref_squeeze %dma_wait3A_48 : memref<1x40x128xi32, #tpu.memory_space<hbm>> -> memref<40x128xi32, #tpu.memory_space<hbm>>
      tpu.wait_dma2 semaphore(%run_scoped3A : memref<!tpu.dma_semaphore, #tpu.memory_space<semaphore_mem>>) src(%dma_wait3A_49 : memref<40x128xi32, #tpu.memory_space<hbm>>) dst(%arg8 : memref<40x128xi32, #tpu.memory_space<vmem>>)
      tpu.yield
    }) : () -> ()
    "tpu.region"() ({
      %run_scoped3A = tpu.sem_alloc : memref<!tpu.dma_semaphore, #tpu.memory_space<semaphore_mem>>
      %dma_start3A_35 = arith.constant 0 : i32
      %dma_start3A_36 = arith.constant 0 : i32
      %dma_start3A_37 = tpu.memref_slice %arg3[%add3A, %dma_start3A_35, %dma_start3A_36] : memref<32x80x128xi32, #tpu.memory_space<hbm>> -> memref<1x40x128xi32, #tpu.memory_space<hbm>>
      %dma_start3A_38 = tpu.memref_squeeze %dma_start3A_37 : memref<1x40x128xi32, #tpu.memory_space<hbm>> -> memref<40x128xi32, #tpu.memory_space<hbm>>
      %dma_start3A_39 = arith.constant 0 : i32
      %dma_start3A_40 = arith.constant 0 : i32
      %dma_start3A_41 = tpu.memref_slice %arg3[%add3A, %dma_start3A_39, %dma_start3A_40] : memref<32x80x128xi32, #tpu.memory_space<hbm>> -> memref<1x40x128xi32, #tpu.memory_space<hbm>>
      %dma_start3A_42 = tpu.memref_squeeze %dma_start3A_41 : memref<1x40x128xi32, #tpu.memory_space<hbm>> -> memref<40x128xi32, #tpu.memory_space<hbm>>
      tpu.enqueue_dma source(%dma_start3A_42 : memref<40x128xi32, #tpu.memory_space<hbm>>) target(%arg9 : memref<40x128xi32, #tpu.memory_space<vmem>>) target_semaphore(%run_scoped3A : memref<!tpu.dma_semaphore, #tpu.memory_space<semaphore_mem>>)
      %dma_wait3A = arith.constant 0 : i32
      %dma_wait3A_43 = arith.constant 0 : i32
      %dma_wait3A_44 = tpu.memref_slice %arg3[%add3A, %dma_wait3A, %dma_wait3A_43] : memref<32x80x128xi32, #tpu.memory_space<hbm>> -> memref<1x40x128xi32, #tpu.memory_space<hbm>>
      %dma_wait3A_45 = tpu.memref_squeeze %dma_wait3A_44 : memref<1x40x128xi32, #tpu.memory_space<hbm>> -> memref<40x128xi32, #tpu.memory_space<hbm>>
      %dma_wait3A_46 = arith.constant 0 : i32
      %dma_wait3A_47 = arith.constant 0 : i32
      %dma_wait3A_48 = tpu.memref_slice %arg3[%add3A, %dma_wait3A_46, %dma_wait3A_47] : memref<32x80x128xi32, #tpu.memory_space<hbm>> -> memref<1x40x128xi32, #tpu.memory_space<hbm>>
      %dma_wait3A_49 = tpu.memref_squeeze %dma_wait3A_48 : memref<1x40x128xi32, #tpu.memory_space<hbm>> -> memref<40x128xi32, #tpu.memory_space<hbm>>
      tpu.wait_dma2 semaphore(%run_scoped3A : memref<!tpu.dma_semaphore, #tpu.memory_space<semaphore_mem>>) src(%dma_wait3A_49 : memref<40x128xi32, #tpu.memory_space<hbm>>) dst(%arg9 : memref<40x128xi32, #tpu.memory_space<vmem>>)
      tpu.yield
    }) : () -> ()
    %dma_start3A = arith.constant 0 : i32
    %dma_start3A_3 = arith.constant 0 : i32
    %dma_start3A_4 = tpu.memref_slice %arg8[%dma_start3A, %dma_start3A_3] : memref<40x128xi32, #tpu.memory_space<vmem>> -> memref<1x128xi32, #tpu.memory_space<vmem>>
    %dma_start3A_5 = tpu.memref_squeeze %dma_start3A_4 : memref<1x128xi32, #tpu.memory_space<vmem>> -> memref<128xi32, #tpu.memory_space<vmem>>
    %dma_start3A_6 = arith.constant 0 : i32
    %dma_start3A_7 = arith.constant 0 : i32
    %dma_start3A_8 = tpu.memref_slice %arg4[%dma_start3A_6, %dma_start3A_7] : memref<10000x128xf32, #tpu.memory_space<hbm>> -> memref<10000x128xf32, #tpu.memory_space<hbm>>
    tpu.enqueue_indirect_dma source(%dma_start3A_8 : memref<10000x128xf32, #tpu.memory_space<hbm>>) target(%arg10 : memref<128x128xf32, #tpu.memory_space<vmem>>) offsets(%dma_start3A_5 : memref<128xi32, #tpu.memory_space<vmem>>) semaphore(%arg12 : memref<!tpu.dma_semaphore, #tpu.memory_space<semaphore_mem>>)
    %scan3A = arith.constant 0 : i32
    %scan3A_9 = arith.constant 0 : i32
    %scan3A_10 = arith.constant 20 : i32
    %scan3A_11 = arith.addi %scan3A_9, %scan3A_10 : i32
    %scan3A_12 = arith.constant 1 : i32
    scf.for %scan3A_35 = %scan3A_9 to %scan3A_11 step %scan3A_12  : i32 {
      %mul3A_36 = arith.constant 2 : i32
      %mul3A_37 = arith.muli %mul3A_36, %scan3A_35 : i32
      %add3A_38 = arith.constant 1 : i32
      %add3A_39 = arith.addi %mul3A_37, %add3A_38 : i32
      %dma_start3A_40 = arith.constant 0 : i32
      %dma_start3A_41 = tpu.memref_slice %arg8[%add3A_39, %dma_start3A_40] : memref<40x128xi32, #tpu.memory_space<vmem>> -> memref<1x128xi32, #tpu.memory_space<vmem>>
      %dma_start3A_42 = tpu.memref_squeeze %dma_start3A_41 : memref<1x128xi32, #tpu.memory_space<vmem>> -> memref<128xi32, #tpu.memory_space<vmem>>
      %dma_start3A_43 = arith.constant 0 : i32
      %dma_start3A_44 = arith.constant 0 : i32
      %dma_start3A_45 = tpu.memref_slice %arg4[%dma_start3A_43, %dma_start3A_44] : memref<10000x128xf32, #tpu.memory_space<hbm>> -> memref<10000x128xf32, #tpu.memory_space<hbm>>
      tpu.enqueue_indirect_dma source(%dma_start3A_45 : memref<10000x128xf32, #tpu.memory_space<hbm>>) target(%arg11 : memref<128x128xf32, #tpu.memory_space<vmem>>) offsets(%dma_start3A_42 : memref<128xi32, #tpu.memory_space<vmem>>) semaphore(%arg13 : memref<!tpu.dma_semaphore, #tpu.memory_space<semaphore_mem>>)
      %dma_wait3A = arith.constant 0 : i32
      %dma_wait3A_46 = tpu.memref_slice %arg8[%mul3A_37, %dma_wait3A] : memref<40x128xi32, #tpu.memory_space<vmem>> -> memref<1x128xi32, #tpu.memory_space<vmem>>
      %dma_wait3A_47 = tpu.memref_squeeze %dma_wait3A_46 : memref<1x128xi32, #tpu.memory_space<vmem>> -> memref<128xi32, #tpu.memory_space<vmem>>
      %dma_wait3A_48 = arith.constant 0 : i32
      %dma_wait3A_49 = arith.constant 0 : i32
      %dma_wait3A_50 = tpu.memref_slice %arg4[%dma_wait3A_48, %dma_wait3A_49] : memref<10000x128xf32, #tpu.memory_space<hbm>> -> memref<10000x128xf32, #tpu.memory_space<hbm>>
      tpu.wait_indirect_dma semaphore(%arg12 : memref<!tpu.dma_semaphore, #tpu.memory_space<semaphore_mem>>) src(%dma_wait3A_50 : memref<10000x128xf32, #tpu.memory_space<hbm>>) dst(%arg10 : memref<128x128xf32, #tpu.memory_space<vmem>>)
      "tpu.region"() ({
        %run_scoped3A = tpu.sem_alloc : memref<!tpu.dma_semaphore, #tpu.memory_space<semaphore_mem>>
        %dma_start3A_61 = arith.constant 0 : i32
        %dma_start3A_62 = tpu.memref_slice %arg9[%mul3A_37, %dma_start3A_61] : memref<40x128xi32, #tpu.memory_space<vmem>> -> memref<1x128xi32, #tpu.memory_space<vmem>>
        %dma_start3A_63 = tpu.memref_squeeze %dma_start3A_62 : memref<1x128xi32, #tpu.memory_space<vmem>> -> memref<128xi32, #tpu.memory_space<vmem>>
        %dma_start3A_64 = arith.constant 0 : i32
        %dma_start3A_65 = arith.constant 0 : i32
        %dma_start3A_66 = tpu.memref_slice %arg7[%dma_start3A_64, %dma_start3A_65] : memref<10112x128xf32, #tpu.memory_space<vmem_shared>> -> memref<10112x128xf32, #tpu.memory_space<vmem_shared>>
        tpu.enqueue_indirect_dma source(%arg10 : memref<128x128xf32, #tpu.memory_space<vmem>>) target(%dma_start3A_66 : memref<10112x128xf32, #tpu.memory_space<vmem_shared>>) offsets(%dma_start3A_63 : memref<128xi32, #tpu.memory_space<vmem>>) semaphore(%run_scoped3A : memref<!tpu.dma_semaphore, #tpu.memory_space<semaphore_mem>>) {add = true}
        %dma_wait3A_67 = arith.constant 0 : i32
        %dma_wait3A_68 = tpu.memref_slice %arg9[%mul3A_37, %dma_wait3A_67] : memref<40x128xi32, #tpu.memory_space<vmem>> -> memref<1x128xi32, #tpu.memory_space<vmem>>
        %dma_wait3A_69 = tpu.memref_squeeze %dma_wait3A_68 : memref<1x128xi32, #tpu.memory_space<vmem>> -> memref<128xi32, #tpu.memory_space<vmem>>
        %dma_wait3A_70 = arith.constant 0 : i32
        %dma_wait3A_71 = arith.constant 0 : i32
        %dma_wait3A_72 = tpu.memref_slice %arg7[%dma_wait3A_70, %dma_wait3A_71] : memref<10112x128xf32, #tpu.memory_space<vmem_shared>> -> memref<10112x128xf32, #tpu.memory_space<vmem_shared>>
        tpu.wait_indirect_dma semaphore(%run_scoped3A : memref<!tpu.dma_semaphore, #tpu.memory_space<semaphore_mem>>) src(%arg10 : memref<128x128xf32, #tpu.memory_space<vmem>>) dst(%dma_wait3A_72 : memref<10112x128xf32, #tpu.memory_space<vmem_shared>>)
        tpu.yield
      }) : () -> ()
      %add3A_51 = arith.constant 2 : i32
      %add3A_52 = arith.addi %mul3A_37, %add3A_51 : i32
      %lt3A = arith.constant 40 : i32
      %lt3A_53 = arith.cmpi slt, %add3A_52, %lt3A : i32
      %convert_element_type3A = arith.extui %lt3A_53 : i1 to i32
      %cond3A = arith.constant 0 : i32
      %cond3A_54 = arith.cmpi ne, %convert_element_type3A, %cond3A : i32
      scf.if %cond3A_54 {
        %add3A_61 = arith.constant 2 : i32
        %add3A_62 = arith.addi %mul3A_37, %add3A_61 : i32
        %dma_start3A_63 = arith.constant 0 : i32
        %dma_start3A_64 = tpu.memref_slice %arg8[%add3A_62, %dma_start3A_63] : memref<40x128xi32, #tpu.memory_space<vmem>> -> memref<1x128xi32, #tpu.memory_space<vmem>>
        %dma_start3A_65 = tpu.memref_squeeze %dma_start3A_64 : memref<1x128xi32, #tpu.memory_space<vmem>> -> memref<128xi32, #tpu.memory_space<vmem>>
        %dma_start3A_66 = arith.constant 0 : i32
        %dma_start3A_67 = arith.constant 0 : i32
        %dma_start3A_68 = tpu.memref_slice %arg4[%dma_start3A_66, %dma_start3A_67] : memref<10000x128xf32, #tpu.memory_space<hbm>> -> memref<10000x128xf32, #tpu.memory_space<hbm>>
        tpu.enqueue_indirect_dma source(%dma_start3A_68 : memref<10000x128xf32, #tpu.memory_space<hbm>>) target(%arg10 : memref<128x128xf32, #tpu.memory_space<vmem>>) offsets(%dma_start3A_65 : memref<128xi32, #tpu.memory_space<vmem>>) semaphore(%arg12 : memref<!tpu.dma_semaphore, #tpu.memory_space<semaphore_mem>>)
      } else {
      }
      %dma_wait3A_55 = arith.constant 0 : i32
      %dma_wait3A_56 = tpu.memref_slice %arg8[%add3A_39, %dma_wait3A_55] : memref<40x128xi32, #tpu.memory_space<vmem>> -> memref<1x128xi32, #tpu.memory_space<vmem>>
      %dma_wait3A_57 = tpu.memref_squeeze %dma_wait3A_56 : memref<1x128xi32, #tpu.memory_space<vmem>> -> memref<128xi32, #tpu.memory_space<vmem>>
      %dma_wait3A_58 = arith.constant 0 : i32
      %dma_wait3A_59 = arith.constant 0 : i32
      %dma_wait3A_60 = tpu.memref_slice %arg4[%dma_wait3A_58, %dma_wait3A_59] : memref<10000x128xf32, #tpu.memory_space<hbm>> -> memref<10000x128xf32, #tpu.memory_space<hbm>>
      tpu.wait_indirect_dma semaphore(%arg13 : memref<!tpu.dma_semaphore, #tpu.memory_space<semaphore_mem>>) src(%dma_wait3A_60 : memref<10000x128xf32, #tpu.memory_space<hbm>>) dst(%arg11 : memref<128x128xf32, #tpu.memory_space<vmem>>)
      "tpu.region"() ({
        %run_scoped3A = tpu.sem_alloc : memref<!tpu.dma_semaphore, #tpu.memory_space<semaphore_mem>>
        %dma_start3A_61 = arith.constant 0 : i32
        %dma_start3A_62 = tpu.memref_slice %arg9[%add3A_39, %dma_start3A_61] : memref<40x128xi32, #tpu.memory_space<vmem>> -> memref<1x128xi32, #tpu.memory_space<vmem>>
        %dma_start3A_63 = tpu.memref_squeeze %dma_start3A_62 : memref<1x128xi32, #tpu.memory_space<vmem>> -> memref<128xi32, #tpu.memory_space<vmem>>
        %dma_start3A_64 = arith.constant 0 : i32
        %dma_start3A_65 = arith.constant 0 : i32
        %dma_start3A_66 = tpu.memref_slice %arg7[%dma_start3A_64, %dma_start3A_65] : memref<10112x128xf32, #tpu.memory_space<vmem_shared>> -> memref<10112x128xf32, #tpu.memory_space<vmem_shared>>
        tpu.enqueue_indirect_dma source(%arg11 : memref<128x128xf32, #tpu.memory_space<vmem>>) target(%dma_start3A_66 : memref<10112x128xf32, #tpu.memory_space<vmem_shared>>) offsets(%dma_start3A_63 : memref<128xi32, #tpu.memory_space<vmem>>) semaphore(%run_scoped3A : memref<!tpu.dma_semaphore, #tpu.memory_space<semaphore_mem>>) {add = true}
        %dma_wait3A_67 = arith.constant 0 : i32
        %dma_wait3A_68 = tpu.memref_slice %arg9[%add3A_39, %dma_wait3A_67] : memref<40x128xi32, #tpu.memory_space<vmem>> -> memref<1x128xi32, #tpu.memory_space<vmem>>
        %dma_wait3A_69 = tpu.memref_squeeze %dma_wait3A_68 : memref<1x128xi32, #tpu.memory_space<vmem>> -> memref<128xi32, #tpu.memory_space<vmem>>
        %dma_wait3A_70 = arith.constant 0 : i32
        %dma_wait3A_71 = arith.constant 0 : i32
        %dma_wait3A_72 = tpu.memref_slice %arg7[%dma_wait3A_70, %dma_wait3A_71] : memref<10112x128xf32, #tpu.memory_space<vmem_shared>> -> memref<10112x128xf32, #tpu.memory_space<vmem_shared>>
        tpu.wait_indirect_dma semaphore(%run_scoped3A : memref<!tpu.dma_semaphore, #tpu.memory_space<semaphore_mem>>) src(%arg11 : memref<128x128xf32, #tpu.memory_space<vmem>>) dst(%dma_wait3A_72 : memref<10112x128xf32, #tpu.memory_space<vmem_shared>>)
        tpu.yield
      }) : () -> ()
    }
    %scan3A_13 = arith.constant 20 : i32
    "tpu.region"() ({
      %run_scoped3A = tpu.sem_alloc : memref<!tpu.dma_semaphore, #tpu.memory_space<semaphore_mem>>
      %dma_start3A_35 = arith.constant 40 : i32
      %dma_start3A_36 = arith.constant 0 : i32
      %dma_start3A_37 = tpu.memref_slice %arg2[%add3A, %dma_start3A_35, %dma_start3A_36] : memref<32x80x128xi32, #tpu.memory_space<hbm>> -> memref<1x40x128xi32, #tpu.memory_space<hbm>>
      %dma_start3A_38 = tpu.memref_squeeze %dma_start3A_37 : memref<1x40x128xi32, #tpu.memory_space<hbm>> -> memref<40x128xi32, #tpu.memory_space<hbm>>
      %dma_start3A_39 = arith.constant 40 : i32
      %dma_start3A_40 = arith.constant 0 : i32
      %dma_start3A_41 = tpu.memref_slice %arg2[%add3A, %dma_start3A_39, %dma_start3A_40] : memref<32x80x128xi32, #tpu.memory_space<hbm>> -> memref<1x40x128xi32, #tpu.memory_space<hbm>>
      %dma_start3A_42 = tpu.memref_squeeze %dma_start3A_41 : memref<1x40x128xi32, #tpu.memory_space<hbm>> -> memref<40x128xi32, #tpu.memory_space<hbm>>
      tpu.enqueue_dma source(%dma_start3A_42 : memref<40x128xi32, #tpu.memory_space<hbm>>) target(%arg8 : memref<40x128xi32, #tpu.memory_space<vmem>>) target_semaphore(%run_scoped3A : memref<!tpu.dma_semaphore, #tpu.memory_space<semaphore_mem>>)
      %dma_wait3A = arith.constant 40 : i32
      %dma_wait3A_43 = arith.constant 0 : i32
      %dma_wait3A_44 = tpu.memref_slice %arg2[%add3A, %dma_wait3A, %dma_wait3A_43] : memref<32x80x128xi32, #tpu.memory_space<hbm>> -> memref<1x40x128xi32, #tpu.memory_space<hbm>>
      %dma_wait3A_45 = tpu.memref_squeeze %dma_wait3A_44 : memref<1x40x128xi32, #tpu.memory_space<hbm>> -> memref<40x128xi32, #tpu.memory_space<hbm>>
      %dma_wait3A_46 = arith.constant 40 : i32
      %dma_wait3A_47 = arith.constant 0 : i32
      %dma_wait3A_48 = tpu.memref_slice %arg2[%add3A, %dma_wait3A_46, %dma_wait3A_47] : memref<32x80x128xi32, #tpu.memory_space<hbm>> -> memref<1x40x128xi32, #tpu.memory_space<hbm>>
      %dma_wait3A_49 = tpu.memref_squeeze %dma_wait3A_48 : memref<1x40x128xi32, #tpu.memory_space<hbm>> -> memref<40x128xi32, #tpu.memory_space<hbm>>
      tpu.wait_dma2 semaphore(%run_scoped3A : memref<!tpu.dma_semaphore, #tpu.memory_space<semaphore_mem>>) src(%dma_wait3A_49 : memref<40x128xi32, #tpu.memory_space<hbm>>) dst(%arg8 : memref<40x128xi32, #tpu.memory_space<vmem>>)
      tpu.yield
    }) : () -> ()
    "tpu.region"() ({
      %run_scoped3A = tpu.sem_alloc : memref<!tpu.dma_semaphore, #tpu.memory_space<semaphore_mem>>
      %dma_start3A_35 = arith.constant 40 : i32
      %dma_start3A_36 = arith.constant 0 : i32
      %dma_start3A_37 = tpu.memref_slice %arg3[%add3A, %dma_start3A_35, %dma_start3A_36] : memref<32x80x128xi32, #tpu.memory_space<hbm>> -> memref<1x40x128xi32, #tpu.memory_space<hbm>>
      %dma_start3A_38 = tpu.memref_squeeze %dma_start3A_37 : memref<1x40x128xi32, #tpu.memory_space<hbm>> -> memref<40x128xi32, #tpu.memory_space<hbm>>
      %dma_start3A_39 = arith.constant 40 : i32
      %dma_start3A_40 = arith.constant 0 : i32
      %dma_start3A_41 = tpu.memref_slice %arg3[%add3A, %dma_start3A_39, %dma_start3A_40] : memref<32x80x128xi32, #tpu.memory_space<hbm>> -> memref<1x40x128xi32, #tpu.memory_space<hbm>>
      %dma_start3A_42 = tpu.memref_squeeze %dma_start3A_41 : memref<1x40x128xi32, #tpu.memory_space<hbm>> -> memref<40x128xi32, #tpu.memory_space<hbm>>
      tpu.enqueue_dma source(%dma_start3A_42 : memref<40x128xi32, #tpu.memory_space<hbm>>) target(%arg9 : memref<40x128xi32, #tpu.memory_space<vmem>>) target_semaphore(%run_scoped3A : memref<!tpu.dma_semaphore, #tpu.memory_space<semaphore_mem>>)
      %dma_wait3A = arith.constant 40 : i32
      %dma_wait3A_43 = arith.constant 0 : i32
      %dma_wait3A_44 = tpu.memref_slice %arg3[%add3A, %dma_wait3A, %dma_wait3A_43] : memref<32x80x128xi32, #tpu.memory_space<hbm>> -> memref<1x40x128xi32, #tpu.memory_space<hbm>>
      %dma_wait3A_45 = tpu.memref_squeeze %dma_wait3A_44 : memref<1x40x128xi32, #tpu.memory_space<hbm>> -> memref<40x128xi32, #tpu.memory_space<hbm>>
      %dma_wait3A_46 = arith.constant 40 : i32
      %dma_wait3A_47 = arith.constant 0 : i32
      %dma_wait3A_48 = tpu.memref_slice %arg3[%add3A, %dma_wait3A_46, %dma_wait3A_47] : memref<32x80x128xi32, #tpu.memory_space<hbm>> -> memref<1x40x128xi32, #tpu.memory_space<hbm>>
      %dma_wait3A_49 = tpu.memref_squeeze %dma_wait3A_48 : memref<1x40x128xi32, #tpu.memory_space<hbm>> -> memref<40x128xi32, #tpu.memory_space<hbm>>
      tpu.wait_dma2 semaphore(%run_scoped3A : memref<!tpu.dma_semaphore, #tpu.memory_space<semaphore_mem>>) src(%dma_wait3A_49 : memref<40x128xi32, #tpu.memory_space<hbm>>) dst(%arg9 : memref<40x128xi32, #tpu.memory_space<vmem>>)
      tpu.yield
    }) : () -> ()
    %dma_start3A_14 = arith.constant 0 : i32
    %dma_start3A_15 = arith.constant 0 : i32
    %dma_start3A_16 = tpu.memref_slice %arg8[%dma_start3A_14, %dma_start3A_15] : memref<40x128xi32, #tpu.memory_space<vmem>> -> memref<1x128xi32, #tpu.memory_space<vmem>>
    %dma_start3A_17 = tpu.memref_squeeze %dma_start3A_16 : memref<1x128xi32, #tpu.memory_space<vmem>> -> memref<128xi32, #tpu.memory_space<vmem>>
    %dma_start3A_18 = arith.constant 0 : i32
    %dma_start3A_19 = arith.constant 0 : i32
    %dma_start3A_20 = tpu.memref_slice %arg4[%dma_start3A_18, %dma_start3A_19] : memref<10000x128xf32, #tpu.memory_space<hbm>> -> memref<10000x128xf32, #tpu.memory_space<hbm>>
    tpu.enqueue_indirect_dma source(%dma_start3A_20 : memref<10000x128xf32, #tpu.memory_space<hbm>>) target(%arg10 : memref<128x128xf32, #tpu.memory_space<vmem>>) offsets(%dma_start3A_17 : memref<128xi32, #tpu.memory_space<vmem>>) semaphore(%arg12 : memref<!tpu.dma_semaphore, #tpu.memory_space<semaphore_mem>>)
    %scan3A_21 = arith.constant 0 : i32
    %scan3A_22 = arith.constant 0 : i32
    %scan3A_23 = arith.constant 20 : i32
    %scan3A_24 = arith.addi %scan3A_22, %scan3A_23 : i32
    %scan3A_25 = arith.constant 1 : i32
    scf.for %scan3A_35 = %scan3A_22 to %scan3A_24 step %scan3A_25  : i32 {
      %mul3A_36 = arith.constant 2 : i32
      %mul3A_37 = arith.muli %mul3A_36, %scan3A_35 : i32
      %add3A_38 = arith.constant 1 : i32
      %add3A_39 = arith.addi %mul3A_37, %add3A_38 : i32
      %dma_start3A_40 = arith.constant 0 : i32
      %dma_start3A_41 = tpu.memref_slice %arg8[%add3A_39, %dma_start3A_40] : memref<40x128xi32, #tpu.memory_space<vmem>> -> memref<1x128xi32, #tpu.memory_space<vmem>>
      %dma_start3A_42 = tpu.memref_squeeze %dma_start3A_41 : memref<1x128xi32, #tpu.memory_space<vmem>> -> memref<128xi32, #tpu.memory_space<vmem>>
      %dma_start3A_43 = arith.constant 0 : i32
      %dma_start3A_44 = arith.constant 0 : i32
      %dma_start3A_45 = tpu.memref_slice %arg4[%dma_start3A_43, %dma_start3A_44] : memref<10000x128xf32, #tpu.memory_space<hbm>> -> memref<10000x128xf32, #tpu.memory_space<hbm>>
      tpu.enqueue_indirect_dma source(%dma_start3A_45 : memref<10000x128xf32, #tpu.memory_space<hbm>>) target(%arg11 : memref<128x128xf32, #tpu.memory_space<vmem>>) offsets(%dma_start3A_42 : memref<128xi32, #tpu.memory_space<vmem>>) semaphore(%arg13 : memref<!tpu.dma_semaphore, #tpu.memory_space<semaphore_mem>>)
      %dma_wait3A = arith.constant 0 : i32
      %dma_wait3A_46 = tpu.memref_slice %arg8[%mul3A_37, %dma_wait3A] : memref<40x128xi32, #tpu.memory_space<vmem>> -> memref<1x128xi32, #tpu.memory_space<vmem>>
      %dma_wait3A_47 = tpu.memref_squeeze %dma_wait3A_46 : memref<1x128xi32, #tpu.memory_space<vmem>> -> memref<128xi32, #tpu.memory_space<vmem>>
      %dma_wait3A_48 = arith.constant 0 : i32
      %dma_wait3A_49 = arith.constant 0 : i32
      %dma_wait3A_50 = tpu.memref_slice %arg4[%dma_wait3A_48, %dma_wait3A_49] : memref<10000x128xf32, #tpu.memory_space<hbm>> -> memref<10000x128xf32, #tpu.memory_space<hbm>>
      tpu.wait_indirect_dma semaphore(%arg12 : memref<!tpu.dma_semaphore, #tpu.memory_space<semaphore_mem>>) src(%dma_wait3A_50 : memref<10000x128xf32, #tpu.memory_space<hbm>>) dst(%arg10 : memref<128x128xf32, #tpu.memory_space<vmem>>)
      "tpu.region"() ({
        %run_scoped3A = tpu.sem_alloc : memref<!tpu.dma_semaphore, #tpu.memory_space<semaphore_mem>>
        %dma_start3A_61 = arith.constant 0 : i32
        %dma_start3A_62 = tpu.memref_slice %arg9[%mul3A_37, %dma_start3A_61] : memref<40x128xi32, #tpu.memory_space<vmem>> -> memref<1x128xi32, #tpu.memory_space<vmem>>
        %dma_start3A_63 = tpu.memref_squeeze %dma_start3A_62 : memref<1x128xi32, #tpu.memory_space<vmem>> -> memref<128xi32, #tpu.memory_space<vmem>>
        %dma_start3A_64 = arith.constant 0 : i32
        %dma_start3A_65 = arith.constant 0 : i32
        %dma_start3A_66 = tpu.memref_slice %arg7[%dma_start3A_64, %dma_start3A_65] : memref<10112x128xf32, #tpu.memory_space<vmem_shared>> -> memref<10112x128xf32, #tpu.memory_space<vmem_shared>>
        tpu.enqueue_indirect_dma source(%arg10 : memref<128x128xf32, #tpu.memory_space<vmem>>) target(%dma_start3A_66 : memref<10112x128xf32, #tpu.memory_space<vmem_shared>>) offsets(%dma_start3A_63 : memref<128xi32, #tpu.memory_space<vmem>>) semaphore(%run_scoped3A : memref<!tpu.dma_semaphore, #tpu.memory_space<semaphore_mem>>) {add = true}
        %dma_wait3A_67 = arith.constant 0 : i32
        %dma_wait3A_68 = tpu.memref_slice %arg9[%mul3A_37, %dma_wait3A_67] : memref<40x128xi32, #tpu.memory_space<vmem>> -> memref<1x128xi32, #tpu.memory_space<vmem>>
        %dma_wait3A_69 = tpu.memref_squeeze %dma_wait3A_68 : memref<1x128xi32, #tpu.memory_space<vmem>> -> memref<128xi32, #tpu.memory_space<vmem>>
        %dma_wait3A_70 = arith.constant 0 : i32
        %dma_wait3A_71 = arith.constant 0 : i32
        %dma_wait3A_72 = tpu.memref_slice %arg7[%dma_wait3A_70, %dma_wait3A_71] : memref<10112x128xf32, #tpu.memory_space<vmem_shared>> -> memref<10112x128xf32, #tpu.memory_space<vmem_shared>>
        tpu.wait_indirect_dma semaphore(%run_scoped3A : memref<!tpu.dma_semaphore, #tpu.memory_space<semaphore_mem>>) src(%arg10 : memref<128x128xf32, #tpu.memory_space<vmem>>) dst(%dma_wait3A_72 : memref<10112x128xf32, #tpu.memory_space<vmem_shared>>)
        tpu.yield
      }) : () -> ()
      %add3A_51 = arith.constant 2 : i32
      %add3A_52 = arith.addi %mul3A_37, %add3A_51 : i32
      %lt3A = arith.constant 40 : i32
      %lt3A_53 = arith.cmpi slt, %add3A_52, %lt3A : i32
      %convert_element_type3A = arith.extui %lt3A_53 : i1 to i32
      %cond3A = arith.constant 0 : i32
      %cond3A_54 = arith.cmpi ne, %convert_element_type3A, %cond3A : i32
      scf.if %cond3A_54 {
        %add3A_61 = arith.constant 2 : i32
        %add3A_62 = arith.addi %mul3A_37, %add3A_61 : i32
        %dma_start3A_63 = arith.constant 0 : i32
        %dma_start3A_64 = tpu.memref_slice %arg8[%add3A_62, %dma_start3A_63] : memref<40x128xi32, #tpu.memory_space<vmem>> -> memref<1x128xi32, #tpu.memory_space<vmem>>
        %dma_start3A_65 = tpu.memref_squeeze %dma_start3A_64 : memref<1x128xi32, #tpu.memory_space<vmem>> -> memref<128xi32, #tpu.memory_space<vmem>>
        %dma_start3A_66 = arith.constant 0 : i32
        %dma_start3A_67 = arith.constant 0 : i32
        %dma_start3A_68 = tpu.memref_slice %arg4[%dma_start3A_66, %dma_start3A_67] : memref<10000x128xf32, #tpu.memory_space<hbm>> -> memref<10000x128xf32, #tpu.memory_space<hbm>>
        tpu.enqueue_indirect_dma source(%dma_start3A_68 : memref<10000x128xf32, #tpu.memory_space<hbm>>) target(%arg10 : memref<128x128xf32, #tpu.memory_space<vmem>>) offsets(%dma_start3A_65 : memref<128xi32, #tpu.memory_space<vmem>>) semaphore(%arg12 : memref<!tpu.dma_semaphore, #tpu.memory_space<semaphore_mem>>)
      } else {
      }
      %dma_wait3A_55 = arith.constant 0 : i32
      %dma_wait3A_56 = tpu.memref_slice %arg8[%add3A_39, %dma_wait3A_55] : memref<40x128xi32, #tpu.memory_space<vmem>> -> memref<1x128xi32, #tpu.memory_space<vmem>>
      %dma_wait3A_57 = tpu.memref_squeeze %dma_wait3A_56 : memref<1x128xi32, #tpu.memory_space<vmem>> -> memref<128xi32, #tpu.memory_space<vmem>>
      %dma_wait3A_58 = arith.constant 0 : i32
      %dma_wait3A_59 = arith.constant 0 : i32
      %dma_wait3A_60 = tpu.memref_slice %arg4[%dma_wait3A_58, %dma_wait3A_59] : memref<10000x128xf32, #tpu.memory_space<hbm>> -> memref<10000x128xf32, #tpu.memory_space<hbm>>
      tpu.wait_indirect_dma semaphore(%arg13 : memref<!tpu.dma_semaphore, #tpu.memory_space<semaphore_mem>>) src(%dma_wait3A_60 : memref<10000x128xf32, #tpu.memory_space<hbm>>) dst(%arg11 : memref<128x128xf32, #tpu.memory_space<vmem>>)
      "tpu.region"() ({
        %run_scoped3A = tpu.sem_alloc : memref<!tpu.dma_semaphore, #tpu.memory_space<semaphore_mem>>
        %dma_start3A_61 = arith.constant 0 : i32
        %dma_start3A_62 = tpu.memref_slice %arg9[%add3A_39, %dma_start3A_61] : memref<40x128xi32, #tpu.memory_space<vmem>> -> memref<1x128xi32, #tpu.memory_space<vmem>>
        %dma_start3A_63 = tpu.memref_squeeze %dma_start3A_62 : memref<1x128xi32, #tpu.memory_space<vmem>> -> memref<128xi32, #tpu.memory_space<vmem>>
        %dma_start3A_64 = arith.constant 0 : i32
        %dma_start3A_65 = arith.constant 0 : i32
        %dma_start3A_66 = tpu.memref_slice %arg7[%dma_start3A_64, %dma_start3A_65] : memref<10112x128xf32, #tpu.memory_space<vmem_shared>> -> memref<10112x128xf32, #tpu.memory_space<vmem_shared>>
        tpu.enqueue_indirect_dma source(%arg11 : memref<128x128xf32, #tpu.memory_space<vmem>>) target(%dma_start3A_66 : memref<10112x128xf32, #tpu.memory_space<vmem_shared>>) offsets(%dma_start3A_63 : memref<128xi32, #tpu.memory_space<vmem>>) semaphore(%run_scoped3A : memref<!tpu.dma_semaphore, #tpu.memory_space<semaphore_mem>>) {add = true}
        %dma_wait3A_67 = arith.constant 0 : i32
        %dma_wait3A_68 = tpu.memref_slice %arg9[%add3A_39, %dma_wait3A_67] : memref<40x128xi32, #tpu.memory_space<vmem>> -> memref<1x128xi32, #tpu.memory_space<vmem>>
        %dma_wait3A_69 = tpu.memref_squeeze %dma_wait3A_68 : memref<1x128xi32, #tpu.memory_space<vmem>> -> memref<128xi32, #tpu.memory_space<vmem>>
        %dma_wait3A_70 = arith.constant 0 : i32
        %dma_wait3A_71 = arith.constant 0 : i32
        %dma_wait3A_72 = tpu.memref_slice %arg7[%dma_wait3A_70, %dma_wait3A_71] : memref<10112x128xf32, #tpu.memory_space<vmem_shared>> -> memref<10112x128xf32, #tpu.memory_space<vmem_shared>>
        tpu.wait_indirect_dma semaphore(%run_scoped3A : memref<!tpu.dma_semaphore, #tpu.memory_space<semaphore_mem>>) src(%arg11 : memref<128x128xf32, #tpu.memory_space<vmem>>) dst(%dma_wait3A_72 : memref<10112x128xf32, #tpu.memory_space<vmem_shared>>)
        tpu.yield
      }) : () -> ()
    }
    %scan3A_26 = arith.constant 20 : i32
    %barrier3A_27 = arith.constant 0 : index
    tpu.barrier barrier_id(%barrier3A_27)
    %mul3A_28 = arith.constant 632 : i32
    %mul3A_29 = arith.muli %arg1, %mul3A_28 : i32
    %mul3A_30 = arith.constant 10112 : i32
    %mul3A_31 = arith.muli %arg0, %mul3A_30 : i32
    %mul3A_32 = arith.constant 632 : i32
    %mul3A_33 = arith.muli %arg1, %mul3A_32 : i32
    %add3A_34 = arith.addi %mul3A_31, %mul3A_33 : i32
    "tpu.region"() ({
      %run_scoped3A = tpu.sem_alloc : memref<!tpu.dma_semaphore, #tpu.memory_space<semaphore_mem>>
      %dma_start3A_35 = arith.constant 0 : i32
      %dma_start3A_36 = tpu.memref_slice %arg6[%add3A_34, %dma_start3A_35] : memref<20224x128xf32, #tpu.memory_space<hbm>> -> memref<632x128xf32, #tpu.memory_space<hbm>>
      %dma_start3A_37 = arith.constant 0 : i32
      %dma_start3A_38 = tpu.memref_slice %arg7[%mul3A_29, %dma_start3A_37] : memref<10112x128xf32, #tpu.memory_space<vmem_shared>> -> memref<632x128xf32, #tpu.memory_space<vmem_shared>>
      tpu.enqueue_dma source(%dma_start3A_38 : memref<632x128xf32, #tpu.memory_space<vmem_shared>>) target(%dma_start3A_36 : memref<632x128xf32, #tpu.memory_space<hbm>>) target_semaphore(%run_scoped3A : memref<!tpu.dma_semaphore, #tpu.memory_space<semaphore_mem>>)
      %dma_wait3A = arith.constant 0 : i32
      %dma_wait3A_39 = tpu.memref_slice %arg6[%add3A_34, %dma_wait3A] : memref<20224x128xf32, #tpu.memory_space<hbm>> -> memref<632x128xf32, #tpu.memory_space<hbm>>
      %dma_wait3A_40 = arith.constant 0 : i32
      %dma_wait3A_41 = tpu.memref_slice %arg7[%mul3A_29, %dma_wait3A_40] : memref<10112x128xf32, #tpu.memory_space<vmem_shared>> -> memref<632x128xf32, #tpu.memory_space<vmem_shared>>
      tpu.wait_dma2 semaphore(%run_scoped3A : memref<!tpu.dma_semaphore, #tpu.memory_space<semaphore_mem>>) src(%dma_wait3A_41 : memref<632x128xf32, #tpu.memory_space<vmem_shared>>) dst(%dma_wait3A_39 : memref<632x128xf32, #tpu.memory_space<hbm>>)
      tpu.yield
    }) : () -> ()
    return
  }
}

#map = affine_map<(d0, d1) -> (0, 0, 0)>
#map1 = affine_map<(d0, d1) -> (0, 0)>
module attributes {stable_mosaic.version = 14 : i64} {
  func.func @_agg_body(%arg0: i32, %arg1: i32, %arg2: memref<32x80x128xi32, #tpu.memory_space<hbm>>, %arg3: memref<32x80x128xi32, #tpu.memory_space<hbm>>, %arg4: memref<10000x128xf32, #tpu.memory_space<hbm>>, %arg5: memref<632x128xf32, #tpu.memory_space<hbm>>, %arg6: memref<20224x128xf32, #tpu.memory_space<hbm>>, %arg7: memref<10112x128xf32, #tpu.memory_space<vmem_shared>>, %arg8: memref<40x128xi32, #tpu.memory_space<vmem>>, %arg9: memref<40x128xi32, #tpu.memory_space<vmem>>, %arg10: memref<128x128xf32, #tpu.memory_space<vmem>>, %arg11: memref<128x128xf32, #tpu.memory_space<vmem>>, %arg12: memref<!tpu.dma_semaphore, #tpu.memory_space<semaphore_mem>>, %arg13: memref<!tpu.dma_semaphore, #tpu.memory_space<semaphore_mem>>) attributes {dimension_semantics = [#tpu.dimension_semantics<core_parallel>, #tpu.dimension_semantics<subcore_parallel>], iteration_bounds = array<i64: 2, 16>, scalar_prefetch = 0 : i64, scratch_operands = 7 : i64, tpu.core_type = #tpu.core_type<sc_vector_subcore>, window_params = [{transform_indices = #map}, {transform_indices = #map}, {transform_indices = #map1}, {transform_indices = #map1}, {transform_indices = #map1}]} {
    %mul3A = arith.constant 16 : i32
    %mul3A_0 = arith.muli %arg0, %mul3A : i32
    %add3A = arith.addi %mul3A_0, %arg1 : i32
    %mul3A_1 = arith.constant 632 : i32
    %mul3A_2 = arith.muli %arg1, %mul3A_1 : i32
    "tpu.region"() ({
      %run_scoped3A = tpu.sem_alloc : memref<!tpu.dma_semaphore, #tpu.memory_space<semaphore_mem>>
      %dma_start3A_35 = arith.constant 0 : i32
      %dma_start3A_36 = tpu.memref_slice %arg7[%mul3A_2, %dma_start3A_35] : memref<10112x128xf32, #tpu.memory_space<vmem_shared>> -> memref<632x128xf32, #tpu.memory_space<vmem_shared>>
      tpu.enqueue_dma source(%arg5 : memref<632x128xf32, #tpu.memory_space<hbm>>) target(%dma_start3A_36 : memref<632x128xf32, #tpu.memory_space<vmem_shared>>) target_semaphore(%run_scoped3A : memref<!tpu.dma_semaphore, #tpu.memory_space<semaphore_mem>>)
      %dma_wait3A = arith.constant 0 : i32
      %dma_wait3A_37 = tpu.memref_slice %arg7[%mul3A_2, %dma_wait3A] : memref<10112x128xf32, #tpu.memory_space<vmem_shared>> -> memref<632x128xf32, #tpu.memory_space<vmem_shared>>
      tpu.wait_dma2 semaphore(%run_scoped3A : memref<!tpu.dma_semaphore, #tpu.memory_space<semaphore_mem>>) src(%arg5 : memref<632x128xf32, #tpu.memory_space<hbm>>) dst(%dma_wait3A_37 : memref<632x128xf32, #tpu.memory_space<vmem_shared>>)
      tpu.yield
    }) : () -> ()
    %barrier3A = arith.constant 0 : index
    tpu.barrier barrier_id(%barrier3A)
    "tpu.region"() ({
      %run_scoped3A = tpu.sem_alloc : memref<!tpu.dma_semaphore, #tpu.memory_space<semaphore_mem>>
      %dma_start3A_35 = arith.constant 0 : i32
      %dma_start3A_36 = arith.constant 0 : i32
      %dma_start3A_37 = tpu.memref_slice %arg2[%add3A, %dma_start3A_35, %dma_start3A_36] : memref<32x80x128xi32, #tpu.memory_space<hbm>> -> memref<1x40x128xi32, #tpu.memory_space<hbm>>
      %dma_start3A_38 = tpu.memref_squeeze %dma_start3A_37 : memref<1x40x128xi32, #tpu.memory_space<hbm>> -> memref<40x128xi32, #tpu.memory_space<hbm>>
      %dma_start3A_39 = arith.constant 0 : i32
      %dma_start3A_40 = arith.constant 0 : i32
      %dma_start3A_41 = tpu.memref_slice %arg2[%add3A, %dma_start3A_39, %dma_start3A_40] : memref<32x80x128xi32, #tpu.memory_space<hbm>> -> memref<1x40x128xi32, #tpu.memory_space<hbm>>
      %dma_start3A_42 = tpu.memref_squeeze %dma_start3A_41 : memref<1x40x128xi32, #tpu.memory_space<hbm>> -> memref<40x128xi32, #tpu.memory_space<hbm>>
      tpu.enqueue_dma source(%dma_start3A_42 : memref<40x128xi32, #tpu.memory_space<hbm>>) target(%arg8 : memref<40x128xi32, #tpu.memory_space<vmem>>) target_semaphore(%run_scoped3A : memref<!tpu.dma_semaphore, #tpu.memory_space<semaphore_mem>>)
      %dma_wait3A = arith.constant 0 : i32
      %dma_wait3A_43 = arith.constant 0 : i32
      %dma_wait3A_44 = tpu.memref_slice %arg2[%add3A, %dma_wait3A, %dma_wait3A_43] : memref<32x80x128xi32, #tpu.memory_space<hbm>> -> memref<1x40x128xi32, #tpu.memory_space<hbm>>
      %dma_wait3A_45 = tpu.memref_squeeze %dma_wait3A_44 : memref<1x40x128xi32, #tpu.memory_space<hbm>> -> memref<40x128xi32, #tpu.memory_space<hbm>>
      %dma_wait3A_46 = arith.constant 0 : i32
      %dma_wait3A_47 = arith.constant 0 : i32
      %dma_wait3A_48 = tpu.memref_slice %arg2[%add3A, %dma_wait3A_46, %dma_wait3A_47] : memref<32x80x128xi32, #tpu.memory_space<hbm>> -> memref<1x40x128xi32, #tpu.memory_space<hbm>>
      %dma_wait3A_49 = tpu.memref_squeeze %dma_wait3A_48 : memref<1x40x128xi32, #tpu.memory_space<hbm>> -> memref<40x128xi32, #tpu.memory_space<hbm>>
      tpu.wait_dma2 semaphore(%run_scoped3A : memref<!tpu.dma_semaphore, #tpu.memory_space<semaphore_mem>>) src(%dma_wait3A_49 : memref<40x128xi32, #tpu.memory_space<hbm>>) dst(%arg8 : memref<40x128xi32, #tpu.memory_space<vmem>>)
      tpu.yield
    }) : () -> ()
    "tpu.region"() ({
      %run_scoped3A = tpu.sem_alloc : memref<!tpu.dma_semaphore, #tpu.memory_space<semaphore_mem>>
      %dma_start3A_35 = arith.constant 0 : i32
      %dma_start3A_36 = arith.constant 0 : i32
      %dma_start3A_37 = tpu.memref_slice %arg3[%add3A, %dma_start3A_35, %dma_start3A_36] : memref<32x80x128xi32, #tpu.memory_space<hbm>> -> memref<1x40x128xi32, #tpu.memory_space<hbm>>
      %dma_start3A_38 = tpu.memref_squeeze %dma_start3A_37 : memref<1x40x128xi32, #tpu.memory_space<hbm>> -> memref<40x128xi32, #tpu.memory_space<hbm>>
      %dma_start3A_39 = arith.constant 0 : i32
      %dma_start3A_40 = arith.constant 0 : i32
      %dma_start3A_41 = tpu.memref_slice %arg3[%add3A, %dma_start3A_39, %dma_start3A_40] : memref<32x80x128xi32, #tpu.memory_space<hbm>> -> memref<1x40x128xi32, #tpu.memory_space<hbm>>
      %dma_start3A_42 = tpu.memref_squeeze %dma_start3A_41 : memref<1x40x128xi32, #tpu.memory_space<hbm>> -> memref<40x128xi32, #tpu.memory_space<hbm>>
      tpu.enqueue_dma source(%dma_start3A_42 : memref<40x128xi32, #tpu.memory_space<hbm>>) target(%arg9 : memref<40x128xi32, #tpu.memory_space<vmem>>) target_semaphore(%run_scoped3A : memref<!tpu.dma_semaphore, #tpu.memory_space<semaphore_mem>>)
      %dma_wait3A = arith.constant 0 : i32
      %dma_wait3A_43 = arith.constant 0 : i32
      %dma_wait3A_44 = tpu.memref_slice %arg3[%add3A, %dma_wait3A, %dma_wait3A_43] : memref<32x80x128xi32, #tpu.memory_space<hbm>> -> memref<1x40x128xi32, #tpu.memory_space<hbm>>
      %dma_wait3A_45 = tpu.memref_squeeze %dma_wait3A_44 : memref<1x40x128xi32, #tpu.memory_space<hbm>> -> memref<40x128xi32, #tpu.memory_space<hbm>>
      %dma_wait3A_46 = arith.constant 0 : i32
      %dma_wait3A_47 = arith.constant 0 : i32
      %dma_wait3A_48 = tpu.memref_slice %arg3[%add3A, %dma_wait3A_46, %dma_wait3A_47] : memref<32x80x128xi32, #tpu.memory_space<hbm>> -> memref<1x40x128xi32, #tpu.memory_space<hbm>>
      %dma_wait3A_49 = tpu.memref_squeeze %dma_wait3A_48 : memref<1x40x128xi32, #tpu.memory_space<hbm>> -> memref<40x128xi32, #tpu.memory_space<hbm>>
      tpu.wait_dma2 semaphore(%run_scoped3A : memref<!tpu.dma_semaphore, #tpu.memory_space<semaphore_mem>>) src(%dma_wait3A_49 : memref<40x128xi32, #tpu.memory_space<hbm>>) dst(%arg9 : memref<40x128xi32, #tpu.memory_space<vmem>>)
      tpu.yield
    }) : () -> ()
    %dma_start3A = arith.constant 0 : i32
    %dma_start3A_3 = arith.constant 0 : i32
    %dma_start3A_4 = tpu.memref_slice %arg8[%dma_start3A, %dma_start3A_3] : memref<40x128xi32, #tpu.memory_space<vmem>> -> memref<1x128xi32, #tpu.memory_space<vmem>>
    %dma_start3A_5 = tpu.memref_squeeze %dma_start3A_4 : memref<1x128xi32, #tpu.memory_space<vmem>> -> memref<128xi32, #tpu.memory_space<vmem>>
    %dma_start3A_6 = arith.constant 0 : i32
    %dma_start3A_7 = arith.constant 0 : i32
    %dma_start3A_8 = tpu.memref_slice %arg4[%dma_start3A_6, %dma_start3A_7] : memref<10000x128xf32, #tpu.memory_space<hbm>> -> memref<10000x128xf32, #tpu.memory_space<hbm>>
    tpu.enqueue_indirect_dma source(%dma_start3A_8 : memref<10000x128xf32, #tpu.memory_space<hbm>>) target(%arg10 : memref<128x128xf32, #tpu.memory_space<vmem>>) offsets(%dma_start3A_5 : memref<128xi32, #tpu.memory_space<vmem>>) semaphore(%arg12 : memref<!tpu.dma_semaphore, #tpu.memory_space<semaphore_mem>>)
    %scan3A = arith.constant 0 : i32
    %scan3A_9 = arith.constant 0 : i32
    %scan3A_10 = arith.constant 20 : i32
    %scan3A_11 = arith.addi %scan3A_9, %scan3A_10 : i32
    %scan3A_12 = arith.constant 1 : i32
    scf.for %scan3A_35 = %scan3A_9 to %scan3A_11 step %scan3A_12  : i32 {
      %mul3A_36 = arith.constant 2 : i32
      %mul3A_37 = arith.muli %mul3A_36, %scan3A_35 : i32
      %add3A_38 = arith.constant 1 : i32
      %add3A_39 = arith.addi %mul3A_37, %add3A_38 : i32
      %dma_start3A_40 = arith.constant 0 : i32
      %dma_start3A_41 = tpu.memref_slice %arg8[%add3A_39, %dma_start3A_40] : memref<40x128xi32, #tpu.memory_space<vmem>> -> memref<1x128xi32, #tpu.memory_space<vmem>>
      %dma_start3A_42 = tpu.memref_squeeze %dma_start3A_41 : memref<1x128xi32, #tpu.memory_space<vmem>> -> memref<128xi32, #tpu.memory_space<vmem>>
      %dma_start3A_43 = arith.constant 0 : i32
      %dma_start3A_44 = arith.constant 0 : i32
      %dma_start3A_45 = tpu.memref_slice %arg4[%dma_start3A_43, %dma_start3A_44] : memref<10000x128xf32, #tpu.memory_space<hbm>> -> memref<10000x128xf32, #tpu.memory_space<hbm>>
      tpu.enqueue_indirect_dma source(%dma_start3A_45 : memref<10000x128xf32, #tpu.memory_space<hbm>>) target(%arg11 : memref<128x128xf32, #tpu.memory_space<vmem>>) offsets(%dma_start3A_42 : memref<128xi32, #tpu.memory_space<vmem>>) semaphore(%arg13 : memref<!tpu.dma_semaphore, #tpu.memory_space<semaphore_mem>>)
      %dma_wait3A = arith.constant 0 : i32
      %dma_wait3A_46 = tpu.memref_slice %arg8[%mul3A_37, %dma_wait3A] : memref<40x128xi32, #tpu.memory_space<vmem>> -> memref<1x128xi32, #tpu.memory_space<vmem>>
      %dma_wait3A_47 = tpu.memref_squeeze %dma_wait3A_46 : memref<1x128xi32, #tpu.memory_space<vmem>> -> memref<128xi32, #tpu.memory_space<vmem>>
      %dma_wait3A_48 = arith.constant 0 : i32
      %dma_wait3A_49 = arith.constant 0 : i32
      %dma_wait3A_50 = tpu.memref_slice %arg4[%dma_wait3A_48, %dma_wait3A_49] : memref<10000x128xf32, #tpu.memory_space<hbm>> -> memref<10000x128xf32, #tpu.memory_space<hbm>>
      tpu.wait_indirect_dma semaphore(%arg12 : memref<!tpu.dma_semaphore, #tpu.memory_space<semaphore_mem>>) src(%dma_wait3A_50 : memref<10000x128xf32, #tpu.memory_space<hbm>>) dst(%arg10 : memref<128x128xf32, #tpu.memory_space<vmem>>)
      "tpu.region"() ({
        %run_scoped3A = tpu.sem_alloc : memref<!tpu.dma_semaphore, #tpu.memory_space<semaphore_mem>>
        %dma_start3A_61 = arith.constant 0 : i32
        %dma_start3A_62 = tpu.memref_slice %arg9[%mul3A_37, %dma_start3A_61] : memref<40x128xi32, #tpu.memory_space<vmem>> -> memref<1x128xi32, #tpu.memory_space<vmem>>
        %dma_start3A_63 = tpu.memref_squeeze %dma_start3A_62 : memref<1x128xi32, #tpu.memory_space<vmem>> -> memref<128xi32, #tpu.memory_space<vmem>>
        %dma_start3A_64 = arith.constant 0 : i32
        %dma_start3A_65 = arith.constant 0 : i32
        %dma_start3A_66 = tpu.memref_slice %arg7[%dma_start3A_64, %dma_start3A_65] : memref<10112x128xf32, #tpu.memory_space<vmem_shared>> -> memref<10112x128xf32, #tpu.memory_space<vmem_shared>>
        tpu.enqueue_indirect_dma source(%arg10 : memref<128x128xf32, #tpu.memory_space<vmem>>) target(%dma_start3A_66 : memref<10112x128xf32, #tpu.memory_space<vmem_shared>>) offsets(%dma_start3A_63 : memref<128xi32, #tpu.memory_space<vmem>>) semaphore(%run_scoped3A : memref<!tpu.dma_semaphore, #tpu.memory_space<semaphore_mem>>) {add = true}
        %dma_wait3A_67 = arith.constant 0 : i32
        %dma_wait3A_68 = tpu.memref_slice %arg9[%mul3A_37, %dma_wait3A_67] : memref<40x128xi32, #tpu.memory_space<vmem>> -> memref<1x128xi32, #tpu.memory_space<vmem>>
        %dma_wait3A_69 = tpu.memref_squeeze %dma_wait3A_68 : memref<1x128xi32, #tpu.memory_space<vmem>> -> memref<128xi32, #tpu.memory_space<vmem>>
        %dma_wait3A_70 = arith.constant 0 : i32
        %dma_wait3A_71 = arith.constant 0 : i32
        %dma_wait3A_72 = tpu.memref_slice %arg7[%dma_wait3A_70, %dma_wait3A_71] : memref<10112x128xf32, #tpu.memory_space<vmem_shared>> -> memref<10112x128xf32, #tpu.memory_space<vmem_shared>>
        tpu.wait_indirect_dma semaphore(%run_scoped3A : memref<!tpu.dma_semaphore, #tpu.memory_space<semaphore_mem>>) src(%arg10 : memref<128x128xf32, #tpu.memory_space<vmem>>) dst(%dma_wait3A_72 : memref<10112x128xf32, #tpu.memory_space<vmem_shared>>)
        tpu.yield
      }) : () -> ()
      %add3A_51 = arith.constant 2 : i32
      %add3A_52 = arith.addi %mul3A_37, %add3A_51 : i32
      %lt3A = arith.constant 40 : i32
      %lt3A_53 = arith.cmpi slt, %add3A_52, %lt3A : i32
      %convert_element_type3A = arith.extui %lt3A_53 : i1 to i32
      %cond3A = arith.constant 0 : i32
      %cond3A_54 = arith.cmpi ne, %convert_element_type3A, %cond3A : i32
      scf.if %cond3A_54 {
        %add3A_61 = arith.constant 2 : i32
        %add3A_62 = arith.addi %mul3A_37, %add3A_61 : i32
        %dma_start3A_63 = arith.constant 0 : i32
        %dma_start3A_64 = tpu.memref_slice %arg8[%add3A_62, %dma_start3A_63] : memref<40x128xi32, #tpu.memory_space<vmem>> -> memref<1x128xi32, #tpu.memory_space<vmem>>
        %dma_start3A_65 = tpu.memref_squeeze %dma_start3A_64 : memref<1x128xi32, #tpu.memory_space<vmem>> -> memref<128xi32, #tpu.memory_space<vmem>>
        %dma_start3A_66 = arith.constant 0 : i32
        %dma_start3A_67 = arith.constant 0 : i32
        %dma_start3A_68 = tpu.memref_slice %arg4[%dma_start3A_66, %dma_start3A_67] : memref<10000x128xf32, #tpu.memory_space<hbm>> -> memref<10000x128xf32, #tpu.memory_space<hbm>>
        tpu.enqueue_indirect_dma source(%dma_start3A_68 : memref<10000x128xf32, #tpu.memory_space<hbm>>) target(%arg10 : memref<128x128xf32, #tpu.memory_space<vmem>>) offsets(%dma_start3A_65 : memref<128xi32, #tpu.memory_space<vmem>>) semaphore(%arg12 : memref<!tpu.dma_semaphore, #tpu.memory_space<semaphore_mem>>)
      } else {
      }
      %dma_wait3A_55 = arith.constant 0 : i32
      %dma_wait3A_56 = tpu.memref_slice %arg8[%add3A_39, %dma_wait3A_55] : memref<40x128xi32, #tpu.memory_space<vmem>> -> memref<1x128xi32, #tpu.memory_space<vmem>>
      %dma_wait3A_57 = tpu.memref_squeeze %dma_wait3A_56 : memref<1x128xi32, #tpu.memory_space<vmem>> -> memref<128xi32, #tpu.memory_space<vmem>>
      %dma_wait3A_58 = arith.constant 0 : i32
      %dma_wait3A_59 = arith.constant 0 : i32
      %dma_wait3A_60 = tpu.memref_slice %arg4[%dma_wait3A_58, %dma_wait3A_59] : memref<10000x128xf32, #tpu.memory_space<hbm>> -> memref<10000x128xf32, #tpu.memory_space<hbm>>
      tpu.wait_indirect_dma semaphore(%arg13 : memref<!tpu.dma_semaphore, #tpu.memory_space<semaphore_mem>>) src(%dma_wait3A_60 : memref<10000x128xf32, #tpu.memory_space<hbm>>) dst(%arg11 : memref<128x128xf32, #tpu.memory_space<vmem>>)
      "tpu.region"() ({
        %run_scoped3A = tpu.sem_alloc : memref<!tpu.dma_semaphore, #tpu.memory_space<semaphore_mem>>
        %dma_start3A_61 = arith.constant 0 : i32
        %dma_start3A_62 = tpu.memref_slice %arg9[%add3A_39, %dma_start3A_61] : memref<40x128xi32, #tpu.memory_space<vmem>> -> memref<1x128xi32, #tpu.memory_space<vmem>>
        %dma_start3A_63 = tpu.memref_squeeze %dma_start3A_62 : memref<1x128xi32, #tpu.memory_space<vmem>> -> memref<128xi32, #tpu.memory_space<vmem>>
        %dma_start3A_64 = arith.constant 0 : i32
        %dma_start3A_65 = arith.constant 0 : i32
        %dma_start3A_66 = tpu.memref_slice %arg7[%dma_start3A_64, %dma_start3A_65] : memref<10112x128xf32, #tpu.memory_space<vmem_shared>> -> memref<10112x128xf32, #tpu.memory_space<vmem_shared>>
        tpu.enqueue_indirect_dma source(%arg11 : memref<128x128xf32, #tpu.memory_space<vmem>>) target(%dma_start3A_66 : memref<10112x128xf32, #tpu.memory_space<vmem_shared>>) offsets(%dma_start3A_63 : memref<128xi32, #tpu.memory_space<vmem>>) semaphore(%run_scoped3A : memref<!tpu.dma_semaphore, #tpu.memory_space<semaphore_mem>>) {add = true}
        %dma_wait3A_67 = arith.constant 0 : i32
        %dma_wait3A_68 = tpu.memref_slice %arg9[%add3A_39, %dma_wait3A_67] : memref<40x128xi32, #tpu.memory_space<vmem>> -> memref<1x128xi32, #tpu.memory_space<vmem>>
        %dma_wait3A_69 = tpu.memref_squeeze %dma_wait3A_68 : memref<1x128xi32, #tpu.memory_space<vmem>> -> memref<128xi32, #tpu.memory_space<vmem>>
        %dma_wait3A_70 = arith.constant 0 : i32
        %dma_wait3A_71 = arith.constant 0 : i32
        %dma_wait3A_72 = tpu.memref_slice %arg7[%dma_wait3A_70, %dma_wait3A_71] : memref<10112x128xf32, #tpu.memory_space<vmem_shared>> -> memref<10112x128xf32, #tpu.memory_space<vmem_shared>>
        tpu.wait_indirect_dma semaphore(%run_scoped3A : memref<!tpu.dma_semaphore, #tpu.memory_space<semaphore_mem>>) src(%arg11 : memref<128x128xf32, #tpu.memory_space<vmem>>) dst(%dma_wait3A_72 : memref<10112x128xf32, #tpu.memory_space<vmem_shared>>)
        tpu.yield
      }) : () -> ()
    }
    %scan3A_13 = arith.constant 20 : i32
    "tpu.region"() ({
      %run_scoped3A = tpu.sem_alloc : memref<!tpu.dma_semaphore, #tpu.memory_space<semaphore_mem>>
      %dma_start3A_35 = arith.constant 40 : i32
      %dma_start3A_36 = arith.constant 0 : i32
      %dma_start3A_37 = tpu.memref_slice %arg2[%add3A, %dma_start3A_35, %dma_start3A_36] : memref<32x80x128xi32, #tpu.memory_space<hbm>> -> memref<1x40x128xi32, #tpu.memory_space<hbm>>
      %dma_start3A_38 = tpu.memref_squeeze %dma_start3A_37 : memref<1x40x128xi32, #tpu.memory_space<hbm>> -> memref<40x128xi32, #tpu.memory_space<hbm>>
      %dma_start3A_39 = arith.constant 40 : i32
      %dma_start3A_40 = arith.constant 0 : i32
      %dma_start3A_41 = tpu.memref_slice %arg2[%add3A, %dma_start3A_39, %dma_start3A_40] : memref<32x80x128xi32, #tpu.memory_space<hbm>> -> memref<1x40x128xi32, #tpu.memory_space<hbm>>
      %dma_start3A_42 = tpu.memref_squeeze %dma_start3A_41 : memref<1x40x128xi32, #tpu.memory_space<hbm>> -> memref<40x128xi32, #tpu.memory_space<hbm>>
      tpu.enqueue_dma source(%dma_start3A_42 : memref<40x128xi32, #tpu.memory_space<hbm>>) target(%arg8 : memref<40x128xi32, #tpu.memory_space<vmem>>) target_semaphore(%run_scoped3A : memref<!tpu.dma_semaphore, #tpu.memory_space<semaphore_mem>>)
      %dma_wait3A = arith.constant 40 : i32
      %dma_wait3A_43 = arith.constant 0 : i32
      %dma_wait3A_44 = tpu.memref_slice %arg2[%add3A, %dma_wait3A, %dma_wait3A_43] : memref<32x80x128xi32, #tpu.memory_space<hbm>> -> memref<1x40x128xi32, #tpu.memory_space<hbm>>
      %dma_wait3A_45 = tpu.memref_squeeze %dma_wait3A_44 : memref<1x40x128xi32, #tpu.memory_space<hbm>> -> memref<40x128xi32, #tpu.memory_space<hbm>>
      %dma_wait3A_46 = arith.constant 40 : i32
      %dma_wait3A_47 = arith.constant 0 : i32
      %dma_wait3A_48 = tpu.memref_slice %arg2[%add3A, %dma_wait3A_46, %dma_wait3A_47] : memref<32x80x128xi32, #tpu.memory_space<hbm>> -> memref<1x40x128xi32, #tpu.memory_space<hbm>>
      %dma_wait3A_49 = tpu.memref_squeeze %dma_wait3A_48 : memref<1x40x128xi32, #tpu.memory_space<hbm>> -> memref<40x128xi32, #tpu.memory_space<hbm>>
      tpu.wait_dma2 semaphore(%run_scoped3A : memref<!tpu.dma_semaphore, #tpu.memory_space<semaphore_mem>>) src(%dma_wait3A_49 : memref<40x128xi32, #tpu.memory_space<hbm>>) dst(%arg8 : memref<40x128xi32, #tpu.memory_space<vmem>>)
      tpu.yield
    }) : () -> ()
    "tpu.region"() ({
      %run_scoped3A = tpu.sem_alloc : memref<!tpu.dma_semaphore, #tpu.memory_space<semaphore_mem>>
      %dma_start3A_35 = arith.constant 40 : i32
      %dma_start3A_36 = arith.constant 0 : i32
      %dma_start3A_37 = tpu.memref_slice %arg3[%add3A, %dma_start3A_35, %dma_start3A_36] : memref<32x80x128xi32, #tpu.memory_space<hbm>> -> memref<1x40x128xi32, #tpu.memory_space<hbm>>
      %dma_start3A_38 = tpu.memref_squeeze %dma_start3A_37 : memref<1x40x128xi32, #tpu.memory_space<hbm>> -> memref<40x128xi32, #tpu.memory_space<hbm>>
      %dma_start3A_39 = arith.constant 40 : i32
      %dma_start3A_40 = arith.constant 0 : i32
      %dma_start3A_41 = tpu.memref_slice %arg3[%add3A, %dma_start3A_39, %dma_start3A_40] : memref<32x80x128xi32, #tpu.memory_space<hbm>> -> memref<1x40x128xi32, #tpu.memory_space<hbm>>
      %dma_start3A_42 = tpu.memref_squeeze %dma_start3A_41 : memref<1x40x128xi32, #tpu.memory_space<hbm>> -> memref<40x128xi32, #tpu.memory_space<hbm>>
      tpu.enqueue_dma source(%dma_start3A_42 : memref<40x128xi32, #tpu.memory_space<hbm>>) target(%arg9 : memref<40x128xi32, #tpu.memory_space<vmem>>) target_semaphore(%run_scoped3A : memref<!tpu.dma_semaphore, #tpu.memory_space<semaphore_mem>>)
      %dma_wait3A = arith.constant 40 : i32
      %dma_wait3A_43 = arith.constant 0 : i32
      %dma_wait3A_44 = tpu.memref_slice %arg3[%add3A, %dma_wait3A, %dma_wait3A_43] : memref<32x80x128xi32, #tpu.memory_space<hbm>> -> memref<1x40x128xi32, #tpu.memory_space<hbm>>
      %dma_wait3A_45 = tpu.memref_squeeze %dma_wait3A_44 : memref<1x40x128xi32, #tpu.memory_space<hbm>> -> memref<40x128xi32, #tpu.memory_space<hbm>>
      %dma_wait3A_46 = arith.constant 40 : i32
      %dma_wait3A_47 = arith.constant 0 : i32
      %dma_wait3A_48 = tpu.memref_slice %arg3[%add3A, %dma_wait3A_46, %dma_wait3A_47] : memref<32x80x128xi32, #tpu.memory_space<hbm>> -> memref<1x40x128xi32, #tpu.memory_space<hbm>>
      %dma_wait3A_49 = tpu.memref_squeeze %dma_wait3A_48 : memref<1x40x128xi32, #tpu.memory_space<hbm>> -> memref<40x128xi32, #tpu.memory_space<hbm>>
      tpu.wait_dma2 semaphore(%run_scoped3A : memref<!tpu.dma_semaphore, #tpu.memory_space<semaphore_mem>>) src(%dma_wait3A_49 : memref<40x128xi32, #tpu.memory_space<hbm>>) dst(%arg9 : memref<40x128xi32, #tpu.memory_space<vmem>>)
      tpu.yield
    }) : () -> ()
    %dma_start3A_14 = arith.constant 0 : i32
    %dma_start3A_15 = arith.constant 0 : i32
    %dma_start3A_16 = tpu.memref_slice %arg8[%dma_start3A_14, %dma_start3A_15] : memref<40x128xi32, #tpu.memory_space<vmem>> -> memref<1x128xi32, #tpu.memory_space<vmem>>
    %dma_start3A_17 = tpu.memref_squeeze %dma_start3A_16 : memref<1x128xi32, #tpu.memory_space<vmem>> -> memref<128xi32, #tpu.memory_space<vmem>>
    %dma_start3A_18 = arith.constant 0 : i32
    %dma_start3A_19 = arith.constant 0 : i32
    %dma_start3A_20 = tpu.memref_slice %arg4[%dma_start3A_18, %dma_start3A_19] : memref<10000x128xf32, #tpu.memory_space<hbm>> -> memref<10000x128xf32, #tpu.memory_space<hbm>>
    tpu.enqueue_indirect_dma source(%dma_start3A_20 : memref<10000x128xf32, #tpu.memory_space<hbm>>) target(%arg10 : memref<128x128xf32, #tpu.memory_space<vmem>>) offsets(%dma_start3A_17 : memref<128xi32, #tpu.memory_space<vmem>>) semaphore(%arg12 : memref<!tpu.dma_semaphore, #tpu.memory_space<semaphore_mem>>)
    %scan3A_21 = arith.constant 0 : i32
    %scan3A_22 = arith.constant 0 : i32
    %scan3A_23 = arith.constant 20 : i32
    %scan3A_24 = arith.addi %scan3A_22, %scan3A_23 : i32
    %scan3A_25 = arith.constant 1 : i32
    scf.for %scan3A_35 = %scan3A_22 to %scan3A_24 step %scan3A_25  : i32 {
      %mul3A_36 = arith.constant 2 : i32
      %mul3A_37 = arith.muli %mul3A_36, %scan3A_35 : i32
      %add3A_38 = arith.constant 1 : i32
      %add3A_39 = arith.addi %mul3A_37, %add3A_38 : i32
      %dma_start3A_40 = arith.constant 0 : i32
      %dma_start3A_41 = tpu.memref_slice %arg8[%add3A_39, %dma_start3A_40] : memref<40x128xi32, #tpu.memory_space<vmem>> -> memref<1x128xi32, #tpu.memory_space<vmem>>
      %dma_start3A_42 = tpu.memref_squeeze %dma_start3A_41 : memref<1x128xi32, #tpu.memory_space<vmem>> -> memref<128xi32, #tpu.memory_space<vmem>>
      %dma_start3A_43 = arith.constant 0 : i32
      %dma_start3A_44 = arith.constant 0 : i32
      %dma_start3A_45 = tpu.memref_slice %arg4[%dma_start3A_43, %dma_start3A_44] : memref<10000x128xf32, #tpu.memory_space<hbm>> -> memref<10000x128xf32, #tpu.memory_space<hbm>>
      tpu.enqueue_indirect_dma source(%dma_start3A_45 : memref<10000x128xf32, #tpu.memory_space<hbm>>) target(%arg11 : memref<128x128xf32, #tpu.memory_space<vmem>>) offsets(%dma_start3A_42 : memref<128xi32, #tpu.memory_space<vmem>>) semaphore(%arg13 : memref<!tpu.dma_semaphore, #tpu.memory_space<semaphore_mem>>)
      %dma_wait3A = arith.constant 0 : i32
      %dma_wait3A_46 = tpu.memref_slice %arg8[%mul3A_37, %dma_wait3A] : memref<40x128xi32, #tpu.memory_space<vmem>> -> memref<1x128xi32, #tpu.memory_space<vmem>>
      %dma_wait3A_47 = tpu.memref_squeeze %dma_wait3A_46 : memref<1x128xi32, #tpu.memory_space<vmem>> -> memref<128xi32, #tpu.memory_space<vmem>>
      %dma_wait3A_48 = arith.constant 0 : i32
      %dma_wait3A_49 = arith.constant 0 : i32
      %dma_wait3A_50 = tpu.memref_slice %arg4[%dma_wait3A_48, %dma_wait3A_49] : memref<10000x128xf32, #tpu.memory_space<hbm>> -> memref<10000x128xf32, #tpu.memory_space<hbm>>
      tpu.wait_indirect_dma semaphore(%arg12 : memref<!tpu.dma_semaphore, #tpu.memory_space<semaphore_mem>>) src(%dma_wait3A_50 : memref<10000x128xf32, #tpu.memory_space<hbm>>) dst(%arg10 : memref<128x128xf32, #tpu.memory_space<vmem>>)
      "tpu.region"() ({
        %run_scoped3A = tpu.sem_alloc : memref<!tpu.dma_semaphore, #tpu.memory_space<semaphore_mem>>
        %dma_start3A_61 = arith.constant 0 : i32
        %dma_start3A_62 = tpu.memref_slice %arg9[%mul3A_37, %dma_start3A_61] : memref<40x128xi32, #tpu.memory_space<vmem>> -> memref<1x128xi32, #tpu.memory_space<vmem>>
        %dma_start3A_63 = tpu.memref_squeeze %dma_start3A_62 : memref<1x128xi32, #tpu.memory_space<vmem>> -> memref<128xi32, #tpu.memory_space<vmem>>
        %dma_start3A_64 = arith.constant 0 : i32
        %dma_start3A_65 = arith.constant 0 : i32
        %dma_start3A_66 = tpu.memref_slice %arg7[%dma_start3A_64, %dma_start3A_65] : memref<10112x128xf32, #tpu.memory_space<vmem_shared>> -> memref<10112x128xf32, #tpu.memory_space<vmem_shared>>
        tpu.enqueue_indirect_dma source(%arg10 : memref<128x128xf32, #tpu.memory_space<vmem>>) target(%dma_start3A_66 : memref<10112x128xf32, #tpu.memory_space<vmem_shared>>) offsets(%dma_start3A_63 : memref<128xi32, #tpu.memory_space<vmem>>) semaphore(%run_scoped3A : memref<!tpu.dma_semaphore, #tpu.memory_space<semaphore_mem>>) {add = true}
        %dma_wait3A_67 = arith.constant 0 : i32
        %dma_wait3A_68 = tpu.memref_slice %arg9[%mul3A_37, %dma_wait3A_67] : memref<40x128xi32, #tpu.memory_space<vmem>> -> memref<1x128xi32, #tpu.memory_space<vmem>>
        %dma_wait3A_69 = tpu.memref_squeeze %dma_wait3A_68 : memref<1x128xi32, #tpu.memory_space<vmem>> -> memref<128xi32, #tpu.memory_space<vmem>>
        %dma_wait3A_70 = arith.constant 0 : i32
        %dma_wait3A_71 = arith.constant 0 : i32
        %dma_wait3A_72 = tpu.memref_slice %arg7[%dma_wait3A_70, %dma_wait3A_71] : memref<10112x128xf32, #tpu.memory_space<vmem_shared>> -> memref<10112x128xf32, #tpu.memory_space<vmem_shared>>
        tpu.wait_indirect_dma semaphore(%run_scoped3A : memref<!tpu.dma_semaphore, #tpu.memory_space<semaphore_mem>>) src(%arg10 : memref<128x128xf32, #tpu.memory_space<vmem>>) dst(%dma_wait3A_72 : memref<10112x128xf32, #tpu.memory_space<vmem_shared>>)
        tpu.yield
      }) : () -> ()
      %add3A_51 = arith.constant 2 : i32
      %add3A_52 = arith.addi %mul3A_37, %add3A_51 : i32
      %lt3A = arith.constant 40 : i32
      %lt3A_53 = arith.cmpi slt, %add3A_52, %lt3A : i32
      %convert_element_type3A = arith.extui %lt3A_53 : i1 to i32
      %cond3A = arith.constant 0 : i32
      %cond3A_54 = arith.cmpi ne, %convert_element_type3A, %cond3A : i32
      scf.if %cond3A_54 {
        %add3A_61 = arith.constant 2 : i32
        %add3A_62 = arith.addi %mul3A_37, %add3A_61 : i32
        %dma_start3A_63 = arith.constant 0 : i32
        %dma_start3A_64 = tpu.memref_slice %arg8[%add3A_62, %dma_start3A_63] : memref<40x128xi32, #tpu.memory_space<vmem>> -> memref<1x128xi32, #tpu.memory_space<vmem>>
        %dma_start3A_65 = tpu.memref_squeeze %dma_start3A_64 : memref<1x128xi32, #tpu.memory_space<vmem>> -> memref<128xi32, #tpu.memory_space<vmem>>
        %dma_start3A_66 = arith.constant 0 : i32
        %dma_start3A_67 = arith.constant 0 : i32
        %dma_start3A_68 = tpu.memref_slice %arg4[%dma_start3A_66, %dma_start3A_67] : memref<10000x128xf32, #tpu.memory_space<hbm>> -> memref<10000x128xf32, #tpu.memory_space<hbm>>
        tpu.enqueue_indirect_dma source(%dma_start3A_68 : memref<10000x128xf32, #tpu.memory_space<hbm>>) target(%arg10 : memref<128x128xf32, #tpu.memory_space<vmem>>) offsets(%dma_start3A_65 : memref<128xi32, #tpu.memory_space<vmem>>) semaphore(%arg12 : memref<!tpu.dma_semaphore, #tpu.memory_space<semaphore_mem>>)
      } else {
      }
      %dma_wait3A_55 = arith.constant 0 : i32
      %dma_wait3A_56 = tpu.memref_slice %arg8[%add3A_39, %dma_wait3A_55] : memref<40x128xi32, #tpu.memory_space<vmem>> -> memref<1x128xi32, #tpu.memory_space<vmem>>
      %dma_wait3A_57 = tpu.memref_squeeze %dma_wait3A_56 : memref<1x128xi32, #tpu.memory_space<vmem>> -> memref<128xi32, #tpu.memory_space<vmem>>
      %dma_wait3A_58 = arith.constant 0 : i32
      %dma_wait3A_59 = arith.constant 0 : i32
      %dma_wait3A_60 = tpu.memref_slice %arg4[%dma_wait3A_58, %dma_wait3A_59] : memref<10000x128xf32, #tpu.memory_space<hbm>> -> memref<10000x128xf32, #tpu.memory_space<hbm>>
      tpu.wait_indirect_dma semaphore(%arg13 : memref<!tpu.dma_semaphore, #tpu.memory_space<semaphore_mem>>) src(%dma_wait3A_60 : memref<10000x128xf32, #tpu.memory_space<hbm>>) dst(%arg11 : memref<128x128xf32, #tpu.memory_space<vmem>>)
      "tpu.region"() ({
        %run_scoped3A = tpu.sem_alloc : memref<!tpu.dma_semaphore, #tpu.memory_space<semaphore_mem>>
        %dma_start3A_61 = arith.constant 0 : i32
        %dma_start3A_62 = tpu.memref_slice %arg9[%add3A_39, %dma_start3A_61] : memref<40x128xi32, #tpu.memory_space<vmem>> -> memref<1x128xi32, #tpu.memory_space<vmem>>
        %dma_start3A_63 = tpu.memref_squeeze %dma_start3A_62 : memref<1x128xi32, #tpu.memory_space<vmem>> -> memref<128xi32, #tpu.memory_space<vmem>>
        %dma_start3A_64 = arith.constant 0 : i32
        %dma_start3A_65 = arith.constant 0 : i32
        %dma_start3A_66 = tpu.memref_slice %arg7[%dma_start3A_64, %dma_start3A_65] : memref<10112x128xf32, #tpu.memory_space<vmem_shared>> -> memref<10112x128xf32, #tpu.memory_space<vmem_shared>>
        tpu.enqueue_indirect_dma source(%arg11 : memref<128x128xf32, #tpu.memory_space<vmem>>) target(%dma_start3A_66 : memref<10112x128xf32, #tpu.memory_space<vmem_shared>>) offsets(%dma_start3A_63 : memref<128xi32, #tpu.memory_space<vmem>>) semaphore(%run_scoped3A : memref<!tpu.dma_semaphore, #tpu.memory_space<semaphore_mem>>) {add = true}
        %dma_wait3A_67 = arith.constant 0 : i32
        %dma_wait3A_68 = tpu.memref_slice %arg9[%add3A_39, %dma_wait3A_67] : memref<40x128xi32, #tpu.memory_space<vmem>> -> memref<1x128xi32, #tpu.memory_space<vmem>>
        %dma_wait3A_69 = tpu.memref_squeeze %dma_wait3A_68 : memref<1x128xi32, #tpu.memory_space<vmem>> -> memref<128xi32, #tpu.memory_space<vmem>>
        %dma_wait3A_70 = arith.constant 0 : i32
        %dma_wait3A_71 = arith.constant 0 : i32
        %dma_wait3A_72 = tpu.memref_slice %arg7[%dma_wait3A_70, %dma_wait3A_71] : memref<10112x128xf32, #tpu.memory_space<vmem_shared>> -> memref<10112x128xf32, #tpu.memory_space<vmem_shared>>
        tpu.wait_indirect_dma semaphore(%run_scoped3A : memref<!tpu.dma_semaphore, #tpu.memory_space<semaphore_mem>>) src(%arg11 : memref<128x128xf32, #tpu.memory_space<vmem>>) dst(%dma_wait3A_72 : memref<10112x128xf32, #tpu.memory_space<vmem_shared>>)
        tpu.yield
      }) : () -> ()
    }
    %scan3A_26 = arith.constant 20 : i32
    %barrier3A_27 = arith.constant 0 : index
    tpu.barrier barrier_id(%barrier3A_27)
    %mul3A_28 = arith.constant 632 : i32
    %mul3A_29 = arith.muli %arg1, %mul3A_28 : i32
    %mul3A_30 = arith.constant 10112 : i32
    %mul3A_31 = arith.muli %arg0, %mul3A_30 : i32
    %mul3A_32 = arith.constant 632 : i32
    %mul3A_33 = arith.muli %arg1, %mul3A_32 : i32
    %add3A_34 = arith.addi %mul3A_31, %mul3A_33 : i32
    "tpu.region"() ({
      %run_scoped3A = tpu.sem_alloc : memref<!tpu.dma_semaphore, #tpu.memory_space<semaphore_mem>>
      %dma_start3A_35 = arith.constant 0 : i32
      %dma_start3A_36 = tpu.memref_slice %arg6[%add3A_34, %dma_start3A_35] : memref<20224x128xf32, #tpu.memory_space<hbm>> -> memref<632x128xf32, #tpu.memory_space<hbm>>
      %dma_start3A_37 = arith.constant 0 : i32
      %dma_start3A_38 = tpu.memref_slice %arg7[%mul3A_29, %dma_start3A_37] : memref<10112x128xf32, #tpu.memory_space<vmem_shared>> -> memref<632x128xf32, #tpu.memory_space<vmem_shared>>
      tpu.enqueue_dma source(%dma_start3A_38 : memref<632x128xf32, #tpu.memory_space<vmem_shared>>) target(%dma_start3A_36 : memref<632x128xf32, #tpu.memory_space<hbm>>) target_semaphore(%run_scoped3A : memref<!tpu.dma_semaphore, #tpu.memory_space<semaphore_mem>>)
      %dma_wait3A = arith.constant 0 : i32
      %dma_wait3A_39 = tpu.memref_slice %arg6[%add3A_34, %dma_wait3A] : memref<20224x128xf32, #tpu.memory_space<hbm>> -> memref<632x128xf32, #tpu.memory_space<hbm>>
      %dma_wait3A_40 = arith.constant 0 : i32
      %dma_wait3A_41 = tpu.memref_slice %arg7[%mul3A_29, %dma_wait3A_40] : memref<10112x128xf32, #tpu.memory_space<vmem_shared>> -> memref<632x128xf32, #tpu.memory_space<vmem_shared>>
      tpu.wait_dma2 semaphore(%run_scoped3A : memref<!tpu.dma_semaphore, #tpu.memory_space<semaphore_mem>>) src(%dma_wait3A_41 : memref<632x128xf32, #tpu.memory_space<vmem_shared>>) dst(%dma_wait3A_39 : memref<632x128xf32, #tpu.memory_space<hbm>>)
      tpu.yield
    }) : () -> ()
    return
  }
}

module attributes {stable_mosaic.version = 14 : i64} {
  func.func @_dense_body(%arg0: memref<20224x128xf32, #tpu.memory_space<vmem>>, %arg1: memref<10000x16xf32, #tpu.memory_space<vmem>>, %arg2: memref<10000x128xf32, #tpu.memory_space<vmem>>, %arg3: memref<128x128xf32, #tpu.memory_space<vmem>>, %arg4: memref<128x128xf32, #tpu.memory_space<vmem>>, %arg5: memref<1x128xf32, #tpu.memory_space<vmem>>, %arg6: memref<1x128xf32, #tpu.memory_space<vmem>>, %arg7: memref<1x128xf32, #tpu.memory_space<vmem>>, %arg8: memref<10000x128xf32, #tpu.memory_space<vmem>>) attributes {dimension_semantics = [], scalar_prefetch = 0 : i64, scratch_operands = 0 : i64, tpu.core_type = #tpu.core_type<tc>} {
    %get3A = arith.constant 0 : index
    %get3A_0 = arith.constant 0 : index
    %get3A_1 = vector.load %arg0[%get3A, %get3A_0] : memref<20224x128xf32, #tpu.memory_space<vmem>>, vector<10000x128xf32>
    %get3A_2 = arith.constant 10112 : index
    %get3A_3 = arith.constant 0 : index
    %get3A_4 = vector.load %arg0[%get3A_2, %get3A_3] : memref<20224x128xf32, #tpu.memory_space<vmem>>, vector<10000x128xf32>
    %add3A = arith.addf %get3A_1, %get3A_4 : vector<10000x128xf32>
    %get3A_5 = arith.constant 0 : index
    %get3A_6 = arith.constant 0 : index
    %get3A_7 = vector.load %arg1[%get3A_5, %get3A_6] : memref<10000x16xf32, #tpu.memory_space<vmem>>, vector<10000x1xf32>
    %max3A = arith.constant 1.000000e+00 : f32
    %max3A_8 = vector.broadcast %max3A : f32 to vector<10000x1xf32>
    %max3A_9 = arith.maximumf %get3A_7, %max3A_8 : vector<10000x1xf32>
    %div3A = arith.constant 1.000000e+00 : f32
    %div3A_10 = vector.broadcast %div3A : f32 to vector<10000x1xf32>
    %div3A_11 = arith.divf %div3A_10, %max3A_9 : vector<10000x1xf32>
    %mul3A = vector.broadcast %div3A_11 : vector<10000x1xf32> to vector<10000x128xf32>
    %mul3A_12 = arith.mulf %add3A, %mul3A : vector<10000x128xf32>
    %get3A_13 = arith.constant 0 : index
    %get3A_14 = arith.constant 0 : index
    %get3A_15 = vector.load %arg3[%get3A_13, %get3A_14] : memref<128x128xf32, #tpu.memory_space<vmem>>, vector<128x128xf32>
    %dot_general3A = arith.constant dense<0.000000e+00> : vector<10000x128xf32>
    %dot_general3A_16 = tpu.matmul %mul3A_12, %get3A_15, %dot_general3A {dimension_numbers = #tpu.dot_dimension_numbers<[1], [0], [0], [1], [0, 0, 1, 1], [], []>, transpose_lhs_hint = false} : vector<10000x128xf32>, vector<128x128xf32>, vector<10000x128xf32> -> vector<10000x128xf32>
    %get3A_17 = arith.constant 0 : index
    %get3A_18 = arith.constant 0 : index
    %get3A_19 = vector.load %arg2[%get3A_17, %get3A_18] : memref<10000x128xf32, #tpu.memory_space<vmem>>, vector<10000x128xf32>
    %get3A_20 = arith.constant 0 : index
    %get3A_21 = arith.constant 0 : index
    %get3A_22 = vector.load %arg4[%get3A_20, %get3A_21] : memref<128x128xf32, #tpu.memory_space<vmem>>, vector<128x128xf32>
    %dot_general3A_23 = arith.constant dense<0.000000e+00> : vector<10000x128xf32>
    %dot_general3A_24 = tpu.matmul %get3A_19, %get3A_22, %dot_general3A_23 {dimension_numbers = #tpu.dot_dimension_numbers<[1], [0], [0], [1], [0, 0, 1, 1], [], []>, transpose_lhs_hint = false} : vector<10000x128xf32>, vector<128x128xf32>, vector<10000x128xf32> -> vector<10000x128xf32>
    %add3A_25 = arith.addf %dot_general3A_16, %dot_general3A_24 : vector<10000x128xf32>
    %get3A_26 = arith.constant 0 : index
    %get3A_27 = arith.constant 0 : index
    %get3A_28 = vector.load %arg5[%get3A_26, %get3A_27] : memref<1x128xf32, #tpu.memory_space<vmem>>, vector<1x128xf32>
    %add3A_29 = vector.broadcast %get3A_28 : vector<1x128xf32> to vector<10000x128xf32>
    %add3A_30 = arith.addf %add3A_25, %add3A_29 : vector<10000x128xf32>
    %reduce_sum3A = arith.constant dense<0.000000e+00> : vector<128xf32>
    %reduce_sum3A_31 = vector.multi_reduction <add>, %add3A_30, %reduce_sum3A [0] : vector<10000x128xf32> to vector<128xf32>
    %broadcast_in_dim3A = vector.shape_cast %reduce_sum3A_31 : vector<128xf32> to vector<1x128xf32>
    %div3A_32 = arith.constant 1.000000e+04 : f32
    %div3A_33 = vector.broadcast %div3A_32 : f32 to vector<1x128xf32>
    %div3A_34 = arith.divf %broadcast_in_dim3A, %div3A_33 : vector<1x128xf32>
    %sub3A = vector.broadcast %div3A_34 : vector<1x128xf32> to vector<10000x128xf32>
    %sub3A_35 = arith.subf %add3A_30, %sub3A : vector<10000x128xf32>
    %sub3A_36 = vector.broadcast %div3A_34 : vector<1x128xf32> to vector<10000x128xf32>
    %sub3A_37 = arith.subf %add3A_30, %sub3A_36 : vector<10000x128xf32>
    %mul3A_38 = arith.mulf %sub3A_35, %sub3A_37 : vector<10000x128xf32>
    %reduce_sum3A_39 = arith.constant dense<0.000000e+00> : vector<128xf32>
    %reduce_sum3A_40 = vector.multi_reduction <add>, %mul3A_38, %reduce_sum3A_39 [0] : vector<10000x128xf32> to vector<128xf32>
    %broadcast_in_dim3A_41 = vector.shape_cast %reduce_sum3A_40 : vector<128xf32> to vector<1x128xf32>
    %div3A_42 = arith.constant 1.000000e+04 : f32
    %div3A_43 = vector.broadcast %div3A_42 : f32 to vector<1x128xf32>
    %div3A_44 = arith.divf %broadcast_in_dim3A_41, %div3A_43 : vector<1x128xf32>
    %sub3A_45 = vector.broadcast %div3A_34 : vector<1x128xf32> to vector<10000x128xf32>
    %sub3A_46 = arith.subf %add3A_30, %sub3A_45 : vector<10000x128xf32>
    %add3A_47 = arith.constant 9.99999974E-6 : f32
    %add3A_48 = vector.broadcast %add3A_47 : f32 to vector<1x128xf32>
    %add3A_49 = arith.addf %div3A_44, %add3A_48 : vector<1x128xf32>
    %rsqrt3A = math.rsqrt %add3A_49 : vector<1x128xf32>
    %mul3A_50 = vector.broadcast %rsqrt3A : vector<1x128xf32> to vector<10000x128xf32>
    %mul3A_51 = arith.mulf %sub3A_46, %mul3A_50 : vector<10000x128xf32>
    %get3A_52 = arith.constant 0 : index
    %get3A_53 = arith.constant 0 : index
    %get3A_54 = vector.load %arg6[%get3A_52, %get3A_53] : memref<1x128xf32, #tpu.memory_space<vmem>>, vector<1x128xf32>
    %mul3A_55 = vector.broadcast %get3A_54 : vector<1x128xf32> to vector<10000x128xf32>
    %mul3A_56 = arith.mulf %mul3A_51, %mul3A_55 : vector<10000x128xf32>
    %get3A_57 = arith.constant 0 : index
    %get3A_58 = arith.constant 0 : index
    %get3A_59 = vector.load %arg7[%get3A_57, %get3A_58] : memref<1x128xf32, #tpu.memory_space<vmem>>, vector<1x128xf32>
    %add3A_60 = vector.broadcast %get3A_59 : vector<1x128xf32> to vector<10000x128xf32>
    %add3A_61 = arith.addf %mul3A_56, %add3A_60 : vector<10000x128xf32>
    %max3A_62 = arith.constant 0.000000e+00 : f32
    %max3A_63 = vector.broadcast %max3A_62 : f32 to vector<10000x128xf32>
    %max3A_64 = arith.maximumf %add3A_61, %max3A_63 : vector<10000x128xf32>
    %swap3A = arith.constant 0 : index
    %swap3A_65 = arith.constant 0 : index
    %swap3A_66 = vector.load %arg8[%swap3A, %swap3A_65] : memref<10000x128xf32, #tpu.memory_space<vmem>>, vector<10000x128xf32>
    tpu.vector_store %arg8[%swap3A, %swap3A_65], %max3A_64 {strides = array<i32>} : memref<10000x128xf32, #tpu.memory_space<vmem>>, vector<10000x128xf32>,
    return
  }
}

module attributes {stable_mosaic.version = 14 : i64} {
  func.func @_dense_mlp_body(%arg0: memref<20224x128xf32, #tpu.memory_space<vmem>>, %arg1: memref<10000x16xf32, #tpu.memory_space<vmem>>, %arg2: memref<10000x128xf32, #tpu.memory_space<vmem>>, %arg3: memref<128x128xf32, #tpu.memory_space<vmem>>, %arg4: memref<128x128xf32, #tpu.memory_space<vmem>>, %arg5: memref<1x128xf32, #tpu.memory_space<vmem>>, %arg6: memref<1x128xf32, #tpu.memory_space<vmem>>, %arg7: memref<1x128xf32, #tpu.memory_space<vmem>>, %arg8: memref<10000x128xf32, #tpu.memory_space<vmem>>, %arg9: memref<128x64xf32, #tpu.memory_space<vmem>>, %arg10: memref<128x64xf32, #tpu.memory_space<vmem>>, %arg11: memref<128x64xf32, #tpu.memory_space<vmem>>, %arg12: memref<1x64xf32, #tpu.memory_space<vmem>>, %arg13: memref<64x2xf32, #tpu.memory_space<vmem>>, %arg14: memref<1x2xf32, #tpu.memory_space<vmem>>, %arg15: memref<10000x2xf32, #tpu.memory_space<vmem>>) attributes {dimension_semantics = [], scalar_prefetch = 0 : i64, scratch_operands = 0 : i64, tpu.core_type = #tpu.core_type<tc>} {
    %get3A = arith.constant 0 : index
    %get3A_0 = arith.constant 0 : index
    %get3A_1 = vector.load %arg0[%get3A, %get3A_0] : memref<20224x128xf32, #tpu.memory_space<vmem>>, vector<10000x128xf32>
    %get3A_2 = arith.constant 10112 : index
    %get3A_3 = arith.constant 0 : index
    %get3A_4 = vector.load %arg0[%get3A_2, %get3A_3] : memref<20224x128xf32, #tpu.memory_space<vmem>>, vector<10000x128xf32>
    %add3A = arith.addf %get3A_1, %get3A_4 : vector<10000x128xf32>
    %get3A_5 = arith.constant 0 : index
    %get3A_6 = arith.constant 0 : index
    %get3A_7 = vector.load %arg1[%get3A_5, %get3A_6] : memref<10000x16xf32, #tpu.memory_space<vmem>>, vector<10000x1xf32>
    %max3A = arith.constant 1.000000e+00 : f32
    %max3A_8 = vector.broadcast %max3A : f32 to vector<10000x1xf32>
    %max3A_9 = arith.maximumf %get3A_7, %max3A_8 : vector<10000x1xf32>
    %div3A = arith.constant 1.000000e+00 : f32
    %div3A_10 = vector.broadcast %div3A : f32 to vector<10000x1xf32>
    %div3A_11 = arith.divf %div3A_10, %max3A_9 : vector<10000x1xf32>
    %mul3A = vector.broadcast %div3A_11 : vector<10000x1xf32> to vector<10000x128xf32>
    %mul3A_12 = arith.mulf %add3A, %mul3A : vector<10000x128xf32>
    %get3A_13 = arith.constant 0 : index
    %get3A_14 = arith.constant 0 : index
    %get3A_15 = vector.load %arg3[%get3A_13, %get3A_14] : memref<128x128xf32, #tpu.memory_space<vmem>>, vector<128x128xf32>
    %dot_general3A = arith.constant dense<0.000000e+00> : vector<10000x128xf32>
    %dot_general3A_16 = tpu.matmul %mul3A_12, %get3A_15, %dot_general3A {dimension_numbers = #tpu.dot_dimension_numbers<[1], [0], [0], [1], [0, 0, 1, 1], [], []>, transpose_lhs_hint = false} : vector<10000x128xf32>, vector<128x128xf32>, vector<10000x128xf32> -> vector<10000x128xf32>
    %get3A_17 = arith.constant 0 : index
    %get3A_18 = arith.constant 0 : index
    %get3A_19 = vector.load %arg2[%get3A_17, %get3A_18] : memref<10000x128xf32, #tpu.memory_space<vmem>>, vector<10000x128xf32>
    %get3A_20 = arith.constant 0 : index
    %get3A_21 = arith.constant 0 : index
    %get3A_22 = vector.load %arg4[%get3A_20, %get3A_21] : memref<128x128xf32, #tpu.memory_space<vmem>>, vector<128x128xf32>
    %dot_general3A_23 = arith.constant dense<0.000000e+00> : vector<10000x128xf32>
    %dot_general3A_24 = tpu.matmul %get3A_19, %get3A_22, %dot_general3A_23 {dimension_numbers = #tpu.dot_dimension_numbers<[1], [0], [0], [1], [0, 0, 1, 1], [], []>, transpose_lhs_hint = false} : vector<10000x128xf32>, vector<128x128xf32>, vector<10000x128xf32> -> vector<10000x128xf32>
    %add3A_25 = arith.addf %dot_general3A_16, %dot_general3A_24 : vector<10000x128xf32>
    %get3A_26 = arith.constant 0 : index
    %get3A_27 = arith.constant 0 : index
    %get3A_28 = vector.load %arg5[%get3A_26, %get3A_27] : memref<1x128xf32, #tpu.memory_space<vmem>>, vector<1x128xf32>
    %add3A_29 = vector.broadcast %get3A_28 : vector<1x128xf32> to vector<10000x128xf32>
    %add3A_30 = arith.addf %add3A_25, %add3A_29 : vector<10000x128xf32>
    %reduce_sum3A = arith.constant dense<0.000000e+00> : vector<128xf32>
    %reduce_sum3A_31 = vector.multi_reduction <add>, %add3A_30, %reduce_sum3A [0] : vector<10000x128xf32> to vector<128xf32>
    %broadcast_in_dim3A = vector.shape_cast %reduce_sum3A_31 : vector<128xf32> to vector<1x128xf32>
    %div3A_32 = arith.constant 1.000000e+04 : f32
    %div3A_33 = vector.broadcast %div3A_32 : f32 to vector<1x128xf32>
    %div3A_34 = arith.divf %broadcast_in_dim3A, %div3A_33 : vector<1x128xf32>
    %sub3A = vector.broadcast %div3A_34 : vector<1x128xf32> to vector<10000x128xf32>
    %sub3A_35 = arith.subf %add3A_30, %sub3A : vector<10000x128xf32>
    %sub3A_36 = vector.broadcast %div3A_34 : vector<1x128xf32> to vector<10000x128xf32>
    %sub3A_37 = arith.subf %add3A_30, %sub3A_36 : vector<10000x128xf32>
    %mul3A_38 = arith.mulf %sub3A_35, %sub3A_37 : vector<10000x128xf32>
    %reduce_sum3A_39 = arith.constant dense<0.000000e+00> : vector<128xf32>
    %reduce_sum3A_40 = vector.multi_reduction <add>, %mul3A_38, %reduce_sum3A_39 [0] : vector<10000x128xf32> to vector<128xf32>
    %broadcast_in_dim3A_41 = vector.shape_cast %reduce_sum3A_40 : vector<128xf32> to vector<1x128xf32>
    %div3A_42 = arith.constant 1.000000e+04 : f32
    %div3A_43 = vector.broadcast %div3A_42 : f32 to vector<1x128xf32>
    %div3A_44 = arith.divf %broadcast_in_dim3A_41, %div3A_43 : vector<1x128xf32>
    %sub3A_45 = vector.broadcast %div3A_34 : vector<1x128xf32> to vector<10000x128xf32>
    %sub3A_46 = arith.subf %add3A_30, %sub3A_45 : vector<10000x128xf32>
    %add3A_47 = arith.constant 9.99999974E-6 : f32
    %add3A_48 = vector.broadcast %add3A_47 : f32 to vector<1x128xf32>
    %add3A_49 = arith.addf %div3A_44, %add3A_48 : vector<1x128xf32>
    %rsqrt3A = math.rsqrt %add3A_49 : vector<1x128xf32>
    %mul3A_50 = vector.broadcast %rsqrt3A : vector<1x128xf32> to vector<10000x128xf32>
    %mul3A_51 = arith.mulf %sub3A_46, %mul3A_50 : vector<10000x128xf32>
    %get3A_52 = arith.constant 0 : index
    %get3A_53 = arith.constant 0 : index
    %get3A_54 = vector.load %arg6[%get3A_52, %get3A_53] : memref<1x128xf32, #tpu.memory_space<vmem>>, vector<1x128xf32>
    %mul3A_55 = vector.broadcast %get3A_54 : vector<1x128xf32> to vector<10000x128xf32>
    %mul3A_56 = arith.mulf %mul3A_51, %mul3A_55 : vector<10000x128xf32>
    %get3A_57 = arith.constant 0 : index
    %get3A_58 = arith.constant 0 : index
    %get3A_59 = vector.load %arg7[%get3A_57, %get3A_58] : memref<1x128xf32, #tpu.memory_space<vmem>>, vector<1x128xf32>
    %add3A_60 = vector.broadcast %get3A_59 : vector<1x128xf32> to vector<10000x128xf32>
    %add3A_61 = arith.addf %mul3A_56, %add3A_60 : vector<10000x128xf32>
    %max3A_62 = arith.constant 0.000000e+00 : f32
    %max3A_63 = vector.broadcast %max3A_62 : f32 to vector<10000x128xf32>
    %max3A_64 = arith.maximumf %add3A_61, %max3A_63 : vector<10000x128xf32>
    %get3A_65 = arith.constant 0 : index
    %get3A_66 = arith.constant 0 : index
    %get3A_67 = vector.load %arg8[%get3A_65, %get3A_66] : memref<10000x128xf32, #tpu.memory_space<vmem>>, vector<10000x128xf32>
    %get3A_68 = arith.constant 0 : index
    %get3A_69 = arith.constant 0 : index
    %get3A_70 = vector.load %arg9[%get3A_68, %get3A_69] : memref<128x64xf32, #tpu.memory_space<vmem>>, vector<128x64xf32>
    %dot_general3A_71 = arith.constant dense<0.000000e+00> : vector<10000x64xf32>
    %dot_general3A_72 = tpu.matmul %get3A_67, %get3A_70, %dot_general3A_71 {dimension_numbers = #tpu.dot_dimension_numbers<[1], [0], [0], [1], [0, 0, 1, 1], [], []>, transpose_lhs_hint = false} : vector<10000x128xf32>, vector<128x64xf32>, vector<10000x64xf32> -> vector<10000x64xf32>
    %get3A_73 = arith.constant 0 : index
    %get3A_74 = arith.constant 0 : index
    %get3A_75 = vector.load %arg2[%get3A_73, %get3A_74] : memref<10000x128xf32, #tpu.memory_space<vmem>>, vector<10000x128xf32>
    %get3A_76 = arith.constant 0 : index
    %get3A_77 = arith.constant 0 : index
    %get3A_78 = vector.load %arg10[%get3A_76, %get3A_77] : memref<128x64xf32, #tpu.memory_space<vmem>>, vector<128x64xf32>
    %dot_general3A_79 = arith.constant dense<0.000000e+00> : vector<10000x64xf32>
    %dot_general3A_80 = tpu.matmul %get3A_75, %get3A_78, %dot_general3A_79 {dimension_numbers = #tpu.dot_dimension_numbers<[1], [0], [0], [1], [0, 0, 1, 1], [], []>, transpose_lhs_hint = false} : vector<10000x128xf32>, vector<128x64xf32>, vector<10000x64xf32> -> vector<10000x64xf32>
    %add3A_81 = arith.addf %dot_general3A_72, %dot_general3A_80 : vector<10000x64xf32>
    %get3A_82 = arith.constant 0 : index
    %get3A_83 = arith.constant 0 : index
    %get3A_84 = vector.load %arg11[%get3A_82, %get3A_83] : memref<128x64xf32, #tpu.memory_space<vmem>>, vector<128x64xf32>
    %dot_general3A_85 = arith.constant dense<0.000000e+00> : vector<10000x64xf32>
    %dot_general3A_86 = tpu.matmul %max3A_64, %get3A_84, %dot_general3A_85 {dimension_numbers = #tpu.dot_dimension_numbers<[1], [0], [0], [1], [0, 0, 1, 1], [], []>, transpose_lhs_hint = false} : vector<10000x128xf32>, vector<128x64xf32>, vector<10000x64xf32> -> vector<10000x64xf32>
    %add3A_87 = arith.addf %add3A_81, %dot_general3A_86 : vector<10000x64xf32>
    %get3A_88 = arith.constant 0 : index
    %get3A_89 = arith.constant 0 : index
    %get3A_90 = vector.load %arg12[%get3A_88, %get3A_89] : memref<1x64xf32, #tpu.memory_space<vmem>>, vector<1x64xf32>
    %add3A_91 = vector.broadcast %get3A_90 : vector<1x64xf32> to vector<10000x64xf32>
    %add3A_92 = arith.addf %add3A_87, %add3A_91 : vector<10000x64xf32>
    %max3A_93 = arith.constant 0.000000e+00 : f32
    %max3A_94 = vector.broadcast %max3A_93 : f32 to vector<10000x64xf32>
    %max3A_95 = arith.maximumf %add3A_92, %max3A_94 : vector<10000x64xf32>
    %get3A_96 = arith.constant 0 : index
    %get3A_97 = arith.constant 0 : index
    %get3A_98 = vector.load %arg13[%get3A_96, %get3A_97] : memref<64x2xf32, #tpu.memory_space<vmem>>, vector<64x2xf32>
    %dot_general3A_99 = arith.constant dense<0.000000e+00> : vector<10000x2xf32>
    %dot_general3A_100 = tpu.matmul %max3A_95, %get3A_98, %dot_general3A_99 {dimension_numbers = #tpu.dot_dimension_numbers<[1], [0], [0], [1], [0, 0, 1, 1], [], []>, transpose_lhs_hint = false} : vector<10000x64xf32>, vector<64x2xf32>, vector<10000x2xf32> -> vector<10000x2xf32>
    %get3A_101 = arith.constant 0 : index
    %get3A_102 = arith.constant 0 : index
    %get3A_103 = vector.load %arg14[%get3A_101, %get3A_102] : memref<1x2xf32, #tpu.memory_space<vmem>>, vector<1x2xf32>
    %add3A_104 = vector.broadcast %get3A_103 : vector<1x2xf32> to vector<10000x2xf32>
    %add3A_105 = arith.addf %dot_general3A_100, %add3A_104 : vector<10000x2xf32>
    %swap3A = arith.constant 0 : index
    %swap3A_106 = arith.constant 0 : index
    %swap3A_107 = vector.load %arg15[%swap3A, %swap3A_106] : memref<10000x2xf32, #tpu.memory_space<vmem>>, vector<10000x2xf32>
    tpu.vector_store %arg15[%swap3A, %swap3A_106], %add3A_105 {strides = array<i32>} : memref<10000x2xf32, #tpu.memory_space<vmem>>, vector<10000x2xf32>,
    return
  }
}

</mosaic_0001>

<sc_bundles>
// kernel: kernel.11.cloned.1.call-start
scs
__scs_entry_jumppad:
0x0: {  	(pc) =	sbr.rel $0x88, $3  }
0x1: {  	(tag) =	ssettag $0x0;
	lr =	simm.s32 $0x1  }
0x2: {  	[smem:$0x3F8C] =	sst lr;
	_ =	strace $0xD0000000  }
0x3: {  	_ = 	snop  }
0x4: {  	_ = 	snop  }
0x5: {  	_ = 	snop  }
0x6: {  	_ = 	snop  }
0x7: {  	_ = 	snop  }
__scs_overlays_trampoline_lowered:
0x8: {  	[smem:$0x3F9B] =	sst s0  }
0x9: {  	[smem:$0x3F9C] =	sst s1  }
0xa: {  	[smem:$0x3F9D] =	sst s2  }
0xb: {  	[smem:$0x3F9E] =	sst s3  }
0xc: {  	[smem:$0x3F9F] =	sst s4  }
0xd: {  	[smem:$0x3FA0] =	sst s5  }
0xe: {  	[smem:$0x3FA1] =	sst s6  }
0xf: {  	[smem:$0x3FA2] =	sst s7  }
0x10: {  	[smem:$0x3FA3] =	sst s8  }
0x11: {  	[smem:$0x3FA4] =	sst s9;
	s0 =	simm.s32 @!p0 $0x0  }
0x12: {  	s1 =	sld [smem:$0x3F8A];
	s0 =	simm.s32 @p0 $0x1  }
0x13: {  	[smem:$0x3FA5] =	sst s0;
	s0 =	simm.s32 @!p1 $0x0  }
0x14: {  	s2 =	sld [smem:$0x3F89];
	s0 =	simm.s32 @p1 $0x1  }
0x15: {  	[smem:$0x3FA6] =	sst s0;
	s0 =	simm.s32 @!p2 $0x0  }
0x16: {  	s3 =	sld [smem:$0x3FDB];
	s0 =	simm.s32 @p2 $0x1  }
0x17: {  	s4 =	simm.s32 $0x1BF5;
	[smem:$0x3FA8] =	sst s0  }
0x18: {  	s0 =	sld [smem:$0x3F8B];
	_ =	swait.ge [sflag:s4], $0x0  }
0x19: {  	s7 =	sld [smem:$0x3F8C]  }
0x1a: {  	s8 =	sadd.s32 $0xFFFFE003, lr  }
0x1b: {  	s9 =	sadd.s32 $0xFFFFFEF7, lr;
	s5 =	simm.s32 $0xFFFFFFFF;
	p2 =	slt.u32 s8, $0xFFFFF086  }
0x1c: {  	p1 =	slt.u32 s9, $0xF7A;
	s5 =	simm.s32 @!p2 $0x0  }
0x1d: {  	s5 =	simm.s32 @p1 $0x1;
	p0 =	seq.s32 s7, s2  }
0x1e: {  	s7 =	smul.u32 @!p0 $0xF7A, s2;
	p2 =	seq.s32 @!p0 s5, $0x0  }
0x1f: {  	s9 =	smul.u32 $0xF7A, s1;
	s8 =	simm.s32 @!p0 $0x1BF5;
	p2 =	por !p2, p0  }
0x20: {  	[sflag:s8] =	ssyncset.s32 @!p0 $0xFFFFF086;
	s6 =	sadd.s32 @!p0 s3, s7;
	s7 =	simm.s32 @!p0 $0x108  }
0x21: {  	s3 =	sadd.s32 s3, s9;
	s6 =	sadd.s32 @!p0 $0x88, s6;
	s7 =	simm.s32 @p2 $0x1082  }
0x22: {  	[simem:s7], [sflag:s8] =	dma.local @!p0 [hbm:s6], $0xF7A  }
0x23: {  	s9 =	sor.u32 $0xD0000000, s2;
	s6 =	simm.s32 $0x108;
	_ =	swait.ge @!p0 [sflag:s8], $0x0  }
0x24: {  	s3 =	sadd.s32 $0x88, s3;
	s6 =	simm.s32 @!p1 $0x1082;
	[sflag:s4] =	ssyncset.s32 $0xFFFFF086  }
0x25: {  	[simem:s6], [sflag:s4] =	dma.local [hbm:s3], $0xF7A  }
0x26: {  	[smem:$0x3F8C] =	sst s1;
	(tag) =	ssettag s2;
	_ =	strace s9  }
0x27: {  	s1 =	sld [smem:$0x3F9C]  }
0x28: {  	s2 =	sld [smem:$0x3F9D]  }
0x29: {  	s4 =	sld [smem:$0x3F9F]  }
0x2a: {  	p0 =	seq.s32 s5, $0x0;
	s5 =	sld [smem:$0x3FA0]  }
0x2b: {  	s6 =	sld [smem:$0x3FA1]  }
0x2c: {  	s7 =	sld [smem:$0x3FA2]  }
0x2d: {  	s3 =	simm.s32 $0x108;
	s8 =	sld [smem:$0x3FA3]  }
0x2e: {  	s3 =	simm.s32 @!p0 $0x1082;
	s9 =	sld [smem:$0x3FA4]  }
0x2f: {  	lr =	sadd.s32 s0, s3;
	s0 =	sld [smem:$0x3F9B]  }
0x30: {  	s3 =	sld [smem:$0x3F9E]  }
0x31: {  	[smem:$0x3FA7] =	sst s10  }
0x32: {  	s10 =	sld [smem:$0x3FA5];
	_ =	sdelay $0x3  }
0x33: {  	p0 =	seq.s32 s10, $0x1;
	s10 =	sld [smem:$0x3FA7];
	_ =	sdelay $0x3  }
0x34: {  	[smem:$0x3FA7] =	sst s10  }
0x35: {  	s10 =	sld [smem:$0x3FA6];
	_ =	sdelay $0x3  }
0x36: {  	p1 =	seq.s32 s10, $0x1;
	s10 =	sld [smem:$0x3FA7];
	_ =	sdelay $0x3  }
0x37: {  	[smem:$0x3FA7] =	sst s10  }
0x38: {  	s10 =	sld [smem:$0x3FA8]  }
0x39: {  	_ = 	snop;
	(pc) =	sbr.ind lr, $3  }
0x3a: {  	_ = 	snop  }
0x3b: {  	_ = 	snop  }
0x3c: {  	p2 =	seq.s32 s10, $0x1;
	s10 =	sld [smem:$0x3FA7]  }
0x3d: {  	_ =	shalt  }
0x3e: {  	_ =	shalt  }
0x3f: {  	_ =	shalt  }
0x40: {  	_ =	shalt  }
0x41: {  	_ =	shalt  }
0x42: {  	_ =	shalt  }
0x43: {  	_ =	shalt  }
0x44: {  	_ =	shalt  }
0x45: {  	_ =	shalt  }
0x46: {  	_ =	shalt  }
0x47: {  	_ =	shalt  }
0x48: {  	_ =	shalt  }
0x49: {  	_ =	shalt  }
0x4a: {  	_ =	shalt  }
0x4b: {  	_ =	shalt  }
0x4c: {  	_ =	shalt  }
0x4d: {  	_ =	shalt  }
0x4e: {  	_ =	shalt  }
0x4f: {  	_ =	shalt  }
0x50: {  	_ =	shalt  }
0x51: {  	_ =	shalt  }
0x52: {  	_ =	shalt  }
0x53: {  	_ =	shalt  }
0x54: {  	_ =	shalt  }
0x55: {  	_ =	shalt  }
0x56: {  	_ =	shalt  }
0x57: {  	_ =	shalt  }
0x58: {  	_ =	shalt  }
0x59: {  	_ =	shalt  }
0x5a: {  	_ =	shalt  }
0x5b: {  	_ =	shalt  }
0x5c: {  	_ =	shalt  }
0x5d: {  	_ =	shalt  }
0x5e: {  	_ =	shalt  }
0x5f: {  	_ =	shalt  }
0x60: {  	_ =	shalt  }
0x61: {  	_ =	shalt  }
0x62: {  	_ =	shalt  }
0x63: {  	_ =	shalt  }
0x64: {  	_ =	shalt  }
0x65: {  	_ =	shalt  }
0x66: {  	_ =	shalt  }
0x67: {  	_ =	shalt  }
0x68: {  	_ =	shalt  }
0x69: {  	_ =	shalt  }
0x6a: {  	_ =	shalt  }
0x6b: {  	_ =	shalt  }
0x6c: {  	_ =	shalt  }
0x6d: {  	_ =	shalt  }
0x6e: {  	_ =	shalt  }
0x6f: {  	_ =	shalt  }
0x70: {  	_ =	shalt  }
0x71: {  	_ =	shalt  }
0x72: {  	_ =	shalt  }
0x73: {  	_ =	shalt  }
0x74: {  	_ =	shalt  }
0x75: {  	_ =	shalt  }
0x76: {  	_ =	shalt  }
0x77: {  	_ =	shalt  }
0x78: {  	_ =	shalt  }
0x79: {  	_ =	shalt  }
0x7a: {  	_ =	shalt  }
0x7b: {  	_ =	shalt  }
0x7c: {  	_ =	shalt  }
0x7d: {  	_ =	shalt  }
0x7e: {  	_ =	shalt  }
0x7f: {  	_ =	shalt  }
0x80: {  	_ =	shalt  }
0x81: {  	_ =	shalt  }
0x82: {  	_ =	shalt  }
0x83: {  	_ =	shalt  }
0x84: {  	_ =	shalt  }
0x85: {  	_ =	shalt  }
0x86: {  	_ =	shalt  }
0x87: {  	_ =	shalt  }
.Lfunc_end0:
.L_simem_size_0:
called_computation.1_lowered:
.L_overlay_start_0:
0x88: {  	s2 =	sld [smem:$0x3FD9]  }
0x89: {  	s3 =	sld [smem:$0x3FFE];
	_ =	sdelay $0x1  }
0x8a: {  	s1 =	srdreg.scid  }
0x8b: {  	s0 =	sand.u32 $0x1, s1  }
0x8c: {  	s16 =	sshll.u32 s0, $0xA;
	s2 =	sadd.s32 s3, s2  }
0x8d: {  	s2 =	sadd.s32 s2, s16  }
0x8e: {  	[smem:$0x3FB3] =	sst s2  }
0x8f: {  	_ = 	snop  }
0x90: {  	(tm) =	ssettm $0x1  }
0x91: {  	s17 =	sld [smem:$0x3FFB];
	_ =	sdelay $0x3  }
0x92: {  	_ =	strace s17  }
0x93: {  	s2 =	sld [smem:$0x3FFC];
	_ =	sdelay $0x3  }
0x94: {  	_ =	strace s2  }
0x95: {  	s2 =	sld [smem:$0x3FFD];
	_ =	sdelay $0x3  }
0x96: {  	_ =	strace s2  }
0x97: {  	_ =	strace $0x8FFFFFFF  }
0x98: {  	s18 =	sld [smem:$0x3FDB];
	_ =	sdelay $0x1  }
0x99: {  	s19 =	simm.s32 $_scs_section_size  }
0x9a: {  	s4 =	simm.s32 $_size__tile_overlayer_lowered;
	s5 =	simm.s32 $_tile_overlayer_lowered  }
0x9b: {  	s22 =	simm.s32 $0x1BFF;
	s21 =	sshll.u32 s5, $0x1;
	s2 =	sadd.s32 s19, s18  }
0x9c: {  	s6 =	simm.s32 $0x0;
	s20 =	sshll.u32 s4, $0x1;
	s4 =	sadd.s32 s21, s2  }
0x9d: {  	[timem:s6], [sflag:s22] =	dma.local [hbm:s4], s20  }
0x9e: {  	_ =	swait.ge [sflag:s22], s20  }
0x9f: {  	s3 =	ssub.s32 $0x0, s20;
	[sflag:s22] =	ssyncset.done $0x0  }
0xa0: {  	[sflag:s22] =	ssyncadd.s32 s3;
	_ =	sdelay $0x1  }
0xa1: {  	s23 =	simm.s32 $0x1B8B  }
0xa2: {  	_ =	swait.ge [sflag:s23], $0x1  }
0xa3: {  	[sflag:s23] =	ssyncset.done $0x0  }
0xa4: {  	s25 =	simm.s32 $0x1B8E;
	s24 =	sld [smem:$0x3FFE];
	[sflag:s23] =	ssyncadd.s32 $0xFFFFFFFF  }
0xa5: {  	s26 =	simm.s32 $execute0_lowered;
	[smem:$0x3FD2] =	sst s25  }
0xa6: {  	s4 =	sshll.u32 s26, $0x1;
	_ =	strace $0x80000049;
	[dreg:$0x1] =	wrdreg $0xFFFFFFFF  }
0xa7: {  	s28 =	simm.s32 $_size_execute0_lowered;
	s2 =	sadd.s32 s2, s4;
	[dreg:$0x0] =	wrdreg $0x0  }
0xa8: {  	s4 =	sshll.u32 s28, $0x1;
	[dreg:$0x2] =	wrdreg s2  }
0xa9: {  	[dreg:$0x3] =	wrdreg s4  }
0xaa: {  	[dreg:$0x4] =	wrdreg $0xC0  }
0xab: {  	_ =	task [dreg:s6], $0x5FFFF  }
0xac: {  	[dreg:$0x1] =	wrdreg $0xFFFFFFFF  }
0xad: {  	[dreg:$0x0] =	wrdreg $0x60  }
0xae: {  	[dreg:$0x2] =	wrdreg s24  }
0xaf: {  	[dreg:$0x3] =	wrdreg $0x0  }
0xb0: {  	[dreg:$0x4] =	wrdreg $0x9  }
0xb1: {  	_ =	task.clear_ibuf [dreg:s6], $0x5FFFF;
	_ =	strace $0x90000049  }
0xb2: {  	s29 =	simm.s32 $0x9;
	_ =	strace $0x8000004B  }
0xb3: {  	_ =	swait.ge [sflag:s29], $0x1  }
0xb4: {  	[sflag:s29] =	ssyncadd.s32 $0xFFFFFFFF  }
0xb5: {  	_ =	strace $0x9000004B  }
0xb6: {  	_ =	sfence  }
0xb7: {  	s30 =	sld [smem:$0x0];
	_ =	sdelay $0x2  }
0xb8: {  	s31 =	sshll.u32 s1, $0xD;
	s1 =	sshrl.u32 s1, $0x2  }
0xb9: {  	s3 =	sand.u32 $0x4000, s31;
	s1 =	sadd.s32 s1, s30  }
0xba: {  	s0 =	sor.u32 s3, s0;
	s1 =	sshll.u32 s1, $0x11  }
0xbb: {  	s0 =	sor.u32 s1, s0  }
0xbc: {  	s0 =	sadd.s32 $0x8F2B, s0  }
0xbd: {  	[sflag:s0] =	ssyncadd.remote.s32 $0x1  }
0xbe: {  	_ =	sfence.sel $0xFFFF  }
0xbf: {  	[dreg:$0x0] =	wrdreg $0xFFFFFFFF;
	(pc) =	sbr.abs _section_cstart, $3  }
0xc0: {  	[dreg:$0x1] =	wrdreg $0xFFFFFFFF  }
0xc1: {  	_ =	task.clear_ibuf [dreg:s6], $0x2FFFF;
	_ =	strace $0x9FFFFFFF  }
0xc2: {  	(tm) =	ssettm $0x7FFFFFFF  }
0xc3: {  	_ =	shalt  }
tec
execute0_lowered:
.L_overlay_start_1:
0x0: {  	(tag) =	ssettag $0x1  }
0x1: {  	s6 =	rddreg [dreg:$0x0]  }
0x2: {  	s1 =	rddreg [dreg:$0x1]  }
0x3: {  	s0 =	rddreg [dreg:$0x2];
	s2 =	simm.s32 $0x0  }
0x4: {  	s5 =	srdreg.scid;
	s3 =	stileid.u32;
	s16 =	simm.s32 $0x15000  }
0x5: {  	s17 =	simm.s32 $0x80;
	s18 =	simm.s32 $0x16400;
	s19 =	simm.s32 $0x1A400  }
0x6: {  	s20 =	simm.s32 $0x1;
	s21 =	simm.s32 $0x2;
	s22 =	simm.s32 $0x14F80  }
0x7: {  	s23 =	simm.s32 $0x16300;
	s24 =	simm.s32 $0x16380;
	s25 =	simm.s32 $0x0  }
0x8: {  	[smem:$0x7FF] =	sst s2;
	s9 =	sadd.s32 $0x4400, s6;
	s10 =	sadd.s32 $0xE400, s6  }
0x9: {  	s4 =	sadd.s32 $0x1AC00, s6;
	s7 =	sand.u32 $0x1, s5;
	s8 =	smul.u32 $0x2780, s3  }
0xa: {  	s5 =	sadd.s32 $0x18400, s6;
	s13 =	smul.u32 $0x4F000, s3;
	s29 =	sshll.u32 s3, $0x6  }
0xb: {  	s11 =	smul.u32 $0x27800, s7;
	s12 =	sshll.u32 s7, $0x4;
	s7 =	ssub.s32 $0x2, s7  }
0xc: {  	_ =	strace $0x8000004A;
	s12 =	sor.u32 s3, s12;
	s26 =	sshrl.u32 s7, $0x1  }
0xd: {  	s28 =	sshrl.u32 s13, $0x2;
	s8 =	sadd.s32 s8, s11;
	s12 =	smul.u32 $0x2800, s12  }
0xe: {  	s15 =	ssub.s32 s7, s26;
	s13 =	sadd.s32 s28, s1;
	s14 =	sadd.s32 s8, s6  }
0xf: {  	s6 =	sor.u32 $0x1C03, s29;
	s13 =	sshrl.u32 s13, $0x3;
	s30 =	sshrl.u32 s12, $0x3  }
0x10: {  	s11 =	sadd.s32 $0x41E00, s14;
	s12 =	smax.u32 s15, $0x1;
	s14 =	simm.s32 $0x3  }
0x11: {  	s15 =	simm.s32 $0x13C00;
	s7 =	sadd.s32 s9, s30;
	s31 =	sadd.s32 $0x280, s30  }
0x12: {  	s8 =	sadd.s32 s10, s30;
	s9 =	sadd.s32 s9, s31;
	s10 =	sadd.s32 s10, s31  }
.LBB2_1:
0x13: {  	[spmem:s13], [sflag:s6] =	dma.local [hbm:s5], $0x2780  }
0x14: {  	_ =	swait.ge [sflag:s14], $0x2780  }
0x15: {  	[sflag:s14] =	ssyncset.done $0x0  }
0x16: {  	[sflag:s14] =	ssyncadd.s32 $0xFFFFD880  }
0x17: {  	[bflag:$0x0] =	sbarrier.arrive $0xFFFF  }
0x18: {  	[tilespmem:s15], [sflag:$0x3] =	stream.linear.gather [hbm4b:s7+s2], $0x1400, $0x38;
	[tilespmem:$0x1E400] =	vst v63  }
0x19: {  	_ =	swait.ge [sflag:s14], $0x1400  }
0x1a: {  	[sflag:s14] =	ssyncset.done $0x0  }
0x1b: {  	[sflag:s14] =	ssyncadd.s32 $0xFFFFEC00  }
0x1c: {  	[tilespmem:s16], [sflag:$0x3] =	stream.linear.gather [hbm4b:s8+s2], $0x1400, $0x38;
	[tilespmem:$0x1E400] =	vst v63  }
0x1d: {  	_ =	swait.ge [sflag:s14], $0x1400  }
0x1e: {  	[sflag:s14] =	ssyncset.done $0x0  }
0x1f: {  	[sflag:s14] =	ssyncadd.s32 $0xFFFFEC00  }
0x20: {  	[tilespmem:s18], [sflag:$0x1] =	stream.indirect.gather [hbm4b:s4+s17], $0x80, s15, s17, $0xb8;
	[tilespmem:$0x1E400] =	vst v63  }
0x21: {  	s26 =	simm.s32 $0x13C80  }
0x22: {  	[tilespmem:s19], [sflag:$0x2] =	stream.indirect.gather [hbm4b:s4+s17], $0x80, s26, s17, $0xb8;
	[tilespmem:$0x1E400] =	vst v63  }
0x23: {  	_ =	swait.ge [sflag:s20], $0x4000  }
0x24: {  	[sflag:s20] =	ssyncset.done $0x0  }
0x25: {  	s29 =	simm.s32 $0x15000;
	[sflag:s20] =	ssyncadd.s32 $0xFFFFC000  }
0x26: {  	[spmem:s1] =	stream.indirect.scatter.add.f32 [tilespmem:s18], [sflag:$0x3], $0x80, s29, s17, $0xb8;
	[tilespmem:$0x1E400] =	vst v63  }
0x27: {  	_ =	swait.ge [sflag:s14], $0x4000  }
0x28: {  	[sflag:s14] =	ssyncset.done $0x0  }
0x29: {  	s30 =	simm.s32 $0x13D00;
	[sflag:s14] =	ssyncadd.s32 $0xFFFFC000  }
0x2a: {  	[tilespmem:s18], [sflag:$0x1] =	stream.indirect.gather [hbm4b:s4+s17], $0x80, s30, s17, $0xb8;
	[tilespmem:$0x1E400] =	vst v63  }
0x2b: {  	_ =	swait.ge [sflag:s21], $0x4000  }
0x2c: {  	[sflag:s21] =	ssyncset.done $0x0  }
0x2d: {  	s31 =	simm.s32 $0x15080;
	[sflag:s21] =	ssyncadd.s32 $0xFFFFC000  }
0x2e: {  	[spmem:s1] =	stream.indirect.scatter.add.f32 [tilespmem:s19], [sflag:$0x3], $0x80, s31, s17, $0xb8;
	[tilespmem:$0x1E400] =	vst v63  }
0x2f: {  	_ =	swait.ge [sflag:s14], $0x4000  }
0x30: {  	s28 =	simm.s32 $0x800;
	s26 =	simm.s32 $0x100;
	[sflag:s14] =	ssyncset.done $0x0  }
.LBB2_2:
0x31: {  	s29 =	sadd.s32 $0x13C80, s26  }
0x32: {  	[sflag:s14] =	ssyncadd.s32 $0xFFFFC000;
	s30 =	smov.u32 s28;
	s31 =	sadd.s32 $0x400, s28  }
0x33: {  	[tilespmem:s19], [sflag:$0x2] =	stream.indirect.gather [hbm4b:s4+s17], $0x80, s29, s17, $0xb8;
	[tilespmem:$0x1E400] =	vst v63  }
0x34: {  	p0 =	sne.s32 s28, $0x4800;
	_ =	swait.ge [sflag:s20], $0x4000  }
0x35: {  	[sflag:s20] =	ssyncset.done $0x0  }
0x36: {  	s28 =	sadd.s32 $0x15000, s26;
	[sflag:s20] =	ssyncadd.s32 $0xFFFFC000  }
0x37: {  	[spmem:s1] =	stream.indirect.scatter.add.f32 [tilespmem:s18], [sflag:$0x3], $0x80, s28, s17, $0xb8;
	[tilespmem:$0x1E400] =	vst v63  }
0x38: {  	_ =	swait.ge [sflag:s14], $0x4000  }
0x39: {  	[sflag:s14] =	ssyncset.done $0x0  }
0x3a: {  	s28 =	sadd.s32 $0x13D00, s26;
	[sflag:s14] =	ssyncadd.s32 $0xFFFFC000  }
0x3b: {  	[tilespmem:s18], [sflag:$0x1] =	stream.indirect.gather [hbm4b:s4+s17], $0x80, s28, s17, $0xb8;
	[tilespmem:$0x1E400] =	vst v63  }
0x3c: {  	_ =	swait.ge [sflag:s21], $0x4000  }
.Ltmp0:
0x3d: {  	[sflag:s21] =	ssyncset.done $0x0;
	(pc) =	sbr.rel @p0 .LBB2_2-.Ltmp0, $4  }
0x3e: {  	s26 =	sadd.s32 $0x15080, s26;
	[sflag:s21] =	ssyncadd.s32 $0xFFFFC000  }
0x3f: {  	[spmem:s1] =	stream.indirect.scatter.add.f32 [tilespmem:s19], [sflag:$0x3], $0x80, s26, s17, $0xb8;
	[tilespmem:$0x1E400] =	vst v63  }
0x40: {  	_ =	swait.ge [sflag:s14], $0x4000  }
0x41: {  	s28 =	smov.u32 s31;
	s26 =	sshra.s32 s30, $0x2;
	[sflag:s14] =	ssyncset.done $0x0  }
0x42: {  	s28 =	sadd.s32 $0x13C80, s26;
	[sflag:s14] =	ssyncadd.s32 $0xFFFFC000  }
0x43: {  	[tilespmem:s19], [sflag:$0x2] =	stream.indirect.gather [hbm4b:s4+s17], $0x80, s28, s17, $0xb8;
	[tilespmem:$0x1E400] =	vst v63  }
0x44: {  	_ =	swait.ge [sflag:s20], $0x4000  }
0x45: {  	[sflag:s20] =	ssyncset.done $0x0  }
0x46: {  	s28 =	sadd.s32 $0x15000, s26;
	[sflag:s20] =	ssyncadd.s32 $0xFFFFC000  }
0x47: {  	[spmem:s1] =	stream.indirect.scatter.add.f32 [tilespmem:s18], [sflag:$0x3], $0x80, s28, s17, $0xb8;
	[tilespmem:$0x1E400] =	vst v63  }
0x48: {  	_ =	swait.ge [sflag:s14], $0x4000  }
0x49: {  	[sflag:s14] =	ssyncset.done $0x0  }
0x4a: {  	s28 =	sadd.s32 $0x13D00, s26;
	[sflag:s14] =	ssyncadd.s32 $0xFFFFC000  }
0x4b: {  	[tilespmem:s18], [sflag:$0x1] =	stream.indirect.gather [hbm4b:s4+s17], $0x80, s28, s17, $0xb8;
	[tilespmem:$0x1E400] =	vst v63  }
0x4c: {  	_ =	swait.ge [sflag:s21], $0x4000  }
0x4d: {  	[sflag:s21] =	ssyncset.done $0x0  }
0x4e: {  	s29 =	sadd.s32 $0x15080, s26;
	[sflag:s21] =	ssyncadd.s32 $0xFFFFC000  }
0x4f: {  	[spmem:s1] =	stream.indirect.scatter.add.f32 [tilespmem:s19], [sflag:$0x3], $0x80, s29, s17, $0xb8;
	[tilespmem:$0x1E400] =	vst v63  }
0x50: {  	_ =	swait.ge [sflag:s14], $0x4000  }
0x51: {  	[sflag:s14] =	ssyncset.done $0x0  }
0x52: {  	[sflag:s14] =	ssyncadd.s32 $0xFFFFC000  }
0x53: {  	[tilespmem:s19], [sflag:$0x2] =	stream.indirect.gather [hbm4b:s4+s17], $0x80, s22, s17, $0xb8;
	[tilespmem:$0x1E400] =	vst v63  }
0x54: {  	_ =	swait.ge [sflag:s20], $0x4000  }
0x55: {  	[sflag:s20] =	ssyncset.done $0x0  }
0x56: {  	[sflag:s20] =	ssyncadd.s32 $0xFFFFC000  }
0x57: {  	[spmem:s1] =	stream.indirect.scatter.add.f32 [tilespmem:s18], [sflag:$0x3], $0x80, s23, s17, $0xb8;
	[tilespmem:$0x1E400] =	vst v63  }
0x58: {  	_ =	swait.ge [sflag:s14], $0x4000  }
0x59: {  	[sflag:s14] =	ssyncset.done $0x0  }
0x5a: {  	[sflag:s14] =	ssyncadd.s32 $0xFFFFC000  }
0x5b: {  	_ =	swait.ge [sflag:s21], $0x4000  }
0x5c: {  	[sflag:s21] =	ssyncset.done $0x0  }
0x5d: {  	[sflag:s21] =	ssyncadd.s32 $0xFFFFC000  }
0x5e: {  	[spmem:s1] =	stream.indirect.scatter.add.f32 [tilespmem:s19], [sflag:$0x3], $0x80, s24, s17, $0xb8;
	[tilespmem:$0x1E400] =	vst v63  }
0x5f: {  	_ =	swait.ge [sflag:s14], $0x4000  }
0x60: {  	[sflag:s14] =	ssyncset.done $0x0  }
0x61: {  	s30 =	simm.s32 $0x0;
	[sflag:s14] =	ssyncadd.s32 $0xFFFFC000  }
0x62: {  	[tilespmem:s15], [sflag:$0x3] =	stream.linear.gather [hbm4b:s9+s30], $0x1400, $0x38;
	[tilespmem:$0x1E400] =	vst v63  }
0x63: {  	_ =	swait.ge [sflag:s14], $0x1400  }
0x64: {  	[sflag:s14] =	ssyncset.done $0x0  }
0x65: {  	[sflag:s14] =	ssyncadd.s32 $0xFFFFEC00  }
0x66: {  	[tilespmem:s16], [sflag:$0x3] =	stream.linear.gather [hbm4b:s10+s30], $0x1400, $0x38;
	[tilespmem:$0x1E400] =	vst v63  }
0x67: {  	_ =	swait.ge [sflag:s14], $0x1400  }
0x68: {  	[sflag:s14] =	ssyncset.done $0x0  }
0x69: {  	[sflag:s14] =	ssyncadd.s32 $0xFFFFEC00  }
0x6a: {  	[tilespmem:s18], [sflag:$0x1] =	stream.indirect.gather [hbm4b:s4+s17], $0x80, s15, s17, $0xb8;
	[tilespmem:$0x1E400] =	vst v63  }
0x6b: {  	s31 =	simm.s32 $0x13C80  }
0x6c: {  	[tilespmem:s19], [sflag:$0x2] =	stream.indirect.gather [hbm4b:s4+s17], $0x80, s31, s17, $0xb8;
	[tilespmem:$0x1E400] =	vst v63  }
0x6d: {  	_ =	swait.ge [sflag:s20], $0x4000  }
0x6e: {  	[sflag:s20] =	ssyncset.done $0x0  }
0x6f: {  	s29 =	simm.s32 $0x15000;
	[sflag:s20] =	ssyncadd.s32 $0xFFFFC000  }
0x70: {  	[spmem:s1] =	stream.indirect.scatter.add.f32 [tilespmem:s18], [sflag:$0x3], $0x80, s29, s17, $0xb8;
	[tilespmem:$0x1E400] =	vst v63  }
0x71: {  	_ =	swait.ge [sflag:s14], $0x4000  }
0x72: {  	[sflag:s14] =	ssyncset.done $0x0  }
0x73: {  	s30 =	simm.s32 $0x13D00;
	[sflag:s14] =	ssyncadd.s32 $0xFFFFC000  }
0x74: {  	[tilespmem:s18], [sflag:$0x1] =	stream.indirect.gather [hbm4b:s4+s17], $0x80, s30, s17, $0xb8;
	[tilespmem:$0x1E400] =	vst v63  }
0x75: {  	_ =	swait.ge [sflag:s21], $0x4000  }
0x76: {  	[sflag:s21] =	ssyncset.done $0x0  }
0x77: {  	s31 =	simm.s32 $0x15080;
	[sflag:s21] =	ssyncadd.s32 $0xFFFFC000  }
0x78: {  	[spmem:s1] =	stream.indirect.scatter.add.f32 [tilespmem:s19], [sflag:$0x3], $0x80, s31, s17, $0xb8;
	[tilespmem:$0x1E400] =	vst v63  }
0x79: {  	_ =	swait.ge [sflag:s14], $0x4000  }
0x7a: {  	s26 =	simm.s32 $0x100;
	s28 =	simm.s32 $0x800;
	[sflag:s14] =	ssyncset.done $0x0  }
.LBB2_4:
0x7b: {  	s29 =	sadd.s32 $0x13C80, s26  }
0x7c: {  	[sflag:s14] =	ssyncadd.s32 $0xFFFFC000;
	s30 =	smov.u32 s28;
	s31 =	sadd.s32 $0x400, s28  }
0x7d: {  	[tilespmem:s19], [sflag:$0x2] =	stream.indirect.gather [hbm4b:s4+s17], $0x80, s29, s17, $0xb8;
	[tilespmem:$0x1E400] =	vst v63  }
0x7e: {  	p0 =	sne.s32 s28, $0x4800;
	_ =	swait.ge [sflag:s20], $0x4000  }
0x7f: {  	[sflag:s20] =	ssyncset.done $0x0  }
0x80: {  	s28 =	sadd.s32 $0x15000, s26;
	[sflag:s20] =	ssyncadd.s32 $0xFFFFC000  }
0x81: {  	[spmem:s1] =	stream.indirect.scatter.add.f32 [tilespmem:s18], [sflag:$0x3], $0x80, s28, s17, $0xb8;
	[tilespmem:$0x1E400] =	vst v63  }
0x82: {  	_ =	swait.ge [sflag:s14], $0x4000  }
0x83: {  	[sflag:s14] =	ssyncset.done $0x0  }
0x84: {  	s28 =	sadd.s32 $0x13D00, s26;
	[sflag:s14] =	ssyncadd.s32 $0xFFFFC000  }
0x85: {  	[tilespmem:s18], [sflag:$0x1] =	stream.indirect.gather [hbm4b:s4+s17], $0x80, s28, s17, $0xb8;
	[tilespmem:$0x1E400] =	vst v63  }
0x86: {  	_ =	swait.ge [sflag:s21], $0x4000  }
.Ltmp1:
0x87: {  	[sflag:s21] =	ssyncset.done $0x0;
	(pc) =	sbr.rel @p0 .LBB2_4-.Ltmp1, $4  }
0x88: {  	s26 =	sadd.s32 $0x15080, s26;
	[sflag:s21] =	ssyncadd.s32 $0xFFFFC000  }
0x89: {  	[spmem:s1] =	stream.indirect.scatter.add.f32 [tilespmem:s19], [sflag:$0x3], $0x80, s26, s17, $0xb8;
	[tilespmem:$0x1E400] =	vst v63  }
0x8a: {  	_ =	swait.ge [sflag:s14], $0x4000  }
0x8b: {  	s28 =	smov.u32 s31;
	s26 =	sshra.s32 s30, $0x2;
	[sflag:s14] =	ssyncset.done $0x0  }
0x8c: {  	s28 =	sadd.s32 $0x13C80, s26;
	[sflag:s14] =	ssyncadd.s32 $0xFFFFC000  }
0x8d: {  	[tilespmem:s19], [sflag:$0x2] =	stream.indirect.gather [hbm4b:s4+s17], $0x80, s28, s17, $0xb8;
	[tilespmem:$0x1E400] =	vst v63  }
0x8e: {  	_ =	swait.ge [sflag:s20], $0x4000  }
0x8f: {  	[sflag:s20] =	ssyncset.done $0x0  }
0x90: {  	s29 =	sadd.s32 $0x15000, s26;
	[sflag:s20] =	ssyncadd.s32 $0xFFFFC000  }
0x91: {  	[spmem:s1] =	stream.indirect.scatter.add.f32 [tilespmem:s18], [sflag:$0x3], $0x80, s29, s17, $0xb8;
	[tilespmem:$0x1E400] =	vst v63  }
0x92: {  	_ =	swait.ge [sflag:s14], $0x4000  }
0x93: {  	[sflag:s14] =	ssyncset.done $0x0  }
0x94: {  	s30 =	sadd.s32 $0x13D00, s26;
	[sflag:s14] =	ssyncadd.s32 $0xFFFFC000  }
0x95: {  	[tilespmem:s18], [sflag:$0x1] =	stream.indirect.gather [hbm4b:s4+s17], $0x80, s30, s17, $0xb8;
	[tilespmem:$0x1E400] =	vst v63  }
0x96: {  	_ =	swait.ge [sflag:s21], $0x4000  }
0x97: {  	[sflag:s21] =	ssyncset.done $0x0  }
0x98: {  	s31 =	sadd.s32 $0x15080, s26;
	[sflag:s21] =	ssyncadd.s32 $0xFFFFC000  }
0x99: {  	[spmem:s1] =	stream.indirect.scatter.add.f32 [tilespmem:s19], [sflag:$0x3], $0x80, s31, s17, $0xb8;
	[tilespmem:$0x1E400] =	vst v63  }
0x9a: {  	_ =	swait.ge [sflag:s14], $0x4000  }
0x9b: {  	[sflag:s14] =	ssyncset.done $0x0  }
0x9c: {  	[sflag:s14] =	ssyncadd.s32 $0xFFFFC000  }
0x9d: {  	[tilespmem:s19], [sflag:$0x2] =	stream.indirect.gather [hbm4b:s4+s17], $0x80, s22, s17, $0xb8;
	[tilespmem:$0x1E400] =	vst v63  }
0x9e: {  	_ =	swait.ge [sflag:s20], $0x4000  }
0x9f: {  	[sflag:s20] =	ssyncset.done $0x0  }
0xa0: {  	[sflag:s20] =	ssyncadd.s32 $0xFFFFC000  }
0xa1: {  	[spmem:s1] =	stream.indirect.scatter.add.f32 [tilespmem:s18], [sflag:$0x3], $0x80, s23, s17, $0xb8;
	[tilespmem:$0x1E400] =	vst v63  }
0xa2: {  	_ =	swait.ge [sflag:s14], $0x4000  }
0xa3: {  	[sflag:s14] =	ssyncset.done $0x0  }
0xa4: {  	[sflag:s14] =	ssyncadd.s32 $0xFFFFC000  }
0xa5: {  	_ =	swait.ge [sflag:s21], $0x4000  }
0xa6: {  	[sflag:s21] =	ssyncset.done $0x0  }
0xa7: {  	[sflag:s21] =	ssyncadd.s32 $0xFFFFC000  }
0xa8: {  	[spmem:s1] =	stream.indirect.scatter.add.f32 [tilespmem:s19], [sflag:$0x3], $0x80, s24, s17, $0xb8;
	[tilespmem:$0x1E400] =	vst v63  }
0xa9: {  	_ =	swait.ge [sflag:s14], $0x4000  }
0xaa: {  	s25 =	sadd.s32 $0x1, s25;
	[sflag:s14] =	ssyncset.done $0x0  }
0xab: {  	p0 =	sne.s32 s25, s12;
	[sflag:s14] =	ssyncadd.s32 $0xFFFFC000  }
.Ltmp2:
0xac: {  	[bflag:$0x0] =	sbarrier.arrive $0xFFFF;
	(pc) =	sbr.rel @p0 .LBB2_1-.Ltmp2, $4  }
0xad: {  	[hbm:s11], [sflag:s6] =	dma.local [spmem:s13], $0x2780  }
0xae: {  	_ =	swait.ge [sflag:s14], $0x2780  }
0xaf: {  	[sflag:s14] =	ssyncset.done $0x0  }
0xb0: {  	[sflag:s14] =	ssyncadd.s32 $0xFFFFD880  }
0xb1: {  	_ =	sfence.sel $0x180000  }
0xb2: {  	[bflag:$0x0] =	sbarrier.arrive $0xFFFF  }
0xb3: {  	p0 =	sne.s32 s3, $0x0;
	_ =	strace $0x9000004A  }
0xb4: {  	s0 =	sadd.s32 @!p0 $0x100000, s0;
	[bflag:$0x2] =	sbarrier.arrive $0xFFFF  }
0xb5: {  	[sflag:s0] =	ssyncadd.tile.s32 @!p0 $0x1;
	_ =	shalt  }
.Lfunc_end2:
_tile_overlayer_lowered:
.L_overlay_start_2:
0xb6: {  	(tag) =	ssettag $0x2  }
0xb7: {  	s0 =	rddreg [dreg:$0x0];
	s2 =	stileid.u32  }
0xb8: {  	s1 =	rddreg [dreg:$0x1];
	p0 =	sne.s32 s2, $0x0  }
0xb9: {  	s3 =	rddreg [dreg:$0x2];
	[bflag:$0x3] =	sbarrier.arrive $0xFFFF;
	s2 =	simm.s32 @!p0 $0x1C03  }
0xba: {  	[timem:s3], [sflag:s2] =	dma.local @!p0 [hbm:s0], s1  }
0xbb: {  	s0 =	simm.s32 @!p0 $0x3  }
0xbc: {  	_ =	swait.ge @!p0 [sflag:s0], s1  }
0xbd: {  	s1 =	ssub.s32 @!p0 $0x0, s1;
	[sflag:s0] =	ssyncset.done @!p0 $0x0  }
0xbe: {  	[sflag:s0] =	ssyncadd.s32 @!p0 s1  }
0xbf: {  	[bflag:$0x3] =	sbarrier.arrive $0xFFFF  }
0xc0: {  	_ =	shalt  }

// kernel: kernel.14.cloned.1.call-start
scs
__scs_entry_jumppad:
0x0: {  	(pc) =	sbr.rel $0x88, $3  }
0x1: {  	(tag) =	ssettag $0x0;
	lr =	simm.s32 $0x1  }
0x2: {  	[smem:$0x3F8C] =	sst lr;
	_ =	strace $0xD0000000  }
0x3: {  	_ = 	snop  }
0x4: {  	_ = 	snop  }
0x5: {  	_ = 	snop  }
0x6: {  	_ = 	snop  }
0x7: {  	_ = 	snop  }
__scs_overlays_trampoline_lowered:
0x8: {  	[smem:$0x3F9B] =	sst s0  }
0x9: {  	[smem:$0x3F9C] =	sst s1  }
0xa: {  	[smem:$0x3F9D] =	sst s2  }
0xb: {  	[smem:$0x3F9E] =	sst s3  }
0xc: {  	[smem:$0x3F9F] =	sst s4  }
0xd: {  	[smem:$0x3FA0] =	sst s5  }
0xe: {  	[smem:$0x3FA1] =	sst s6  }
0xf: {  	[smem:$0x3FA2] =	sst s7  }
0x10: {  	[smem:$0x3FA3] =	sst s8  }
0x11: {  	[smem:$0x3FA4] =	sst s9;
	s0 =	simm.s32 @!p0 $0x0  }
0x12: {  	s1 =	sld [smem:$0x3F8A];
	s0 =	simm.s32 @p0 $0x1  }
0x13: {  	[smem:$0x3FA5] =	sst s0;
	s0 =	simm.s32 @!p1 $0x0  }
0x14: {  	s2 =	sld [smem:$0x3F89];
	s0 =	simm.s32 @p1 $0x1  }
0x15: {  	[smem:$0x3FA6] =	sst s0;
	s0 =	simm.s32 @!p2 $0x0  }
0x16: {  	s3 =	sld [smem:$0x3FDB];
	s0 =	simm.s32 @p2 $0x1  }
0x17: {  	s4 =	simm.s32 $0x1BF5;
	[smem:$0x3FA8] =	sst s0  }
0x18: {  	s0 =	sld [smem:$0x3F8B];
	_ =	swait.ge [sflag:s4], $0x0  }
0x19: {  	s7 =	sld [smem:$0x3F8C]  }
0x1a: {  	s8 =	sadd.s32 $0xFFFFE003, lr  }
0x1b: {  	s9 =	sadd.s32 $0xFFFFFEF7, lr;
	s5 =	simm.s32 $0xFFFFFFFF;
	p2 =	slt.u32 s8, $0xFFFFF086  }
0x1c: {  	p1 =	slt.u32 s9, $0xF7A;
	s5 =	simm.s32 @!p2 $0x0  }
0x1d: {  	s5 =	simm.s32 @p1 $0x1;
	p0 =	seq.s32 s7, s2  }
0x1e: {  	s7 =	smul.u32 @!p0 $0xF7A, s2;
	p2 =	seq.s32 @!p0 s5, $0x0  }
0x1f: {  	s9 =	smul.u32 $0xF7A, s1;
	s8 =	simm.s32 @!p0 $0x1BF5;
	p2 =	por !p2, p0  }
0x20: {  	[sflag:s8] =	ssyncset.s32 @!p0 $0xFFFFF086;
	s6 =	sadd.s32 @!p0 s3, s7;
	s7 =	simm.s32 @!p0 $0x108  }
0x21: {  	s3 =	sadd.s32 s3, s9;
	s6 =	sadd.s32 @!p0 $0x88, s6;
	s7 =	simm.s32 @p2 $0x1082  }
0x22: {  	[simem:s7], [sflag:s8] =	dma.local @!p0 [hbm:s6], $0xF7A  }
0x23: {  	s9 =	sor.u32 $0xD0000000, s2;
	s6 =	simm.s32 $0x108;
	_ =	swait.ge @!p0 [sflag:s8], $0x0  }
0x24: {  	s3 =	sadd.s32 $0x88, s3;
	s6 =	simm.s32 @!p1 $0x1082;
	[sflag:s4] =	ssyncset.s32 $0xFFFFF086  }
0x25: {  	[simem:s6], [sflag:s4] =	dma.local [hbm:s3], $0xF7A  }
0x26: {  	[smem:$0x3F8C] =	sst s1;
	(tag) =	ssettag s2;
	_ =	strace s9  }
0x27: {  	s1 =	sld [smem:$0x3F9C]  }
0x28: {  	s2 =	sld [smem:$0x3F9D]  }
0x29: {  	s4 =	sld [smem:$0x3F9F]  }
0x2a: {  	p0 =	seq.s32 s5, $0x0;
	s5 =	sld [smem:$0x3FA0]  }
0x2b: {  	s6 =	sld [smem:$0x3FA1]  }
0x2c: {  	s7 =	sld [smem:$0x3FA2]  }
0x2d: {  	s3 =	simm.s32 $0x108;
	s8 =	sld [smem:$0x3FA3]  }
0x2e: {  	s3 =	simm.s32 @!p0 $0x1082;
	s9 =	sld [smem:$0x3FA4]  }
0x2f: {  	lr =	sadd.s32 s0, s3;
	s0 =	sld [smem:$0x3F9B]  }
0x30: {  	s3 =	sld [smem:$0x3F9E]  }
0x31: {  	[smem:$0x3FA7] =	sst s10  }
0x32: {  	s10 =	sld [smem:$0x3FA5];
	_ =	sdelay $0x3  }
0x33: {  	p0 =	seq.s32 s10, $0x1;
	s10 =	sld [smem:$0x3FA7];
	_ =	sdelay $0x3  }
0x34: {  	[smem:$0x3FA7] =	sst s10  }
0x35: {  	s10 =	sld [smem:$0x3FA6];
	_ =	sdelay $0x3  }
0x36: {  	p1 =	seq.s32 s10, $0x1;
	s10 =	sld [smem:$0x3FA7];
	_ =	sdelay $0x3  }
0x37: {  	[smem:$0x3FA7] =	sst s10  }
0x38: {  	s10 =	sld [smem:$0x3FA8]  }
0x39: {  	_ = 	snop;
	(pc) =	sbr.ind lr, $3  }
0x3a: {  	_ = 	snop  }
0x3b: {  	_ = 	snop  }
0x3c: {  	p2 =	seq.s32 s10, $0x1;
	s10 =	sld [smem:$0x3FA7]  }
0x3d: {  	_ =	shalt  }
0x3e: {  	_ =	shalt  }
0x3f: {  	_ =	shalt  }
0x40: {  	_ =	shalt  }
0x41: {  	_ =	shalt  }
0x42: {  	_ =	shalt  }
0x43: {  	_ =	shalt  }
0x44: {  	_ =	shalt  }
0x45: {  	_ =	shalt  }
0x46: {  	_ =	shalt  }
0x47: {  	_ =	shalt  }
0x48: {  	_ =	shalt  }
0x49: {  	_ =	shalt  }
0x4a: {  	_ =	shalt  }
0x4b: {  	_ =	shalt  }
0x4c: {  	_ =	shalt  }
0x4d: {  	_ =	shalt  }
0x4e: {  	_ =	shalt  }
0x4f: {  	_ =	shalt  }
0x50: {  	_ =	shalt  }
0x51: {  	_ =	shalt  }
0x52: {  	_ =	shalt  }
0x53: {  	_ =	shalt  }
0x54: {  	_ =	shalt  }
0x55: {  	_ =	shalt  }
0x56: {  	_ =	shalt  }
0x57: {  	_ =	shalt  }
0x58: {  	_ =	shalt  }
0x59: {  	_ =	shalt  }
0x5a: {  	_ =	shalt  }
0x5b: {  	_ =	shalt  }
0x5c: {  	_ =	shalt  }
0x5d: {  	_ =	shalt  }
0x5e: {  	_ =	shalt  }
0x5f: {  	_ =	shalt  }
0x60: {  	_ =	shalt  }
0x61: {  	_ =	shalt  }
0x62: {  	_ =	shalt  }
0x63: {  	_ =	shalt  }
0x64: {  	_ =	shalt  }
0x65: {  	_ =	shalt  }
0x66: {  	_ =	shalt  }
0x67: {  	_ =	shalt  }
0x68: {  	_ =	shalt  }
0x69: {  	_ =	shalt  }
0x6a: {  	_ =	shalt  }
0x6b: {  	_ =	shalt  }
0x6c: {  	_ =	shalt  }
0x6d: {  	_ =	shalt  }
0x6e: {  	_ =	shalt  }
0x6f: {  	_ =	shalt  }
0x70: {  	_ =	shalt  }
0x71: {  	_ =	shalt  }
0x72: {  	_ =	shalt  }
0x73: {  	_ =	shalt  }
0x74: {  	_ =	shalt  }
0x75: {  	_ =	shalt  }
0x76: {  	_ =	shalt  }
0x77: {  	_ =	shalt  }
0x78: {  	_ =	shalt  }
0x79: {  	_ =	shalt  }
0x7a: {  	_ =	shalt  }
0x7b: {  	_ =	shalt  }
0x7c: {  	_ =	shalt  }
0x7d: {  	_ =	shalt  }
0x7e: {  	_ =	shalt  }
0x7f: {  	_ =	shalt  }
0x80: {  	_ =	shalt  }
0x81: {  	_ =	shalt  }
0x82: {  	_ =	shalt  }
0x83: {  	_ =	shalt  }
0x84: {  	_ =	shalt  }
0x85: {  	_ =	shalt  }
0x86: {  	_ =	shalt  }
0x87: {  	_ =	shalt  }
.Lfunc_end0:
.L_simem_size_0:
called_computation.2_lowered:
.L_overlay_start_0:
0x88: {  	s2 =	sld [smem:$0x3FD9]  }
0x89: {  	s3 =	sld [smem:$0x3FFE];
	_ =	sdelay $0x1  }
0x8a: {  	s1 =	srdreg.scid  }
0x8b: {  	s0 =	sand.u32 $0x1, s1  }
0x8c: {  	s16 =	sshll.u32 s0, $0xA;
	s2 =	sadd.s32 s3, s2  }
0x8d: {  	s2 =	sadd.s32 s2, s16  }
0x8e: {  	[smem:$0x3FB3] =	sst s2  }
0x8f: {  	_ = 	snop  }
0x90: {  	(tm) =	ssettm $0x1  }
0x91: {  	s17 =	sld [smem:$0x3FFB];
	_ =	sdelay $0x3  }
0x92: {  	_ =	strace s17  }
0x93: {  	s2 =	sld [smem:$0x3FFC];
	_ =	sdelay $0x3  }
0x94: {  	_ =	strace s2  }
0x95: {  	s2 =	sld [smem:$0x3FFD];
	_ =	sdelay $0x3  }
0x96: {  	_ =	strace s2  }
0x97: {  	_ =	strace $0x8FFFFFFF  }
0x98: {  	s18 =	sld [smem:$0x3FDB];
	_ =	sdelay $0x1  }
0x99: {  	s19 =	simm.s32 $_scs_section_size  }
0x9a: {  	s4 =	simm.s32 $_size__tile_overlayer_lowered;
	s5 =	simm.s32 $_tile_overlayer_lowered  }
0x9b: {  	s22 =	simm.s32 $0x1BFF;
	s21 =	sshll.u32 s5, $0x1;
	s2 =	sadd.s32 s19, s18  }
0x9c: {  	s6 =	simm.s32 $0x0;
	s20 =	sshll.u32 s4, $0x1;
	s4 =	sadd.s32 s21, s2  }
0x9d: {  	[timem:s6], [sflag:s22] =	dma.local [hbm:s4], s20  }
0x9e: {  	_ =	swait.ge [sflag:s22], s20  }
0x9f: {  	s3 =	ssub.s32 $0x0, s20;
	[sflag:s22] =	ssyncset.done $0x0  }
0xa0: {  	[sflag:s22] =	ssyncadd.s32 s3;
	_ =	sdelay $0x1  }
0xa1: {  	s23 =	simm.s32 $0x1B8B  }
0xa2: {  	_ =	swait.ge [sflag:s23], $0x1  }
0xa3: {  	[sflag:s23] =	ssyncset.done $0x0  }
0xa4: {  	s25 =	simm.s32 $0x1B8E;
	s24 =	sld [smem:$0x3FFE];
	[sflag:s23] =	ssyncadd.s32 $0xFFFFFFFF  }
0xa5: {  	s26 =	simm.s32 $execute0_lowered;
	[smem:$0x3FD2] =	sst s25  }
0xa6: {  	s4 =	sshll.u32 s26, $0x1;
	_ =	strace $0x8000004C;
	[dreg:$0x1] =	wrdreg $0xFFFFFFFF  }
0xa7: {  	s28 =	simm.s32 $_size_execute0_lowered;
	s2 =	sadd.s32 s2, s4;
	[dreg:$0x0] =	wrdreg $0x0  }
0xa8: {  	s4 =	sshll.u32 s28, $0x1;
	[dreg:$0x2] =	wrdreg s2  }
0xa9: {  	[dreg:$0x3] =	wrdreg s4  }
0xaa: {  	[dreg:$0x4] =	wrdreg $0xC0  }
0xab: {  	_ =	task [dreg:s6], $0x5FFFF  }
0xac: {  	[dreg:$0x1] =	wrdreg $0xFFFFFFFF  }
0xad: {  	[dreg:$0x0] =	wrdreg $0x60  }
0xae: {  	[dreg:$0x2] =	wrdreg s24  }
0xaf: {  	[dreg:$0x3] =	wrdreg $0x0  }
0xb0: {  	[dreg:$0x4] =	wrdreg $0x9  }
0xb1: {  	_ =	task.clear_ibuf [dreg:s6], $0x5FFFF;
	_ =	strace $0x9000004C  }
0xb2: {  	s29 =	simm.s32 $0x9;
	_ =	strace $0x8000004E  }
0xb3: {  	_ =	swait.ge [sflag:s29], $0x1  }
0xb4: {  	[sflag:s29] =	ssyncadd.s32 $0xFFFFFFFF  }
0xb5: {  	_ =	strace $0x9000004E  }
0xb6: {  	_ =	sfence  }
0xb7: {  	s30 =	sld [smem:$0x0];
	_ =	sdelay $0x2  }
0xb8: {  	s31 =	sshll.u32 s1, $0xD;
	s1 =	sshrl.u32 s1, $0x2  }
0xb9: {  	s3 =	sand.u32 $0x4000, s31;
	s1 =	sadd.s32 s1, s30  }
0xba: {  	s0 =	sor.u32 s3, s0;
	s1 =	sshll.u32 s1, $0x11  }
0xbb: {  	s0 =	sor.u32 s1, s0  }
0xbc: {  	s0 =	sadd.s32 $0x8F2B, s0  }
0xbd: {  	[sflag:s0] =	ssyncadd.remote.s32 $0x1  }
0xbe: {  	_ =	sfence.sel $0xFFFF  }
0xbf: {  	[dreg:$0x0] =	wrdreg $0xFFFFFFFF;
	(pc) =	sbr.abs _section_cstart, $3  }
0xc0: {  	[dreg:$0x1] =	wrdreg $0xFFFFFFFF  }
0xc1: {  	_ =	task.clear_ibuf [dreg:s6], $0x2FFFF;
	_ =	strace $0x9FFFFFFF  }
0xc2: {  	(tm) =	ssettm $0x7FFFFFFF  }
0xc3: {  	_ =	shalt  }
tec
execute0_lowered:
.L_overlay_start_1:
0x0: {  	(tag) =	ssettag $0x1  }
0x1: {  	s6 =	rddreg [dreg:$0x0]  }
0x2: {  	s1 =	rddreg [dreg:$0x1]  }
0x3: {  	s0 =	rddreg [dreg:$0x2];
	s2 =	simm.s32 $0x0  }
0x4: {  	s5 =	srdreg.scid;
	s3 =	stileid.u32;
	s16 =	simm.s32 $0x15000  }
0x5: {  	s17 =	simm.s32 $0x80;
	s18 =	simm.s32 $0x16400;
	s19 =	simm.s32 $0x1A400  }
0x6: {  	s20 =	simm.s32 $0x1;
	s21 =	simm.s32 $0x2;
	s22 =	simm.s32 $0x14F80  }
0x7: {  	s23 =	simm.s32 $0x16300;
	s24 =	simm.s32 $0x16380;
	s25 =	simm.s32 $0x0  }
0x8: {  	[smem:$0x7FF] =	sst s2;
	s9 =	sadd.s32 $0x4400, s6;
	s10 =	sadd.s32 $0xE400, s6  }
0x9: {  	s4 =	sadd.s32 $0x1AC00, s6;
	s7 =	sand.u32 $0x1, s5;
	s8 =	smul.u32 $0x2780, s3  }
0xa: {  	s5 =	sadd.s32 $0x18400, s6;
	s13 =	smul.u32 $0x4F000, s3;
	s29 =	sshll.u32 s3, $0x6  }
0xb: {  	s11 =	smul.u32 $0x27800, s7;
	s12 =	sshll.u32 s7, $0x4;
	s7 =	ssub.s32 $0x2, s7  }
0xc: {  	_ =	strace $0x8000004D;
	s12 =	sor.u32 s3, s12;
	s26 =	sshrl.u32 s7, $0x1  }
0xd: {  	s28 =	sshrl.u32 s13, $0x2;
	s8 =	sadd.s32 s8, s11;
	s12 =	smul.u32 $0x2800, s12  }
0xe: {  	s15 =	ssub.s32 s7, s26;
	s13 =	sadd.s32 s28, s1;
	s14 =	sadd.s32 s8, s6  }
0xf: {  	s6 =	sor.u32 $0x1C03, s29;
	s13 =	sshrl.u32 s13, $0x3;
	s30 =	sshrl.u32 s12, $0x3  }
0x10: {  	s11 =	sadd.s32 $0x41E00, s14;
	s12 =	smax.u32 s15, $0x1;
	s14 =	simm.s32 $0x3  }
0x11: {  	s15 =	simm.s32 $0x13C00;
	s7 =	sadd.s32 s9, s30;
	s31 =	sadd.s32 $0x280, s30  }
0x12: {  	s8 =	sadd.s32 s10, s30;
	s9 =	sadd.s32 s9, s31;
	s10 =	sadd.s32 s10, s31  }
.LBB2_1:
0x13: {  	[spmem:s13], [sflag:s6] =	dma.local [hbm:s5], $0x2780  }
0x14: {  	_ =	swait.ge [sflag:s14], $0x2780  }
0x15: {  	[sflag:s14] =	ssyncset.done $0x0  }
0x16: {  	[sflag:s14] =	ssyncadd.s32 $0xFFFFD880  }
0x17: {  	[bflag:$0x0] =	sbarrier.arrive $0xFFFF  }
0x18: {  	[tilespmem:s15], [sflag:$0x3] =	stream.linear.gather [hbm4b:s7+s2], $0x1400, $0x38;
	[tilespmem:$0x1E400] =	vst v63  }
0x19: {  	_ =	swait.ge [sflag:s14], $0x1400  }
0x1a: {  	[sflag:s14] =	ssyncset.done $0x0  }
0x1b: {  	[sflag:s14] =	ssyncadd.s32 $0xFFFFEC00  }
0x1c: {  	[tilespmem:s16], [sflag:$0x3] =	stream.linear.gather [hbm4b:s8+s2], $0x1400, $0x38;
	[tilespmem:$0x1E400] =	vst v63  }
0x1d: {  	_ =	swait.ge [sflag:s14], $0x1400  }
0x1e: {  	[sflag:s14] =	ssyncset.done $0x0  }
0x1f: {  	[sflag:s14] =	ssyncadd.s32 $0xFFFFEC00  }
0x20: {  	[tilespmem:s18], [sflag:$0x1] =	stream.indirect.gather [hbm4b:s4+s17], $0x80, s15, s17, $0xb8;
	[tilespmem:$0x1E400] =	vst v63  }
0x21: {  	s26 =	simm.s32 $0x13C80  }
0x22: {  	[tilespmem:s19], [sflag:$0x2] =	stream.indirect.gather [hbm4b:s4+s17], $0x80, s26, s17, $0xb8;
	[tilespmem:$0x1E400] =	vst v63  }
0x23: {  	_ =	swait.ge [sflag:s20], $0x4000  }
0x24: {  	[sflag:s20] =	ssyncset.done $0x0  }
0x25: {  	s29 =	simm.s32 $0x15000;
	[sflag:s20] =	ssyncadd.s32 $0xFFFFC000  }
0x26: {  	[spmem:s1] =	stream.indirect.scatter.add.f32 [tilespmem:s18], [sflag:$0x3], $0x80, s29, s17, $0xb8;
	[tilespmem:$0x1E400] =	vst v63  }
0x27: {  	_ =	swait.ge [sflag:s14], $0x4000  }
0x28: {  	[sflag:s14] =	ssyncset.done $0x0  }
0x29: {  	s30 =	simm.s32 $0x13D00;
	[sflag:s14] =	ssyncadd.s32 $0xFFFFC000  }
0x2a: {  	[tilespmem:s18], [sflag:$0x1] =	stream.indirect.gather [hbm4b:s4+s17], $0x80, s30, s17, $0xb8;
	[tilespmem:$0x1E400] =	vst v63  }
0x2b: {  	_ =	swait.ge [sflag:s21], $0x4000  }
0x2c: {  	[sflag:s21] =	ssyncset.done $0x0  }
0x2d: {  	s31 =	simm.s32 $0x15080;
	[sflag:s21] =	ssyncadd.s32 $0xFFFFC000  }
0x2e: {  	[spmem:s1] =	stream.indirect.scatter.add.f32 [tilespmem:s19], [sflag:$0x3], $0x80, s31, s17, $0xb8;
	[tilespmem:$0x1E400] =	vst v63  }
0x2f: {  	_ =	swait.ge [sflag:s14], $0x4000  }
0x30: {  	s28 =	simm.s32 $0x800;
	s26 =	simm.s32 $0x100;
	[sflag:s14] =	ssyncset.done $0x0  }
.LBB2_2:
0x31: {  	s29 =	sadd.s32 $0x13C80, s26  }
0x32: {  	[sflag:s14] =	ssyncadd.s32 $0xFFFFC000;
	s30 =	smov.u32 s28;
	s31 =	sadd.s32 $0x400, s28  }
0x33: {  	[tilespmem:s19], [sflag:$0x2] =	stream.indirect.gather [hbm4b:s4+s17], $0x80, s29, s17, $0xb8;
	[tilespmem:$0x1E400] =	vst v63  }
0x34: {  	p0 =	sne.s32 s28, $0x4800;
	_ =	swait.ge [sflag:s20], $0x4000  }
0x35: {  	[sflag:s20] =	ssyncset.done $0x0  }
0x36: {  	s28 =	sadd.s32 $0x15000, s26;
	[sflag:s20] =	ssyncadd.s32 $0xFFFFC000  }
0x37: {  	[spmem:s1] =	stream.indirect.scatter.add.f32 [tilespmem:s18], [sflag:$0x3], $0x80, s28, s17, $0xb8;
	[tilespmem:$0x1E400] =	vst v63  }
0x38: {  	_ =	swait.ge [sflag:s14], $0x4000  }
0x39: {  	[sflag:s14] =	ssyncset.done $0x0  }
0x3a: {  	s28 =	sadd.s32 $0x13D00, s26;
	[sflag:s14] =	ssyncadd.s32 $0xFFFFC000  }
0x3b: {  	[tilespmem:s18], [sflag:$0x1] =	stream.indirect.gather [hbm4b:s4+s17], $0x80, s28, s17, $0xb8;
	[tilespmem:$0x1E400] =	vst v63  }
0x3c: {  	_ =	swait.ge [sflag:s21], $0x4000  }
.Ltmp0:
0x3d: {  	[sflag:s21] =	ssyncset.done $0x0;
	(pc) =	sbr.rel @p0 .LBB2_2-.Ltmp0, $4  }
0x3e: {  	s26 =	sadd.s32 $0x15080, s26;
	[sflag:s21] =	ssyncadd.s32 $0xFFFFC000  }
0x3f: {  	[spmem:s1] =	stream.indirect.scatter.add.f32 [tilespmem:s19], [sflag:$0x3], $0x80, s26, s17, $0xb8;
	[tilespmem:$0x1E400] =	vst v63  }
0x40: {  	_ =	swait.ge [sflag:s14], $0x4000  }
0x41: {  	s28 =	smov.u32 s31;
	s26 =	sshra.s32 s30, $0x2;
	[sflag:s14] =	ssyncset.done $0x0  }
0x42: {  	s28 =	sadd.s32 $0x13C80, s26;
	[sflag:s14] =	ssyncadd.s32 $0xFFFFC000  }
0x43: {  	[tilespmem:s19], [sflag:$0x2] =	stream.indirect.gather [hbm4b:s4+s17], $0x80, s28, s17, $0xb8;
	[tilespmem:$0x1E400] =	vst v63  }
0x44: {  	_ =	swait.ge [sflag:s20], $0x4000  }
0x45: {  	[sflag:s20] =	ssyncset.done $0x0  }
0x46: {  	s28 =	sadd.s32 $0x15000, s26;
	[sflag:s20] =	ssyncadd.s32 $0xFFFFC000  }
0x47: {  	[spmem:s1] =	stream.indirect.scatter.add.f32 [tilespmem:s18], [sflag:$0x3], $0x80, s28, s17, $0xb8;
	[tilespmem:$0x1E400] =	vst v63  }
0x48: {  	_ =	swait.ge [sflag:s14], $0x4000  }
0x49: {  	[sflag:s14] =	ssyncset.done $0x0  }
0x4a: {  	s28 =	sadd.s32 $0x13D00, s26;
	[sflag:s14] =	ssyncadd.s32 $0xFFFFC000  }
0x4b: {  	[tilespmem:s18], [sflag:$0x1] =	stream.indirect.gather [hbm4b:s4+s17], $0x80, s28, s17, $0xb8;
	[tilespmem:$0x1E400] =	vst v63  }
0x4c: {  	_ =	swait.ge [sflag:s21], $0x4000  }
0x4d: {  	[sflag:s21] =	ssyncset.done $0x0  }
0x4e: {  	s29 =	sadd.s32 $0x15080, s26;
	[sflag:s21] =	ssyncadd.s32 $0xFFFFC000  }
0x4f: {  	[spmem:s1] =	stream.indirect.scatter.add.f32 [tilespmem:s19], [sflag:$0x3], $0x80, s29, s17, $0xb8;
	[tilespmem:$0x1E400] =	vst v63  }
0x50: {  	_ =	swait.ge [sflag:s14], $0x4000  }
0x51: {  	[sflag:s14] =	ssyncset.done $0x0  }
0x52: {  	[sflag:s14] =	ssyncadd.s32 $0xFFFFC000  }
0x53: {  	[tilespmem:s19], [sflag:$0x2] =	stream.indirect.gather [hbm4b:s4+s17], $0x80, s22, s17, $0xb8;
	[tilespmem:$0x1E400] =	vst v63  }
0x54: {  	_ =	swait.ge [sflag:s20], $0x4000  }
0x55: {  	[sflag:s20] =	ssyncset.done $0x0  }
0x56: {  	[sflag:s20] =	ssyncadd.s32 $0xFFFFC000  }
0x57: {  	[spmem:s1] =	stream.indirect.scatter.add.f32 [tilespmem:s18], [sflag:$0x3], $0x80, s23, s17, $0xb8;
	[tilespmem:$0x1E400] =	vst v63  }
0x58: {  	_ =	swait.ge [sflag:s14], $0x4000  }
0x59: {  	[sflag:s14] =	ssyncset.done $0x0  }
0x5a: {  	[sflag:s14] =	ssyncadd.s32 $0xFFFFC000  }
0x5b: {  	_ =	swait.ge [sflag:s21], $0x4000  }
0x5c: {  	[sflag:s21] =	ssyncset.done $0x0  }
0x5d: {  	[sflag:s21] =	ssyncadd.s32 $0xFFFFC000  }
0x5e: {  	[spmem:s1] =	stream.indirect.scatter.add.f32 [tilespmem:s19], [sflag:$0x3], $0x80, s24, s17, $0xb8;
	[tilespmem:$0x1E400] =	vst v63  }
0x5f: {  	_ =	swait.ge [sflag:s14], $0x4000  }
0x60: {  	[sflag:s14] =	ssyncset.done $0x0  }
0x61: {  	s30 =	simm.s32 $0x0;
	[sflag:s14] =	ssyncadd.s32 $0xFFFFC000  }
0x62: {  	[tilespmem:s15], [sflag:$0x3] =	stream.linear.gather [hbm4b:s9+s30], $0x1400, $0x38;
	[tilespmem:$0x1E400] =	vst v63  }
0x63: {  	_ =	swait.ge [sflag:s14], $0x1400  }
0x64: {  	[sflag:s14] =	ssyncset.done $0x0  }
0x65: {  	[sflag:s14] =	ssyncadd.s32 $0xFFFFEC00  }
0x66: {  	[tilespmem:s16], [sflag:$0x3] =	stream.linear.gather [hbm4b:s10+s30], $0x1400, $0x38;
	[tilespmem:$0x1E400] =	vst v63  }
0x67: {  	_ =	swait.ge [sflag:s14], $0x1400  }
0x68: {  	[sflag:s14] =	ssyncset.done $0x0  }
0x69: {  	[sflag:s14] =	ssyncadd.s32 $0xFFFFEC00  }
0x6a: {  	[tilespmem:s18], [sflag:$0x1] =	stream.indirect.gather [hbm4b:s4+s17], $0x80, s15, s17, $0xb8;
	[tilespmem:$0x1E400] =	vst v63  }
0x6b: {  	s31 =	simm.s32 $0x13C80  }
0x6c: {  	[tilespmem:s19], [sflag:$0x2] =	stream.indirect.gather [hbm4b:s4+s17], $0x80, s31, s17, $0xb8;
	[tilespmem:$0x1E400] =	vst v63  }
0x6d: {  	_ =	swait.ge [sflag:s20], $0x4000  }
0x6e: {  	[sflag:s20] =	ssyncset.done $0x0  }
0x6f: {  	s29 =	simm.s32 $0x15000;
	[sflag:s20] =	ssyncadd.s32 $0xFFFFC000  }
0x70: {  	[spmem:s1] =	stream.indirect.scatter.add.f32 [tilespmem:s18], [sflag:$0x3], $0x80, s29, s17, $0xb8;
	[tilespmem:$0x1E400] =	vst v63  }
0x71: {  	_ =	swait.ge [sflag:s14], $0x4000  }
0x72: {  	[sflag:s14] =	ssyncset.done $0x0  }
0x73: {  	s30 =	simm.s32 $0x13D00;
	[sflag:s14] =	ssyncadd.s32 $0xFFFFC000  }
0x74: {  	[tilespmem:s18], [sflag:$0x1] =	stream.indirect.gather [hbm4b:s4+s17], $0x80, s30, s17, $0xb8;
	[tilespmem:$0x1E400] =	vst v63  }
0x75: {  	_ =	swait.ge [sflag:s21], $0x4000  }
0x76: {  	[sflag:s21] =	ssyncset.done $0x0  }
0x77: {  	s31 =	simm.s32 $0x15080;
	[sflag:s21] =	ssyncadd.s32 $0xFFFFC000  }
0x78: {  	[spmem:s1] =	stream.indirect.scatter.add.f32 [tilespmem:s19], [sflag:$0x3], $0x80, s31, s17, $0xb8;
	[tilespmem:$0x1E400] =	vst v63  }
0x79: {  	_ =	swait.ge [sflag:s14], $0x4000  }
0x7a: {  	s26 =	simm.s32 $0x100;
	s28 =	simm.s32 $0x800;
	[sflag:s14] =	ssyncset.done $0x0  }
.LBB2_4:
0x7b: {  	s29 =	sadd.s32 $0x13C80, s26  }
0x7c: {  	[sflag:s14] =	ssyncadd.s32 $0xFFFFC000;
	s30 =	smov.u32 s28;
	s31 =	sadd.s32 $0x400, s28  }
0x7d: {  	[tilespmem:s19], [sflag:$0x2] =	stream.indirect.gather [hbm4b:s4+s17], $0x80, s29, s17, $0xb8;
	[tilespmem:$0x1E400] =	vst v63  }
0x7e: {  	p0 =	sne.s32 s28, $0x4800;
	_ =	swait.ge [sflag:s20], $0x4000  }
0x7f: {  	[sflag:s20] =	ssyncset.done $0x0  }
0x80: {  	s28 =	sadd.s32 $0x15000, s26;
	[sflag:s20] =	ssyncadd.s32 $0xFFFFC000  }
0x81: {  	[spmem:s1] =	stream.indirect.scatter.add.f32 [tilespmem:s18], [sflag:$0x3], $0x80, s28, s17, $0xb8;
	[tilespmem:$0x1E400] =	vst v63  }
0x82: {  	_ =	swait.ge [sflag:s14], $0x4000  }
0x83: {  	[sflag:s14] =	ssyncset.done $0x0  }
0x84: {  	s28 =	sadd.s32 $0x13D00, s26;
	[sflag:s14] =	ssyncadd.s32 $0xFFFFC000  }
0x85: {  	[tilespmem:s18], [sflag:$0x1] =	stream.indirect.gather [hbm4b:s4+s17], $0x80, s28, s17, $0xb8;
	[tilespmem:$0x1E400] =	vst v63  }
0x86: {  	_ =	swait.ge [sflag:s21], $0x4000  }
.Ltmp1:
0x87: {  	[sflag:s21] =	ssyncset.done $0x0;
	(pc) =	sbr.rel @p0 .LBB2_4-.Ltmp1, $4  }
0x88: {  	s26 =	sadd.s32 $0x15080, s26;
	[sflag:s21] =	ssyncadd.s32 $0xFFFFC000  }
0x89: {  	[spmem:s1] =	stream.indirect.scatter.add.f32 [tilespmem:s19], [sflag:$0x3], $0x80, s26, s17, $0xb8;
	[tilespmem:$0x1E400] =	vst v63  }
0x8a: {  	_ =	swait.ge [sflag:s14], $0x4000  }
0x8b: {  	s28 =	smov.u32 s31;
	s26 =	sshra.s32 s30, $0x2;
	[sflag:s14] =	ssyncset.done $0x0  }
0x8c: {  	s28 =	sadd.s32 $0x13C80, s26;
	[sflag:s14] =	ssyncadd.s32 $0xFFFFC000  }
0x8d: {  	[tilespmem:s19], [sflag:$0x2] =	stream.indirect.gather [hbm4b:s4+s17], $0x80, s28, s17, $0xb8;
	[tilespmem:$0x1E400] =	vst v63  }
0x8e: {  	_ =	swait.ge [sflag:s20], $0x4000  }
0x8f: {  	[sflag:s20] =	ssyncset.done $0x0  }
0x90: {  	s29 =	sadd.s32 $0x15000, s26;
	[sflag:s20] =	ssyncadd.s32 $0xFFFFC000  }
0x91: {  	[spmem:s1] =	stream.indirect.scatter.add.f32 [tilespmem:s18], [sflag:$0x3], $0x80, s29, s17, $0xb8;
	[tilespmem:$0x1E400] =	vst v63  }
0x92: {  	_ =	swait.ge [sflag:s14], $0x4000  }
0x93: {  	[sflag:s14] =	ssyncset.done $0x0  }
0x94: {  	s30 =	sadd.s32 $0x13D00, s26;
	[sflag:s14] =	ssyncadd.s32 $0xFFFFC000  }
0x95: {  	[tilespmem:s18], [sflag:$0x1] =	stream.indirect.gather [hbm4b:s4+s17], $0x80, s30, s17, $0xb8;
	[tilespmem:$0x1E400] =	vst v63  }
0x96: {  	_ =	swait.ge [sflag:s21], $0x4000  }
0x97: {  	[sflag:s21] =	ssyncset.done $0x0  }
0x98: {  	s31 =	sadd.s32 $0x15080, s26;
	[sflag:s21] =	ssyncadd.s32 $0xFFFFC000  }
0x99: {  	[spmem:s1] =	stream.indirect.scatter.add.f32 [tilespmem:s19], [sflag:$0x3], $0x80, s31, s17, $0xb8;
	[tilespmem:$0x1E400] =	vst v63  }
0x9a: {  	_ =	swait.ge [sflag:s14], $0x4000  }
0x9b: {  	[sflag:s14] =	ssyncset.done $0x0  }
0x9c: {  	[sflag:s14] =	ssyncadd.s32 $0xFFFFC000  }
0x9d: {  	[tilespmem:s19], [sflag:$0x2] =	stream.indirect.gather [hbm4b:s4+s17], $0x80, s22, s17, $0xb8;
	[tilespmem:$0x1E400] =	vst v63  }
0x9e: {  	_ =	swait.ge [sflag:s20], $0x4000  }
0x9f: {  	[sflag:s20] =	ssyncset.done $0x0  }
0xa0: {  	[sflag:s20] =	ssyncadd.s32 $0xFFFFC000  }
0xa1: {  	[spmem:s1] =	stream.indirect.scatter.add.f32 [tilespmem:s18], [sflag:$0x3], $0x80, s23, s17, $0xb8;
	[tilespmem:$0x1E400] =	vst v63  }
0xa2: {  	_ =	swait.ge [sflag:s14], $0x4000  }
0xa3: {  	[sflag:s14] =	ssyncset.done $0x0  }
0xa4: {  	[sflag:s14] =	ssyncadd.s32 $0xFFFFC000  }
0xa5: {  	_ =	swait.ge [sflag:s21], $0x4000  }
0xa6: {  	[sflag:s21] =	ssyncset.done $0x0  }
0xa7: {  	[sflag:s21] =	ssyncadd.s32 $0xFFFFC000  }
0xa8: {  	[spmem:s1] =	stream.indirect.scatter.add.f32 [tilespmem:s19], [sflag:$0x3], $0x80, s24, s17, $0xb8;
	[tilespmem:$0x1E400] =	vst v63  }
0xa9: {  	_ =	swait.ge [sflag:s14], $0x4000  }
0xaa: {  	s25 =	sadd.s32 $0x1, s25;
	[sflag:s14] =	ssyncset.done $0x0  }
0xab: {  	p0 =	sne.s32 s25, s12;
	[sflag:s14] =	ssyncadd.s32 $0xFFFFC000  }
.Ltmp2:
0xac: {  	[bflag:$0x0] =	sbarrier.arrive $0xFFFF;
	(pc) =	sbr.rel @p0 .LBB2_1-.Ltmp2, $4  }
0xad: {  	[hbm:s11], [sflag:s6] =	dma.local [spmem:s13], $0x2780  }
0xae: {  	_ =	swait.ge [sflag:s14], $0x2780  }
0xaf: {  	[sflag:s14] =	ssyncset.done $0x0  }
0xb0: {  	[sflag:s14] =	ssyncadd.s32 $0xFFFFD880  }
0xb1: {  	_ =	sfence.sel $0x180000  }
0xb2: {  	[bflag:$0x0] =	sbarrier.arrive $0xFFFF  }
0xb3: {  	p0 =	sne.s32 s3, $0x0;
	_ =	strace $0x9000004D  }
0xb4: {  	s0 =	sadd.s32 @!p0 $0x100000, s0;
	[bflag:$0x2] =	sbarrier.arrive $0xFFFF  }
0xb5: {  	[sflag:s0] =	ssyncadd.tile.s32 @!p0 $0x1;
	_ =	shalt  }
.Lfunc_end2:
_tile_overlayer_lowered:
.L_overlay_start_2:
0xb6: {  	(tag) =	ssettag $0x2  }
0xb7: {  	s0 =	rddreg [dreg:$0x0];
	s2 =	stileid.u32  }
0xb8: {  	s1 =	rddreg [dreg:$0x1];
	p0 =	sne.s32 s2, $0x0  }
0xb9: {  	s3 =	rddreg [dreg:$0x2];
	[bflag:$0x3] =	sbarrier.arrive $0xFFFF;
	s2 =	simm.s32 @!p0 $0x1C03  }
0xba: {  	[timem:s3], [sflag:s2] =	dma.local @!p0 [hbm:s0], s1  }
0xbb: {  	s0 =	simm.s32 @!p0 $0x3  }
0xbc: {  	_ =	swait.ge @!p0 [sflag:s0], s1  }
0xbd: {  	s1 =	ssub.s32 @!p0 $0x0, s1;
	[sflag:s0] =	ssyncset.done @!p0 $0x0  }
0xbe: {  	[sflag:s0] =	ssyncadd.s32 @!p0 s1  }
0xbf: {  	[bflag:$0x3] =	sbarrier.arrive $0xFFFF  }
0xc0: {  	_ =	shalt  }

// kernel: kernel.8.cloned.1.call-start
scs
__scs_entry_jumppad:
0x0: {  	(pc) =	sbr.rel $0x88, $3  }
0x1: {  	(tag) =	ssettag $0x0;
	lr =	simm.s32 $0x1  }
0x2: {  	[smem:$0x3F8C] =	sst lr;
	_ =	strace $0xD0000000  }
0x3: {  	_ = 	snop  }
0x4: {  	_ = 	snop  }
0x5: {  	_ = 	snop  }
0x6: {  	_ = 	snop  }
0x7: {  	_ = 	snop  }
__scs_overlays_trampoline_lowered:
0x8: {  	[smem:$0x3F9B] =	sst s0  }
0x9: {  	[smem:$0x3F9C] =	sst s1  }
0xa: {  	[smem:$0x3F9D] =	sst s2  }
0xb: {  	[smem:$0x3F9E] =	sst s3  }
0xc: {  	[smem:$0x3F9F] =	sst s4  }
0xd: {  	[smem:$0x3FA0] =	sst s5  }
0xe: {  	[smem:$0x3FA1] =	sst s6  }
0xf: {  	[smem:$0x3FA2] =	sst s7  }
0x10: {  	[smem:$0x3FA3] =	sst s8  }
0x11: {  	[smem:$0x3FA4] =	sst s9;
	s0 =	simm.s32 @!p0 $0x0  }
0x12: {  	s1 =	sld [smem:$0x3F8A];
	s0 =	simm.s32 @p0 $0x1  }
0x13: {  	[smem:$0x3FA5] =	sst s0;
	s0 =	simm.s32 @!p1 $0x0  }
0x14: {  	s2 =	sld [smem:$0x3F89];
	s0 =	simm.s32 @p1 $0x1  }
0x15: {  	[smem:$0x3FA6] =	sst s0;
	s0 =	simm.s32 @!p2 $0x0  }
0x16: {  	s3 =	sld [smem:$0x3FDB];
	s0 =	simm.s32 @p2 $0x1  }
0x17: {  	s4 =	simm.s32 $0x1BF5;
	[smem:$0x3FA8] =	sst s0  }
0x18: {  	s0 =	sld [smem:$0x3F8B];
	_ =	swait.ge [sflag:s4], $0x0  }
0x19: {  	s7 =	sld [smem:$0x3F8C]  }
0x1a: {  	s8 =	sadd.s32 $0xFFFFE003, lr  }
0x1b: {  	s9 =	sadd.s32 $0xFFFFFEF7, lr;
	s5 =	simm.s32 $0xFFFFFFFF;
	p2 =	slt.u32 s8, $0xFFFFF086  }
0x1c: {  	p1 =	slt.u32 s9, $0xF7A;
	s5 =	simm.s32 @!p2 $0x0  }
0x1d: {  	s5 =	simm.s32 @p1 $0x1;
	p0 =	seq.s32 s7, s2  }
0x1e: {  	s7 =	smul.u32 @!p0 $0xF7A, s2;
	p2 =	seq.s32 @!p0 s5, $0x0  }
0x1f: {  	s9 =	smul.u32 $0xF7A, s1;
	s8 =	simm.s32 @!p0 $0x1BF5;
	p2 =	por !p2, p0  }
0x20: {  	[sflag:s8] =	ssyncset.s32 @!p0 $0xFFFFF086;
	s6 =	sadd.s32 @!p0 s3, s7;
	s7 =	simm.s32 @!p0 $0x108  }
0x21: {  	s3 =	sadd.s32 s3, s9;
	s6 =	sadd.s32 @!p0 $0x88, s6;
	s7 =	simm.s32 @p2 $0x1082  }
0x22: {  	[simem:s7], [sflag:s8] =	dma.local @!p0 [hbm:s6], $0xF7A  }
0x23: {  	s9 =	sor.u32 $0xD0000000, s2;
	s6 =	simm.s32 $0x108;
	_ =	swait.ge @!p0 [sflag:s8], $0x0  }
0x24: {  	s3 =	sadd.s32 $0x88, s3;
	s6 =	simm.s32 @!p1 $0x1082;
	[sflag:s4] =	ssyncset.s32 $0xFFFFF086  }
0x25: {  	[simem:s6], [sflag:s4] =	dma.local [hbm:s3], $0xF7A  }
0x26: {  	[smem:$0x3F8C] =	sst s1;
	(tag) =	ssettag s2;
	_ =	strace s9  }
0x27: {  	s1 =	sld [smem:$0x3F9C]  }
0x28: {  	s2 =	sld [smem:$0x3F9D]  }
0x29: {  	s4 =	sld [smem:$0x3F9F]  }
0x2a: {  	p0 =	seq.s32 s5, $0x0;
	s5 =	sld [smem:$0x3FA0]  }
0x2b: {  	s6 =	sld [smem:$0x3FA1]  }
0x2c: {  	s7 =	sld [smem:$0x3FA2]  }
0x2d: {  	s3 =	simm.s32 $0x108;
	s8 =	sld [smem:$0x3FA3]  }
0x2e: {  	s3 =	simm.s32 @!p0 $0x1082;
	s9 =	sld [smem:$0x3FA4]  }
0x2f: {  	lr =	sadd.s32 s0, s3;
	s0 =	sld [smem:$0x3F9B]  }
0x30: {  	s3 =	sld [smem:$0x3F9E]  }
0x31: {  	[smem:$0x3FA7] =	sst s10  }
0x32: {  	s10 =	sld [smem:$0x3FA5];
	_ =	sdelay $0x3  }
0x33: {  	p0 =	seq.s32 s10, $0x1;
	s10 =	sld [smem:$0x3FA7];
	_ =	sdelay $0x3  }
0x34: {  	[smem:$0x3FA7] =	sst s10  }
0x35: {  	s10 =	sld [smem:$0x3FA6];
	_ =	sdelay $0x3  }
0x36: {  	p1 =	seq.s32 s10, $0x1;
	s10 =	sld [smem:$0x3FA7];
	_ =	sdelay $0x3  }
0x37: {  	[smem:$0x3FA7] =	sst s10  }
0x38: {  	s10 =	sld [smem:$0x3FA8]  }
0x39: {  	_ = 	snop;
	(pc) =	sbr.ind lr, $3  }
0x3a: {  	_ = 	snop  }
0x3b: {  	_ = 	snop  }
0x3c: {  	p2 =	seq.s32 s10, $0x1;
	s10 =	sld [smem:$0x3FA7]  }
0x3d: {  	_ =	shalt  }
0x3e: {  	_ =	shalt  }
0x3f: {  	_ =	shalt  }
0x40: {  	_ =	shalt  }
0x41: {  	_ =	shalt  }
0x42: {  	_ =	shalt  }
0x43: {  	_ =	shalt  }
0x44: {  	_ =	shalt  }
0x45: {  	_ =	shalt  }
0x46: {  	_ =	shalt  }
0x47: {  	_ =	shalt  }
0x48: {  	_ =	shalt  }
0x49: {  	_ =	shalt  }
0x4a: {  	_ =	shalt  }
0x4b: {  	_ =	shalt  }
0x4c: {  	_ =	shalt  }
0x4d: {  	_ =	shalt  }
0x4e: {  	_ =	shalt  }
0x4f: {  	_ =	shalt  }
0x50: {  	_ =	shalt  }
0x51: {  	_ =	shalt  }
0x52: {  	_ =	shalt  }
0x53: {  	_ =	shalt  }
0x54: {  	_ =	shalt  }
0x55: {  	_ =	shalt  }
0x56: {  	_ =	shalt  }
0x57: {  	_ =	shalt  }
0x58: {  	_ =	shalt  }
0x59: {  	_ =	shalt  }
0x5a: {  	_ =	shalt  }
0x5b: {  	_ =	shalt  }
0x5c: {  	_ =	shalt  }
0x5d: {  	_ =	shalt  }
0x5e: {  	_ =	shalt  }
0x5f: {  	_ =	shalt  }
0x60: {  	_ =	shalt  }
0x61: {  	_ =	shalt  }
0x62: {  	_ =	shalt  }
0x63: {  	_ =	shalt  }
0x64: {  	_ =	shalt  }
0x65: {  	_ =	shalt  }
0x66: {  	_ =	shalt  }
0x67: {  	_ =	shalt  }
0x68: {  	_ =	shalt  }
0x69: {  	_ =	shalt  }
0x6a: {  	_ =	shalt  }
0x6b: {  	_ =	shalt  }
0x6c: {  	_ =	shalt  }
0x6d: {  	_ =	shalt  }
0x6e: {  	_ =	shalt  }
0x6f: {  	_ =	shalt  }
0x70: {  	_ =	shalt  }
0x71: {  	_ =	shalt  }
0x72: {  	_ =	shalt  }
0x73: {  	_ =	shalt  }
0x74: {  	_ =	shalt  }
0x75: {  	_ =	shalt  }
0x76: {  	_ =	shalt  }
0x77: {  	_ =	shalt  }
0x78: {  	_ =	shalt  }
0x79: {  	_ =	shalt  }
0x7a: {  	_ =	shalt  }
0x7b: {  	_ =	shalt  }
0x7c: {  	_ =	shalt  }
0x7d: {  	_ =	shalt  }
0x7e: {  	_ =	shalt  }
0x7f: {  	_ =	shalt  }
0x80: {  	_ =	shalt  }
0x81: {  	_ =	shalt  }
0x82: {  	_ =	shalt  }
0x83: {  	_ =	shalt  }
0x84: {  	_ =	shalt  }
0x85: {  	_ =	shalt  }
0x86: {  	_ =	shalt  }
0x87: {  	_ =	shalt  }
.Lfunc_end0:
.L_simem_size_0:
called_computation_lowered:
.L_overlay_start_0:
0x88: {  	s2 =	sld [smem:$0x3FD9]  }
0x89: {  	s3 =	sld [smem:$0x3FFE];
	_ =	sdelay $0x1  }
0x8a: {  	s1 =	srdreg.scid  }
0x8b: {  	s0 =	sand.u32 $0x1, s1  }
0x8c: {  	s17 =	sshll.u32 s0, $0xA;
	s2 =	sadd.s32 s3, s2  }
0x8d: {  	s2 =	sadd.s32 s2, s17  }
0x8e: {  	[smem:$0x3FB3] =	sst s2  }
0x8f: {  	_ = 	snop  }
0x90: {  	s2 =	sld [smem:$0x3FC9]  }
0x91: {  	s18 =	sld [smem:$0x3FD0];
	(tm) =	ssettm $0x1  }
0x92: {  	s4 =	sld [smem:$0x3FFB];
	_ =	sdelay $0x3  }
0x93: {  	_ =	strace s4  }
0x94: {  	s4 =	sld [smem:$0x3FFC];
	_ =	sdelay $0x3  }
0x95: {  	_ =	strace s4  }
0x96: {  	s4 =	sld [smem:$0x3FFD];
	_ =	sdelay $0x3  }
0x97: {  	_ =	strace s4  }
0x98: {  	_ =	strace $0x8FFFFFFF  }
0x99: {  	s19 =	sld [smem:$0x3FDB];
	_ =	sdelay $0x1  }
0x9a: {  	s5 =	simm.s32 $_scs_section_size  }
0x9b: {  	s6 =	simm.s32 $_size__tile_overlayer_lowered;
	s7 =	simm.s32 $_tile_overlayer_lowered  }
0x9c: {  	s22 =	simm.s32 $0x1BFF;
	s21 =	sshll.u32 s7, $0x1;
	s4 =	sadd.s32 s5, s19  }
0x9d: {  	s8 =	simm.s32 $0x0;
	s20 =	sshll.u32 s6, $0x1;
	s6 =	sadd.s32 s21, s4  }
0x9e: {  	[timem:s8], [sflag:s22] =	dma.local [hbm:s6], s20  }
0x9f: {  	_ =	swait.ge [sflag:s22], s20  }
0xa0: {  	s5 =	ssub.s32 $0x0, s20;
	[sflag:s22] =	ssyncset.done $0x0  }
0xa1: {  	[sflag:s22] =	ssyncadd.s32 s5;
	_ =	sdelay $0x1  }
0xa2: {  	s23 =	simm.s32 $0x1B8B  }
0xa3: {  	_ =	swait.ge [sflag:s23], $0x1  }
0xa4: {  	[sflag:s23] =	ssyncset.done $0x0  }
0xa5: {  	s25 =	simm.s32 $0x1B8E;
	s24 =	sld [smem:$0x3FFE];
	[sflag:s23] =	ssyncadd.s32 $0xFFFFFFFF  }
0xa6: {  	s26 =	simm.s32 $execute0_lowered;
	[smem:$0x3FD2] =	sst s25  }
0xa7: {  	s6 =	sshll.u32 s26, $0x1;
	_ =	strace $0x80000046;
	[dreg:$0x1] =	wrdreg $0xFFFFFFFF  }
0xa8: {  	s28 =	simm.s32 $_size_execute0_lowered;
	s4 =	sadd.s32 s4, s6;
	[dreg:$0x0] =	wrdreg $0x0  }
0xa9: {  	s6 =	sshll.u32 s28, $0x1;
	[dreg:$0x2] =	wrdreg s4  }
0xaa: {  	[dreg:$0x3] =	wrdreg s6  }
0xab: {  	[dreg:$0x4] =	wrdreg $0xC0  }
0xac: {  	_ =	task [dreg:s8], $0x5FFFF  }
0xad: {  	[dreg:$0x1] =	wrdreg $0xFFFFFFFF  }
0xae: {  	[dreg:$0x0] =	wrdreg $0x60  }
0xaf: {  	[dreg:$0x2] =	wrdreg s24  }
0xb0: {  	[dreg:$0x3] =	wrdreg s2  }
0xb1: {  	[dreg:$0x4] =	wrdreg s18  }
0xb2: {  	[dreg:$0x5] =	wrdreg $0x0  }
0xb3: {  	[dreg:$0x6] =	wrdreg $0x13C000  }
0xb4: {  	[dreg:$0x7] =	wrdreg $0x9  }
0xb5: {  	_ =	task.clear_ibuf [dreg:s8], $0x8FFFF;
	_ =	strace $0x90000046  }
0xb6: {  	s29 =	simm.s32 $0x9;
	_ =	strace $0x80000048  }
0xb7: {  	_ =	swait.ge [sflag:s29], $0x1  }
0xb8: {  	[sflag:s29] =	ssyncadd.s32 $0xFFFFFFFF  }
0xb9: {  	_ =	strace $0x90000048  }
0xba: {  	_ =	sfence  }
0xbb: {  	s30 =	sld [smem:$0x0];
	_ =	sdelay $0x2  }
0xbc: {  	s31 =	sshll.u32 s1, $0xD;
	s1 =	sshrl.u32 s1, $0x2  }
0xbd: {  	s3 =	sand.u32 $0x4000, s31;
	s1 =	sadd.s32 s1, s30  }
0xbe: {  	s0 =	sor.u32 s3, s0;
	s1 =	sshll.u32 s1, $0x11  }
0xbf: {  	s0 =	sor.u32 s1, s0  }
0xc0: {  	s0 =	sadd.s32 $0x8F2B, s0  }
0xc1: {  	[sflag:s0] =	ssyncadd.remote.s32 $0x1  }
0xc2: {  	_ =	sfence.sel $0xFFFF  }
0xc3: {  	[dreg:$0x0] =	wrdreg $0xFFFFFFFF;
	(pc) =	sbr.abs _section_cstart, $3  }
0xc4: {  	[dreg:$0x1] =	wrdreg $0xFFFFFFFF  }
0xc5: {  	_ =	task.clear_ibuf [dreg:s8], $0x2FFFF;
	_ =	strace $0x9FFFFFFF  }
0xc6: {  	(tm) =	ssettm $0x7FFFFFFF  }
0xc7: {  	_ =	shalt  }
tec
execute0_lowered:
.L_overlay_start_1:
0x0: {  	(tag) =	ssettag $0x1  }
0x1: {  	s1 =	rddreg [dreg:$0x0]  }
0x2: {  	s0 =	rddreg [dreg:$0x1]  }
0x3: {  	s2 =	rddreg [dreg:$0x3];
	s3 =	srdreg.scid  }
0x4: {  	s25 =	stileid.u32;
	s4 =	rddreg [dreg:$0x4];
	s5 =	simm.s32 $0x0  }
0x5: {  	s16 =	simm.s32 $0x4;
	s28 =	simm.s32 $0x16578;
	s29 =	simm.s32 $0x165F8  }
0x6: {  	s30 =	simm.s32 $0x151F8;
	s31 =	simm.s32 $0x0;
	s3 =	sand.u32 $0x1, s3  }
0x7: {  	s6 =	smul.u32 $0x278, s25;
	[smem:$0x7FF] =	sst s5;
	s10 =	sadd.s32 $0x4400, s1  }
0x8: {  	s11 =	sadd.s32 $0xE400, s1;
	s18 =	sadd.s32 $0x18400, s1;
	s9 =	smul.u32 $0x4F000, s25  }
0x9: {  	s21 =	sshll.u32 s25, $0x6;
	p0 =	sne.s32 s25, $0x0;
	p1 =	sne.s32 s25, $0x1  }
0xa: {  	s7 =	smul.u32 $0x2780, s3;
	_ =	strace $0x80000047;
	[dreg:$0x6] =	wrdreg s18  }
0xb: {  	s19 =	sshll.u32 s3, $0x4;
	s3 =	ssub.s32 $0x2, s3;
	s17 =	sshrl.u32 @!p0 s4, $0x3  }
0xc: {  	s18 =	simm.s32 $0x13E78;
	s13 =	sshrl.u32 s3, $0x1;
	s20 =	sshrl.u32 s9, $0x2  }
0xd: {  	s6 =	sadd.s32 s6, s7;
	s7 =	sshrl.u32 s7, $0x3;
	s3 =	ssub.s32 s3, s13  }
0xe: {  	s15 =	sadd.s32 s20, s2;
	s20 =	simm.s32 $0x80;
	s8 =	sshll.u32 s6, $0x4  }
0xf: {  	s14 =	smax.u32 s3, $0x1;
	s12 =	sadd.s32 s8, s1;
	s8 =	sor.u32 s25, s19  }
0x10: {  	s15 =	sshrl.u32 s15, $0x3;
	s1 =	sadd.s32 s7, s1;
	s8 =	smul.u32 $0x2800, s8  }
0x11: {  	s7 =	sor.u32 $0x1C04, s21;
	s19 =	simm.s32 $0x15278;
	s21 =	simm.s32 $0x16678  }
0x12: {  	s25 =	simm.s32 $0x2;
	s12 =	sadd.s32 $0x1B600, s12;
	s22 =	sshrl.u32 s8, $0x3  }
0x13: {  	s13 =	sadd.s32 $0x1AC00, s1;
	s23 =	sadd.s32 s10, s22;
	s24 =	sadd.s32 $0x280, s22  }
0x14: {  	s26 =	sadd.s32 s11, s22;
	s22 =	simm.s32 $0x1E678;
	[dreg:$0x7] =	wrdreg s23  }
0x15: {  	[dreg:$0x8] =	wrdreg s26;
	s10 =	sadd.s32 s10, s24;
	s11 =	sadd.s32 s11, s24  }
0x16: {  	v0 =	vimm.f32 $1.000000000e+00;
	s23 =	simm.s32 $0x1A678;
	s24 =	simm.s32 $0x1;
	s26 =	simm.s32 $0x3  }
.LBB2_1:
0x17: {  	s1 =	rddreg [dreg:$0x6]  }
0x18: {  	[spmem:s15], [sflag:s7] =	dma.local [hbm:s1], $0x2780  }
0x19: {  	_ =	swait.ge [sflag:s16], $0x2780  }
0x1a: {  	[sflag:s16] =	ssyncset.done $0x0  }
0x1b: {  	[sflag:s16] =	ssyncadd.s32 $0xFFFFD880  }
0x1c: {  	s1 =	rddreg [dreg:$0x2]  }
0x1d: {  	[spmem:s17], [sflag:s7] =	dma.local @!p0 [hbm:s1], $0x4F0  }
0x1e: {  	s1 =	simm.s32 @!p0 $0x4  }
0x1f: {  	_ =	swait.ge @!p0 [sflag:s1], $0x4F0  }
0x20: {  	[sflag:s1] =	ssyncset.done @!p0 $0x0  }
0x21: {  	[sflag:s1] =	ssyncadd.s32 @!p0 $0xFFFFFB10  }
0x22: {  	[tilespmem:$0x1E678] =	vst v0  }
0x23: {  	[tilespmem:$0x1E688] =	vst v0  }
0x24: {  	[tilespmem:$0x1E698] =	vst v0  }
0x25: {  	[tilespmem:$0x1E6A8] =	vst v0  }
0x26: {  	[tilespmem:$0x1E6B8] =	vst v0  }
0x27: {  	[tilespmem:$0x1E6C8] =	vst v0  }
0x28: {  	[tilespmem:$0x1E6D8] =	vst v0  }
0x29: {  	[tilespmem:$0x1E6E8] =	vst v0  }
0x2a: {  	[bflag:$0x0] =	sbarrier.arrive $0xFFFF  }
0x2b: {  	s9 =	simm.s32 $0x0;
	s3 =	rddreg [dreg:$0x7]  }
0x2c: {  	[tilespmem:s18], [sflag:$0x4] =	stream.linear.gather [hbm4b:s3+s9], $0x1400, $0x38;
	[tilespmem:$0x1E6F8] =	vst v63  }
0x2d: {  	_ =	swait.ge [sflag:s16], $0x1400  }
0x2e: {  	[sflag:s16] =	ssyncset.done $0x0  }
0x2f: {  	s5 =	rddreg [dreg:$0x8];
	[sflag:s16] =	ssyncadd.s32 $0xFFFFEC00  }
0x30: {  	[tilespmem:s19], [sflag:$0x4] =	stream.linear.gather [hbm4b:s5+s9], $0x1400, $0x38;
	[tilespmem:$0x1E6F8] =	vst v63  }
0x31: {  	_ =	swait.ge [sflag:s16], $0x1400  }
0x32: {  	[sflag:s16] =	ssyncset.done $0x0  }
0x33: {  	[sflag:s16] =	ssyncadd.s32 $0xFFFFEC00  }
0x34: {  	[tilespmem:s21], [sflag:$0x1] =	stream.indirect.gather [hbm4b:s0+s20], $0x80, s18, s20, $0xb8;
	[tilespmem:$0x1E6F8] =	vst v63  }
0x35: {  	s6 =	simm.s32 $0x15278  }
0x36: {  	[spmem:s4] =	stream.indirect.scatter.add.f32 [tilespmem:s22], [sflag:$0x3], $0x1, s6, s20, $0xb8;
	[tilespmem:$0x1E6F8] =	vst v63  }
0x37: {  	s8 =	simm.s32 $0x152F8  }
0x38: {  	[spmem:s4] =	stream.indirect.scatter.add.f32 [tilespmem:s22], [sflag:$0x3], $0x1, s8, s20, $0xb8;
	[tilespmem:$0x1E6F8] =	vst v63  }
0x39: {  	s5 =	simm.s32 $0x13EF8  }
0x3a: {  	[tilespmem:s23], [sflag:$0x2] =	stream.indirect.gather [hbm4b:s0+s20], $0x80, s5, s20, $0xb8;
	[tilespmem:$0x1E6F8] =	vst v63  }
0x3b: {  	_ =	swait.ge [sflag:s24], $0x4000  }
0x3c: {  	[sflag:s24] =	ssyncset.done $0x0  }
0x3d: {  	[sflag:s24] =	ssyncadd.s32 $0xFFFFC000  }
0x3e: {  	[spmem:s2] =	stream.indirect.scatter.add.f32 [tilespmem:s21], [sflag:$0x4], $0x80, s6, s20, $0xb8;
	[tilespmem:$0x1E6F8] =	vst v63  }
0x3f: {  	_ =	swait.ge [sflag:s16], $0x4000  }
0x40: {  	[sflag:s16] =	ssyncset.done $0x0  }
0x41: {  	s9 =	simm.s32 $0x13F78;
	[sflag:s16] =	ssyncadd.s32 $0xFFFFC000  }
0x42: {  	[tilespmem:s21], [sflag:$0x1] =	stream.indirect.gather [hbm4b:s0+s20], $0x80, s9, s20, $0xb8;
	[tilespmem:$0x1E6F8] =	vst v63  }
0x43: {  	_ =	swait.ge [sflag:s25], $0x4000  }
0x44: {  	[sflag:s25] =	ssyncset.done $0x0  }
0x45: {  	[sflag:s25] =	ssyncadd.s32 $0xFFFFC000  }
0x46: {  	[spmem:s2] =	stream.indirect.scatter.add.f32 [tilespmem:s23], [sflag:$0x4], $0x80, s8, s20, $0xb8;
	[tilespmem:$0x1E6F8] =	vst v63  }
0x47: {  	_ =	swait.ge [sflag:s16], $0x4000  }
0x48: {  	[sflag:s16] =	ssyncset.done $0x0  }
0x49: {  	[sflag:s16] =	ssyncadd.s32 $0xFFFFC000  }
0x4a: {  	_ =	swait.ge [sflag:s26], $0x80  }
0x4b: {  	[sflag:s26] =	ssyncset.done $0x0  }
0x4c: {  	[sflag:s26] =	ssyncadd.s32 $0xFFFFFF80  }
0x4d: {  	_ =	swait.ge [sflag:s26], $0x80  }
0x4e: {  	s1 =	simm.s32 $0x800;
	s3 =	simm.s32 $0x100;
	[sflag:s26] =	ssyncset.done $0x0  }
.LBB2_2:
0x4f: {  	s5 =	sadd.s32 $0x15278, s3  }
0x50: {  	[sflag:s26] =	ssyncadd.s32 $0xFFFFFF80;
	s6 =	smov.u32 s1;
	s8 =	sadd.s32 $0x400, s1  }
0x51: {  	[spmem:s4] =	stream.indirect.scatter.add.f32 [tilespmem:s22], [sflag:$0x3], $0x1, s5, s20, $0xb8;
	[tilespmem:$0x1E6F8] =	vst v63  }
0x52: {  	p2 =	sne.s32 s1, $0x4800;
	s1 =	sadd.s32 $0x152F8, s3  }
0x53: {  	[spmem:s4] =	stream.indirect.scatter.add.f32 [tilespmem:s22], [sflag:$0x3], $0x1, s1, s20, $0xb8;
	[tilespmem:$0x1E6F8] =	vst v63  }
0x54: {  	s9 =	sadd.s32 $0x13EF8, s3  }
0x55: {  	[tilespmem:s23], [sflag:$0x2] =	stream.indirect.gather [hbm4b:s0+s20], $0x80, s9, s20, $0xb8;
	[tilespmem:$0x1E6F8] =	vst v63  }
0x56: {  	_ =	swait.ge [sflag:s24], $0x4000  }
0x57: {  	[sflag:s24] =	ssyncset.done $0x0  }
0x58: {  	[sflag:s24] =	ssyncadd.s32 $0xFFFFC000  }
0x59: {  	[spmem:s2] =	stream.indirect.scatter.add.f32 [tilespmem:s21], [sflag:$0x4], $0x80, s5, s20, $0xb8;
	[tilespmem:$0x1E6F8] =	vst v63  }
0x5a: {  	_ =	swait.ge [sflag:s16], $0x4000  }
0x5b: {  	[sflag:s16] =	ssyncset.done $0x0  }
0x5c: {  	s3 =	sadd.s32 $0x13F78, s3;
	[sflag:s16] =	ssyncadd.s32 $0xFFFFC000  }
0x5d: {  	[tilespmem:s21], [sflag:$0x1] =	stream.indirect.gather [hbm4b:s0+s20], $0x80, s3, s20, $0xb8;
	[tilespmem:$0x1E6F8] =	vst v63  }
0x5e: {  	_ =	swait.ge [sflag:s25], $0x4000  }
0x5f: {  	[sflag:s25] =	ssyncset.done $0x0  }
0x60: {  	[sflag:s25] =	ssyncadd.s32 $0xFFFFC000  }
0x61: {  	[spmem:s2] =	stream.indirect.scatter.add.f32 [tilespmem:s23], [sflag:$0x4], $0x80, s1, s20, $0xb8;
	[tilespmem:$0x1E6F8] =	vst v63  }
0x62: {  	_ =	swait.ge [sflag:s16], $0x4000  }
0x63: {  	[sflag:s16] =	ssyncset.done $0x0  }
0x64: {  	[sflag:s16] =	ssyncadd.s32 $0xFFFFC000  }
.Ltmp0:
0x65: {  	_ =	swait.ge [sflag:s26], $0x80;
	(pc) =	sbr.rel @p2 .LBB2_2-.Ltmp0, $4  }
0x66: {  	[sflag:s26] =	ssyncset.done $0x0  }
0x67: {  	[sflag:s26] =	ssyncadd.s32 $0xFFFFFF80  }
0x68: {  	_ =	swait.ge [sflag:s26], $0x80  }
0x69: {  	s3 =	sshra.s32 s6, $0x2;
	s1 =	smov.u32 s8;
	[sflag:s26] =	ssyncset.done $0x0  }
0x6a: {  	s1 =	sadd.s32 $0x15278, s3;
	[sflag:s26] =	ssyncadd.s32 $0xFFFFFF80  }
0x6b: {  	[spmem:s4] =	stream.indirect.scatter.add.f32 [tilespmem:s22], [sflag:$0x3], $0x1, s1, s20, $0xb8;
	[tilespmem:$0x1E6F8] =	vst v63  }
0x6c: {  	s5 =	sadd.s32 $0x152F8, s3  }
0x6d: {  	[spmem:s4] =	stream.indirect.scatter.add.f32 [tilespmem:s22], [sflag:$0x3], $0x1, s5, s20, $0xb8;
	[tilespmem:$0x1E6F8] =	vst v63  }
0x6e: {  	s6 =	sadd.s32 $0x13EF8, s3  }
0x6f: {  	[tilespmem:s23], [sflag:$0x2] =	stream.indirect.gather [hbm4b:s0+s20], $0x80, s6, s20, $0xb8;
	[tilespmem:$0x1E6F8] =	vst v63  }
0x70: {  	_ =	swait.ge [sflag:s24], $0x4000  }
0x71: {  	[sflag:s24] =	ssyncset.done $0x0  }
0x72: {  	[sflag:s24] =	ssyncadd.s32 $0xFFFFC000  }
0x73: {  	[spmem:s2] =	stream.indirect.scatter.add.f32 [tilespmem:s21], [sflag:$0x4], $0x80, s1, s20, $0xb8;
	[tilespmem:$0x1E6F8] =	vst v63  }
0x74: {  	_ =	swait.ge [sflag:s16], $0x4000  }
0x75: {  	[sflag:s16] =	ssyncset.done $0x0  }
0x76: {  	s8 =	sadd.s32 $0x13F78, s3;
	[sflag:s16] =	ssyncadd.s32 $0xFFFFC000  }
0x77: {  	[tilespmem:s21], [sflag:$0x1] =	stream.indirect.gather [hbm4b:s0+s20], $0x80, s8, s20, $0xb8;
	[tilespmem:$0x1E6F8] =	vst v63  }
0x78: {  	_ =	swait.ge [sflag:s25], $0x4000  }
0x79: {  	[sflag:s25] =	ssyncset.done $0x0  }
0x7a: {  	[sflag:s25] =	ssyncadd.s32 $0xFFFFC000  }
0x7b: {  	[spmem:s2] =	stream.indirect.scatter.add.f32 [tilespmem:s23], [sflag:$0x4], $0x80, s5, s20, $0xb8;
	[tilespmem:$0x1E6F8] =	vst v63  }
0x7c: {  	_ =	swait.ge [sflag:s16], $0x4000  }
0x7d: {  	[sflag:s16] =	ssyncset.done $0x0  }
0x7e: {  	[sflag:s16] =	ssyncadd.s32 $0xFFFFC000  }
0x7f: {  	_ =	swait.ge [sflag:s26], $0x80  }
0x80: {  	[sflag:s26] =	ssyncset.done $0x0  }
0x81: {  	[sflag:s26] =	ssyncadd.s32 $0xFFFFFF80  }
0x82: {  	_ =	swait.ge [sflag:s26], $0x80  }
0x83: {  	[sflag:s26] =	ssyncset.done $0x0  }
0x84: {  	[sflag:s26] =	ssyncadd.s32 $0xFFFFFF80  }
0x85: {  	[spmem:s4] =	stream.indirect.scatter.add.f32 [tilespmem:s22], [sflag:$0x3], $0x1, s28, s20, $0xb8;
	[tilespmem:$0x1E6F8] =	vst v63  }
0x86: {  	_ = 	snop  }
0x87: {  	[spmem:s4] =	stream.indirect.scatter.add.f32 [tilespmem:s22], [sflag:$0x3], $0x1, s29, s20, $0xb8;
	[tilespmem:$0x1E6F8] =	vst v63  }
0x88: {  	_ = 	snop  }
0x89: {  	[tilespmem:s23], [sflag:$0x2] =	stream.indirect.gather [hbm4b:s0+s20], $0x80, s30, s20, $0xb8;
	[tilespmem:$0x1E6F8] =	vst v63  }
0x8a: {  	_ =	swait.ge [sflag:s24], $0x4000  }
0x8b: {  	[sflag:s24] =	ssyncset.done $0x0  }
0x8c: {  	[sflag:s24] =	ssyncadd.s32 $0xFFFFC000  }
0x8d: {  	[spmem:s2] =	stream.indirect.scatter.add.f32 [tilespmem:s21], [sflag:$0x4], $0x80, s28, s20, $0xb8;
	[tilespmem:$0x1E6F8] =	vst v63  }
0x8e: {  	_ =	swait.ge [sflag:s16], $0x4000  }
0x8f: {  	[sflag:s16] =	ssyncset.done $0x0  }
0x90: {  	[sflag:s16] =	ssyncadd.s32 $0xFFFFC000  }
0x91: {  	_ =	swait.ge [sflag:s25], $0x4000  }
0x92: {  	[sflag:s25] =	ssyncset.done $0x0  }
0x93: {  	[sflag:s25] =	ssyncadd.s32 $0xFFFFC000  }
0x94: {  	[spmem:s2] =	stream.indirect.scatter.add.f32 [tilespmem:s23], [sflag:$0x4], $0x80, s29, s20, $0xb8;
	[tilespmem:$0x1E6F8] =	vst v63  }
0x95: {  	_ =	swait.ge [sflag:s16], $0x4000  }
0x96: {  	[sflag:s16] =	ssyncset.done $0x0  }
0x97: {  	[sflag:s16] =	ssyncadd.s32 $0xFFFFC000  }
0x98: {  	_ =	swait.ge [sflag:s26], $0x80  }
0x99: {  	[sflag:s26] =	ssyncset.done $0x0  }
0x9a: {  	[sflag:s26] =	ssyncadd.s32 $0xFFFFFF80  }
0x9b: {  	_ =	swait.ge [sflag:s26], $0x80  }
0x9c: {  	[sflag:s26] =	ssyncset.done $0x0  }
0x9d: {  	s9 =	simm.s32 $0x0;
	[sflag:s26] =	ssyncadd.s32 $0xFFFFFF80  }
0x9e: {  	[tilespmem:s18], [sflag:$0x4] =	stream.linear.gather [hbm4b:s10+s9], $0x1400, $0x38;
	[tilespmem:$0x1E6F8] =	vst v63  }
0x9f: {  	_ =	swait.ge [sflag:s16], $0x1400  }
0xa0: {  	[sflag:s16] =	ssyncset.done $0x0  }
0xa1: {  	[sflag:s16] =	ssyncadd.s32 $0xFFFFEC00  }
0xa2: {  	[tilespmem:s19], [sflag:$0x4] =	stream.linear.gather [hbm4b:s11+s9], $0x1400, $0x38;
	[tilespmem:$0x1E6F8] =	vst v63  }
0xa3: {  	_ =	swait.ge [sflag:s16], $0x1400  }
0xa4: {  	[sflag:s16] =	ssyncset.done $0x0  }
0xa5: {  	[sflag:s16] =	ssyncadd.s32 $0xFFFFEC00  }
0xa6: {  	[tilespmem:s21], [sflag:$0x1] =	stream.indirect.gather [hbm4b:s0+s20], $0x80, s18, s20, $0xb8;
	[tilespmem:$0x1E6F8] =	vst v63  }
0xa7: {  	s3 =	simm.s32 $0x15278  }
0xa8: {  	[spmem:s4] =	stream.indirect.scatter.add.f32 [tilespmem:s22], [sflag:$0x3], $0x1, s3, s20, $0xb8;
	[tilespmem:$0x1E6F8] =	vst v63  }
0xa9: {  	s6 =	simm.s32 $0x152F8  }
0xaa: {  	[spmem:s4] =	stream.indirect.scatter.add.f32 [tilespmem:s22], [sflag:$0x3], $0x1, s6, s20, $0xb8;
	[tilespmem:$0x1E6F8] =	vst v63  }
0xab: {  	s8 =	simm.s32 $0x13EF8  }
0xac: {  	[tilespmem:s23], [sflag:$0x2] =	stream.indirect.gather [hbm4b:s0+s20], $0x80, s8, s20, $0xb8;
	[tilespmem:$0x1E6F8] =	vst v63  }
0xad: {  	_ =	swait.ge [sflag:s24], $0x4000  }
0xae: {  	[sflag:s24] =	ssyncset.done $0x0  }
0xaf: {  	[sflag:s24] =	ssyncadd.s32 $0xFFFFC000  }
0xb0: {  	[spmem:s2] =	stream.indirect.scatter.add.f32 [tilespmem:s21], [sflag:$0x4], $0x80, s3, s20, $0xb8;
	[tilespmem:$0x1E6F8] =	vst v63  }
0xb1: {  	_ =	swait.ge [sflag:s16], $0x4000  }
0xb2: {  	[sflag:s16] =	ssyncset.done $0x0  }
0xb3: {  	s9 =	simm.s32 $0x13F78;
	[sflag:s16] =	ssyncadd.s32 $0xFFFFC000  }
0xb4: {  	[tilespmem:s21], [sflag:$0x1] =	stream.indirect.gather [hbm4b:s0+s20], $0x80, s9, s20, $0xb8;
	[tilespmem:$0x1E6F8] =	vst v63  }
0xb5: {  	_ =	swait.ge [sflag:s25], $0x4000  }
0xb6: {  	[sflag:s25] =	ssyncset.done $0x0  }
0xb7: {  	[sflag:s25] =	ssyncadd.s32 $0xFFFFC000  }
0xb8: {  	[spmem:s2] =	stream.indirect.scatter.add.f32 [tilespmem:s23], [sflag:$0x4], $0x80, s6, s20, $0xb8;
	[tilespmem:$0x1E6F8] =	vst v63  }
0xb9: {  	_ =	swait.ge [sflag:s16], $0x4000  }
0xba: {  	[sflag:s16] =	ssyncset.done $0x0  }
0xbb: {  	[sflag:s16] =	ssyncadd.s32 $0xFFFFC000  }
0xbc: {  	_ =	swait.ge [sflag:s26], $0x80  }
0xbd: {  	[sflag:s26] =	ssyncset.done $0x0  }
0xbe: {  	[sflag:s26] =	ssyncadd.s32 $0xFFFFFF80  }
0xbf: {  	_ =	swait.ge [sflag:s26], $0x80  }
0xc0: {  	s1 =	simm.s32 $0x800;
	s3 =	simm.s32 $0x100;
	[sflag:s26] =	ssyncset.done $0x0  }
.LBB2_4:
0xc1: {  	s5 =	sadd.s32 $0x15278, s3  }
0xc2: {  	[sflag:s26] =	ssyncadd.s32 $0xFFFFFF80;
	s6 =	smov.u32 s1;
	s8 =	sadd.s32 $0x400, s1  }
0xc3: {  	[spmem:s4] =	stream.indirect.scatter.add.f32 [tilespmem:s22], [sflag:$0x3], $0x1, s5, s20, $0xb8;
	[tilespmem:$0x1E6F8] =	vst v63  }
0xc4: {  	p2 =	sne.s32 s1, $0x4800;
	s1 =	sadd.s32 $0x152F8, s3  }
0xc5: {  	[spmem:s4] =	stream.indirect.scatter.add.f32 [tilespmem:s22], [sflag:$0x3], $0x1, s1, s20, $0xb8;
	[tilespmem:$0x1E6F8] =	vst v63  }
0xc6: {  	s9 =	sadd.s32 $0x13EF8, s3  }
0xc7: {  	[tilespmem:s23], [sflag:$0x2] =	stream.indirect.gather [hbm4b:s0+s20], $0x80, s9, s20, $0xb8;
	[tilespmem:$0x1E6F8] =	vst v63  }
0xc8: {  	_ =	swait.ge [sflag:s24], $0x4000  }
0xc9: {  	[sflag:s24] =	ssyncset.done $0x0  }
0xca: {  	[sflag:s24] =	ssyncadd.s32 $0xFFFFC000  }
0xcb: {  	[spmem:s2] =	stream.indirect.scatter.add.f32 [tilespmem:s21], [sflag:$0x4], $0x80, s5, s20, $0xb8;
	[tilespmem:$0x1E6F8] =	vst v63  }
0xcc: {  	_ =	swait.ge [sflag:s16], $0x4000  }
0xcd: {  	[sflag:s16] =	ssyncset.done $0x0  }
0xce: {  	s3 =	sadd.s32 $0x13F78, s3;
	[sflag:s16] =	ssyncadd.s32 $0xFFFFC000  }
0xcf: {  	[tilespmem:s21], [sflag:$0x1] =	stream.indirect.gather [hbm4b:s0+s20], $0x80, s3, s20, $0xb8;
	[tilespmem:$0x1E6F8] =	vst v63  }
0xd0: {  	_ =	swait.ge [sflag:s25], $0x4000  }
0xd1: {  	[sflag:s25] =	ssyncset.done $0x0  }
0xd2: {  	[sflag:s25] =	ssyncadd.s32 $0xFFFFC000  }
0xd3: {  	[spmem:s2] =	stream.indirect.scatter.add.f32 [tilespmem:s23], [sflag:$0x4], $0x80, s1, s20, $0xb8;
	[tilespmem:$0x1E6F8] =	vst v63  }
0xd4: {  	_ =	swait.ge [sflag:s16], $0x4000  }
0xd5: {  	[sflag:s16] =	ssyncset.done $0x0  }
0xd6: {  	[sflag:s16] =	ssyncadd.s32 $0xFFFFC000  }
.Ltmp1:
0xd7: {  	_ =	swait.ge [sflag:s26], $0x80;
	(pc) =	sbr.rel @p2 .LBB2_4-.Ltmp1, $4  }
0xd8: {  	[sflag:s26] =	ssyncset.done $0x0  }
0xd9: {  	[sflag:s26] =	ssyncadd.s32 $0xFFFFFF80  }
0xda: {  	_ =	swait.ge [sflag:s26], $0x80  }
0xdb: {  	s3 =	sshra.s32 s6, $0x2;
	s1 =	smov.u32 s8;
	[sflag:s26] =	ssyncset.done $0x0  }
0xdc: {  	s1 =	sadd.s32 $0x15278, s3;
	[sflag:s26] =	ssyncadd.s32 $0xFFFFFF80  }
0xdd: {  	[spmem:s4] =	stream.indirect.scatter.add.f32 [tilespmem:s22], [sflag:$0x3], $0x1, s1, s20, $0xb8;
	[tilespmem:$0x1E6F8] =	vst v63  }
0xde: {  	s5 =	sadd.s32 $0x152F8, s3  }
0xdf: {  	[spmem:s4] =	stream.indirect.scatter.add.f32 [tilespmem:s22], [sflag:$0x3], $0x1, s5, s20, $0xb8;
	[tilespmem:$0x1E6F8] =	vst v63  }
0xe0: {  	s6 =	sadd.s32 $0x13EF8, s3  }
0xe1: {  	[tilespmem:s23], [sflag:$0x2] =	stream.indirect.gather [hbm4b:s0+s20], $0x80, s6, s20, $0xb8;
	[tilespmem:$0x1E6F8] =	vst v63  }
0xe2: {  	_ =	swait.ge [sflag:s24], $0x4000  }
0xe3: {  	[sflag:s24] =	ssyncset.done $0x0  }
0xe4: {  	[sflag:s24] =	ssyncadd.s32 $0xFFFFC000  }
0xe5: {  	[spmem:s2] =	stream.indirect.scatter.add.f32 [tilespmem:s21], [sflag:$0x4], $0x80, s1, s20, $0xb8;
	[tilespmem:$0x1E6F8] =	vst v63  }
0xe6: {  	_ =	swait.ge [sflag:s16], $0x4000  }
0xe7: {  	[sflag:s16] =	ssyncset.done $0x0  }
0xe8: {  	s9 =	sadd.s32 $0x13F78, s3;
	[sflag:s16] =	ssyncadd.s32 $0xFFFFC000  }
0xe9: {  	[tilespmem:s21], [sflag:$0x1] =	stream.indirect.gather [hbm4b:s0+s20], $0x80, s9, s20, $0xb8;
	[tilespmem:$0x1E6F8] =	vst v63  }
0xea: {  	_ =	swait.ge [sflag:s25], $0x4000  }
0xeb: {  	[sflag:s25] =	ssyncset.done $0x0  }
0xec: {  	[sflag:s25] =	ssyncadd.s32 $0xFFFFC000  }
0xed: {  	[spmem:s2] =	stream.indirect.scatter.add.f32 [tilespmem:s23], [sflag:$0x4], $0x80, s5, s20, $0xb8;
	[tilespmem:$0x1E6F8] =	vst v63  }
0xee: {  	_ =	swait.ge [sflag:s16], $0x4000  }
0xef: {  	[sflag:s16] =	ssyncset.done $0x0  }
0xf0: {  	[sflag:s16] =	ssyncadd.s32 $0xFFFFC000  }
0xf1: {  	_ =	swait.ge [sflag:s26], $0x80  }
0xf2: {  	[sflag:s26] =	ssyncset.done $0x0  }
0xf3: {  	[sflag:s26] =	ssyncadd.s32 $0xFFFFFF80  }
0xf4: {  	_ =	swait.ge [sflag:s26], $0x80  }
0xf5: {  	[sflag:s26] =	ssyncset.done $0x0  }
0xf6: {  	[sflag:s26] =	ssyncadd.s32 $0xFFFFFF80  }
0xf7: {  	[spmem:s4] =	stream.indirect.scatter.add.f32 [tilespmem:s22], [sflag:$0x3], $0x1, s28, s20, $0xb8;
	[tilespmem:$0x1E6F8] =	vst v63  }
0xf8: {  	_ = 	snop  }
0xf9: {  	[spmem:s4] =	stream.indirect.scatter.add.f32 [tilespmem:s22], [sflag:$0x3], $0x1, s29, s20, $0xb8;
	[tilespmem:$0x1E6F8] =	vst v63  }
0xfa: {  	_ = 	snop  }
0xfb: {  	[tilespmem:s23], [sflag:$0x2] =	stream.indirect.gather [hbm4b:s0+s20], $0x80, s30, s20, $0xb8;
	[tilespmem:$0x1E6F8] =	vst v63  }
0xfc: {  	_ =	swait.ge [sflag:s24], $0x4000  }
0xfd: {  	[sflag:s24] =	ssyncset.done $0x0  }
0xfe: {  	[sflag:s24] =	ssyncadd.s32 $0xFFFFC000  }
0xff: {  	[spmem:s2] =	stream.indirect.scatter.add.f32 [tilespmem:s21], [sflag:$0x4], $0x80, s28, s20, $0xb8;
	[tilespmem:$0x1E6F8] =	vst v63  }
0x100: {  	_ =	swait.ge [sflag:s16], $0x4000  }
0x101: {  	[sflag:s16] =	ssyncset.done $0x0  }
0x102: {  	[sflag:s16] =	ssyncadd.s32 $0xFFFFC000  }
0x103: {  	_ =	swait.ge [sflag:s25], $0x4000  }
0x104: {  	[sflag:s25] =	ssyncset.done $0x0  }
0x105: {  	[sflag:s25] =	ssyncadd.s32 $0xFFFFC000  }
0x106: {  	[spmem:s2] =	stream.indirect.scatter.add.f32 [tilespmem:s23], [sflag:$0x4], $0x80, s29, s20, $0xb8;
	[tilespmem:$0x1E6F8] =	vst v63  }
0x107: {  	_ =	swait.ge [sflag:s16], $0x4000  }
0x108: {  	[sflag:s16] =	ssyncset.done $0x0  }
0x109: {  	[sflag:s16] =	ssyncadd.s32 $0xFFFFC000  }
0x10a: {  	_ =	swait.ge [sflag:s26], $0x80  }
0x10b: {  	[sflag:s26] =	ssyncset.done $0x0  }
0x10c: {  	[sflag:s26] =	ssyncadd.s32 $0xFFFFFF80  }
0x10d: {  	_ =	swait.ge [sflag:s26], $0x80  }
0x10e: {  	[sflag:s26] =	ssyncset.done $0x0  }
0x10f: {  	[sflag:s26] =	ssyncadd.s32 $0xFFFFFF80  }
0x110: {  	[bflag:$0x0] =	sbarrier.arrive $0xFFFF  }
0x111: {  	[hbm:s12], [sflag:s7] =	dma.local [spmem:s15], $0x2780  }
0x112: {  	_ =	swait.ge [sflag:s16], $0x2780  }
0x113: {  	s31 =	sadd.s32 $0x1, s31;
	[sflag:s16] =	ssyncset.done $0x0  }
0x114: {  	p2 =	sne.s32 s31, s14;
	s1 =	sshrl.u32 @!p1 s4, $0x3;
	[sflag:s16] =	ssyncadd.s32 $0xFFFFD880  }
0x115: {  	[hbm:s13], [sflag:s7] =	dma.local @!p1 [spmem:s1], $0x4F0  }
.Ltmp2:
0x116: {  	_ = 	snop;
	(pc) =	sbr.rel @p2 .LBB2_1-.Ltmp2, $4  }
0x117: {  	s1 =	simm.s32 @!p1 $0x4  }
0x118: {  	_ =	swait.ge @!p1 [sflag:s1], $0x4F0  }
0x119: {  	[sflag:s1] =	ssyncset.done @!p1 $0x0  }
0x11a: {  	[sflag:s1] =	ssyncadd.s32 @!p1 $0xFFFFFB10  }
0x11b: {  	_ =	sfence.sel $0x180000  }
0x11c: {  	[bflag:$0x0] =	sbarrier.arrive $0xFFFF  }
0x11d: {  	_ =	strace $0x90000047  }
0x11e: {  	[bflag:$0x2] =	sbarrier.arrive $0xFFFF  }
0x11f: {  	s0 =	rddreg [dreg:$0x5]  }
0x120: {  	s0 =	sadd.s32 @!p0 $0x100000, s0  }
0x121: {  	[sflag:s0] =	ssyncadd.tile.s32 @!p0 $0x1;
	_ =	shalt  }
.Lfunc_end2:
_tile_overlayer_lowered:
.L_overlay_start_2:
0x122: {  	(tag) =	ssettag $0x2  }
0x123: {  	s0 =	rddreg [dreg:$0x0];
	s2 =	stileid.u32  }
0x124: {  	s1 =	rddreg [dreg:$0x1];
	p0 =	sne.s32 s2, $0x0  }
0x125: {  	s3 =	rddreg [dreg:$0x2];
	[bflag:$0x3] =	sbarrier.arrive $0xFFFF;
	s2 =	simm.s32 @!p0 $0x1C04  }
0x126: {  	[timem:s3], [sflag:s2] =	dma.local @!p0 [hbm:s0], s1  }
0x127: {  	s0 =	simm.s32 @!p0 $0x4  }
0x128: {  	_ =	swait.ge @!p0 [sflag:s0], s1  }
0x129: {  	s1 =	ssub.s32 @!p0 $0x0, s1;
	[sflag:s0] =	ssyncset.done @!p0 $0x0  }
0x12a: {  	[sflag:s0] =	ssyncadd.s32 @!p0 s1  }
0x12b: {  	[bflag:$0x3] =	sbarrier.arrive $0xFFFF  }
0x12c: {  	_ =	shalt  }

</sc_bundles>
